<compile_context>
chip_gen: v7x
topology: tpu7x:2x2x1
jax: 0.10.2.dev20260603
libtpu: 0.0.44.dev20260713+nightly
codegen_flags: <defaults>
</compile_context>

<pallas_src>
import jax
import jax.numpy as jnp
from jax import lax
from jax.experimental import pallas as pl
from jax.experimental.pallas import tpu as pltpu
from jax.experimental.pallas import tpu_sc as plsc

N = 1000
NP = 1024
NPA = 1040
NCH = NP // 16
G = 50
GP = 80
GSTRIDE = 64
GT2P = G * GSTRIDE + 16
RECP = 80

NMS_THR = 0.5
EPS = 1e-6
LN2 = 0.6931471805599453
NEG_INF = float("-inf")


def _vlog(x):
    bits = lax.bitcast_convert_type(x, jnp.int32)
    e = jnp.right_shift(bits, 23) & 0xFF
    ef = (e - 127).astype(jnp.float32)
    m = lax.bitcast_convert_type((bits & 0x007FFFFF) | 0x3F800000, jnp.float32)
    r = (m - 1.0) / (m + 1.0)
    r2 = r * r
    p = r2 * (2.0 / 7.0) + (2.0 / 5.0)
    p = p * r2 + (2.0 / 3.0)
    p = p * r2 + 2.0
    return ef * LN2 + r * p


def _bfly_sum(v, iota):
    for d in (1, 2, 4, 8):
        v = v + v[iota ^ d]
    return v


def _bfly_max(v, iota):
    for d in (1, 2, 4, 8):
        v = jnp.maximum(v, v[iota ^ d])
    return v


def _bfly_max_argmax(bm, bidx, iota):
    bmax = _bfly_max(bm, iota)
    sel = jnp.where(bm == bmax, bidx, -1)
    imax = _bfly_max(sel, iota)
    return bmax, imax


def _iou16(ax1, ay1, ax2, ay2, aarea, bx1, by1, bx2, by2, barea):
    ltx = jnp.maximum(ax1, bx1)
    lty = jnp.maximum(ay1, by1)
    rbx = jnp.minimum(ax2, bx2)
    rby = jnp.minimum(ay2, by2)
    w = jnp.maximum(rbx - ltx, 0.0)
    h = jnp.maximum(rby - lty, 0.0)
    inter = w * h
    union = jnp.maximum(aarea + barea - inter, EPS)
    return inter / union


def _nms_body(pt_h, g_h, gt_h, out_h,
              vx1, vy1, vx2, vy2, vsc, vg, varea, vact, vglane, vgtsel,
              vnsc, vgx1, vgy1, vgx2, vgy2, vgarea, vgt, vrec, vout, vtmp,
              vshl, vloc, vbc, shp, shb, sti, stf, sem):
    cid = lax.axis_index("c")
    sid = lax.axis_index("s")

    @pl.when(cid == 0)
    def _():
        w = sid
        iota = lax.iota(jnp.int32, 16)
        lane0 = iota == 0

        copies = [pltpu.async_copy(s, d, sem) for s, d in (
            (pt_h.at[pl.ds(0, NPA)], vx1),
            (pt_h.at[pl.ds(NPA, NPA)], vy1),
            (pt_h.at[pl.ds(2 * NPA, NPA)], vx2),
            (pt_h.at[pl.ds(3 * NPA, NPA)], vy2),
            (pt_h.at[pl.ds(4 * NPA, NPA)], vsc), (g_h, vg),
            (gt_h.at[pl.ds(0, GP)], vgx1),
            (gt_h.at[pl.ds(GP, GP)], vgy1),
            (gt_h.at[pl.ds(2 * GP, GP)], vgx2),
            (gt_h.at[pl.ds(3 * GP, GP)], vgy2))]
        for c in copies:
            c.wait()

        for c in range(GP // 16):
            sl = pl.ds(c * 16, 16)
            vgarea[sl] = (vgx2[sl] - vgx1[sl]) * (vgy2[sl] - vgy1[sl])
        for c in range(RECP // 16):
            vrec[pl.ds(c * 16, 16)] = jnp.full((16,), -1, jnp.int32)

        def gt_row(r, carry):
            rx1 = jnp.full((16,), vgx1[pl.ds(r, 16)][0], jnp.float32)
            ry1 = jnp.full((16,), vgy1[pl.ds(r, 16)][0], jnp.float32)
            rx2 = jnp.full((16,), vgx2[pl.ds(r, 16)][0], jnp.float32)
            ry2 = jnp.full((16,), vgy2[pl.ds(r, 16)][0], jnp.float32)
            rar = jnp.full((16,), vgarea[pl.ds(r, 16)][0], jnp.float32)
            for c in range(64 // 16):
                sl = pl.ds(c * 16, 16)
                v = _iou16(rx1, ry1, rx2, ry2, rar,
                           vgx1[sl], vgy1[sl], vgx2[sl], vgy2[sl],
                           vgarea[sl])
                vgt[pl.ds(r * GSTRIDE + c * 16, 16)] = v
            return carry

        lax.fori_loop(0, G, gt_row, 0)

        def init_body(c, carry):
            bm, bidx, cnt = carry
            sl = pl.ds(c * 16, 16)
            area = (vx2[sl] - vx1[sl]) * (vy2[sl] - vy1[sl])
            varea[sl] = area
            cg = vg[sl]
            cgc = jnp.maximum(cg, 0)
            vglane[sl] = cgc & 15
            vgtsel[sl] = jnp.right_shift(cgc, 4)
            vnsc[sl] = -vsc[sl]
            act = cg >= 0
            vact[sl] = jnp.where(act, 1, 0).astype(jnp.int32)
            masked = jnp.where(act, vsc[sl], NEG_INF)
            idxv = c * 16 + iota
            upd = masked >= bm
            bm = jnp.where(upd, masked, bm)
            bidx = jnp.where(upd, idxv, bidx)
            cnt = cnt + jnp.where(act, 1, 0).astype(jnp.int32)
            return bm, bidx, cnt

        bm0 = jnp.full((16,), NEG_INF, jnp.float32)
        bi0 = jnp.full((16,), -1, jnp.int32)
        cv0 = jnp.zeros((16,), jnp.int32)
        bm, bidx, cntv = lax.fori_loop(0, NCH, init_body, (bm0, bi0, cv0))
        bm, bidx = _bfly_max_argmax(bm, bidx, iota)
        sti[7] = 0
        sti[0] = bidx[0]
        sti[1] = _bfly_sum(cntv, iota)[0]
        sti[2] = 0
        sti[3] = 0
        stf[0] = bm[0]
        stf[1] = 0.0
        stf[2] = 0.0

        def outer(t, carry):
            act_cnt = sti[1]

            @pl.when(act_cnt > 0)
            def _():
                i = sti[0]
                top = stf[0]
                terminal = act_cnt == 1
                lane0_c = iota == 0
                av = vact[pl.ds(i, 16)]
                vact[pl.ds(i, 16)] = jnp.where(lane0_c, 0, av)
                sti[4] = vg[pl.ds(i, 16)][0]
                gi = sti[4]
                bx1s = vx1[pl.ds(i, 16)][0]
                by1s = vy1[pl.ds(i, 16)][0]
                bx2s = vx2[pl.ds(i, 16)][0]
                by2s = vy2[pl.ds(i, 16)][0]
                bars = varea[pl.ds(i, 16)][0]
                bx1 = jnp.full((16,), bx1s, jnp.float32)
                by1 = jnp.full((16,), by1s, jnp.float32)
                bx2 = jnp.full((16,), bx2s, jnp.float32)
                by2 = jnp.full((16,), by2s, jnp.float32)
                bar = jnp.full((16,), bars, jnp.float32)

                @pl.when(w == 15)
                def _():
                    lane0_o = iota == 0
                    rv = vrec[pl.ds(gi, 16)]
                    sti[5] = rv[0]
                    mi = sti[5]
                    newr = jnp.where(mi < 0, i, mi)
                    vrec[pl.ds(gi, 16)] = jnp.where(lane0_o, newr, rv)

                    @pl.when(mi >= 0)
                    def _():
                        mic = sti[5]
                        mx1 = jnp.full((16,), vx1[pl.ds(mic, 16)][0],
                                       jnp.float32)
                        my1 = jnp.full((16,), vy1[pl.ds(mic, 16)][0],
                                       jnp.float32)
                        mx2 = jnp.full((16,), vx2[pl.ds(mic, 16)][0],
                                       jnp.float32)
                        my2 = jnp.full((16,), vy2[pl.ds(mic, 16)][0],
                                       jnp.float32)
                        mar = jnp.full((16,), varea[pl.ds(mic, 16)][0],
                                       jnp.float32)
                        iou_mi = _iou16(bx1, by1, bx2, by2, bar,
                                        mx1, my1, mx2, my2, mar)
                        ms = jnp.maximum(iou_mi, EPS)
                        vtmp[...] = -_vlog(ms + (1.0 - NMS_THR)) * top
                        pull = vtmp[...][0]
                        stf[1] = stf[1] + jnp.where(terminal, 0.0, pull)
                        sti[2] = sti[2] + 1

                gb = gi * GSTRIDE
                gr0 = jnp.maximum(vgt[pl.ds(gb, 16)], NMS_THR)
                gr1 = jnp.maximum(vgt[pl.ds(gb + 16, 16)], NMS_THR)
                gr2 = jnp.maximum(vgt[pl.ds(gb + 32, 16)], NMS_THR)
                gr3 = jnp.maximum(vgt[pl.ds(gb + 48, 16)], NMS_THR)

                def sweep(c, carry):
                    sbm, sbidx, scnt, spush, skv = carry
                    gc = w * 4 + c
                    sl = pl.ds(gc * 16, 16)
                    csc = vsc[sl]
                    cg = vg[sl]
                    acti = vact[sl]
                    idxv = gc * 16 + iota
                    row = _iou16(bx1, by1, bx2, by2, bar,
                                 vx1[sl], vy1[sl], vx2[sl], vy2[sl],
                                 varea[sl])
                    resti = acti
                    nacti = resti & jnp.where(row > NMS_THR, 0, 1
                                              ).astype(jnp.int32)
                    vact[sl] = nacti
                    lanei = vglane[sl]
                    tsel = vgtsel[sl]
                    gtv = jnp.where(
                        tsel == 0, gr0[lanei],
                        jnp.where(tsel == 1, gr1[lanei],
                                  jnp.where(tsel == 2, gr2[lanei],
                                            gr3[lanei])))
                    candi = (resti
                             & jnp.where(cg != gi, 1, 0).astype(jnp.int32)
                             & jnp.where(row > gtv, 1, 0).astype(jnp.int32))
                    cand = candi != 0
                    lg = _vlog(1.0 - row)
                    spush = spush + jnp.where(cand, lg * vnsc[sl], 0.0)
                    skv = skv + candi
                    nact = nacti != 0
                    masked = jnp.where(nact, csc, NEG_INF)
                    upd = masked >= sbm
                    sbm = jnp.where(upd, masked, sbm)
                    sbidx = jnp.where(upd, idxv, sbidx)
                    scnt = scnt + nacti
                    return sbm, sbidx, scnt, spush, skv

                z_i = jnp.zeros((16,), jnp.int32)
                z_f = jnp.zeros((16,), jnp.float32)
                sbm, sbidx, scnt, spush, skv = lax.fori_loop(
                    0, 4, sweep,
                    (jnp.full((16,), NEG_INF, jnp.float32),
                     jnp.full((16,), -1, jnp.int32), z_i, z_f, z_i))

                sbm, sbidx = _bfly_max_argmax(sbm, sbidx, iota)
                cpv = _bfly_sum(scnt, iota).astype(jnp.float32)
                spv0 = _bfly_sum(spush, iota)
                kpv = _bfly_sum(skv, iota).astype(jnp.float32)
                mytile = iota == w
                vloc[pl.ds(0, 16)] = jnp.where(mytile, sbm, NEG_INF)
                vloc[pl.ds(16, 16)] = jnp.where(
                    mytile, sbidx.astype(jnp.float32), -1.0)
                vloc[pl.ds(32, 16)] = jnp.where(mytile, cpv, 0.0)
                vloc[pl.ds(48, 16)] = jnp.where(mytile, spv0, 0.0)
                vloc[pl.ds(64, 16)] = jnp.where(mytile, kpv, 0.0)
                pb = sti[7] * 1280
                pltpu.sync_copy(vloc, shp.at[pl.ds(pb + w * 80, 80)])
                plsc.subcore_barrier()

                pltpu.sync_copy(shp.at[pl.ds(pb, 1280)], vshl)
                sti[7] = 1 - sti[7]
                bmv = vshl[pl.ds(0, 16)]
                idv = vshl[pl.ds(16, 16)]
                cnv = vshl[pl.ds(32, 16)]
                spv = vshl[pl.ds(48, 16)]
                skvv = vshl[pl.ds(64, 16)]
                for ww in range(1, 16):
                    o = ww * 80
                    bmv = jnp.maximum(bmv, vshl[pl.ds(o, 16)])
                    idv = jnp.maximum(idv, vshl[pl.ds(o + 16, 16)])
                    cnv = cnv + vshl[pl.ds(o + 32, 16)]
                    spv = spv + vshl[pl.ds(o + 48, 16)]
                    skvv = skvv + vshl[pl.ds(o + 64, 16)]
                bmax, imax = _bfly_max_argmax(bmv, idv, iota)
                cnt_all = _bfly_sum(cnv, iota)
                vtmp[...] = jnp.where(iota == 0, imax,
                                      jnp.where(iota == 1, bmax, cnt_all))
                bcv = vtmp[...]
                sti[0] = bcv[0].astype(jnp.int32)
                stf[0] = bcv[1]
                sti[1] = bcv[2].astype(jnp.int32)

                @pl.when(w == 0)
                def _():
                    k = _bfly_sum(skvv, iota)[0]
                    s = _bfly_sum(spv, iota)[0]
                    add_push = jnp.where(k > 0.5, 1, 0) * jnp.where(
                        terminal, 0, 1)
                    kf = jnp.maximum(k, 1.0)
                    vtmp[...] = jnp.full((16,), s, jnp.float32) / jnp.full(
                        (16,), kf, jnp.float32)
                    stf[2] = stf[2] + jnp.where(
                        add_push != 0, vtmp[...][0], 0.0)
                    sti[3] = sti[3] + k.astype(jnp.int32)

            return carry

        def outer_blk(b, carry):
            @pl.when(sti[1] > 0)
            def _():
                lax.fori_loop(0, 16, outer, 0)
            return carry

        lax.fori_loop(0, NP // 16, outer_blk, 0)

        @pl.when(w == 15)
        def _():
            vtmp[...] = jnp.where(iota == 0, jnp.full((16,), stf[1]),
                                  jnp.full((16,), sti[2].astype(jnp.float32)))
            pltpu.sync_copy(vtmp, shb)

        plsc.subcore_barrier()

        @pl.when(w == 0)
        def _():
            pltpu.sync_copy(shb, vbc)
            pv = vbc[...]
            pull_loss = jnp.full((16,), pv[0], jnp.float32) / jnp.full(
                (16,), pv[1] + EPS, jnp.float32)
            push_loss = jnp.full((16,), stf[2], jnp.float32) / jnp.full(
                (16,), sti[3].astype(jnp.float32) + EPS, jnp.float32)
            res = jnp.where(lane0, push_loss,
                            jnp.where(iota == 1, pull_loss, 0.0))
            vout[...] = res
            pltpu.sync_copy(vout, out_h)


@jax.jit
def _nms_sc(pt, g, gt):
    mesh = plsc.VectorSubcoreMesh(core_axis_name="c", subcore_axis_name="s")
    f = pl.kernel(
        _nms_body,
        out_type=jax.ShapeDtypeStruct((16,), jnp.float32),
        mesh=mesh,
        scratch_types=[
            pltpu.VMEM((NPA,), jnp.float32),
            pltpu.VMEM((NPA,), jnp.float32),
            pltpu.VMEM((NPA,), jnp.float32),
            pltpu.VMEM((NPA,), jnp.float32),
            pltpu.VMEM((NPA,), jnp.float32),
            pltpu.VMEM((NPA,), jnp.int32),
            pltpu.VMEM((NPA,), jnp.float32),
            pltpu.VMEM((NPA,), jnp.int32),
            pltpu.VMEM((NP,), jnp.int32),
            pltpu.VMEM((NP,), jnp.int32),
            pltpu.VMEM((NP,), jnp.float32),
            pltpu.VMEM((GP,), jnp.float32),
            pltpu.VMEM((GP,), jnp.float32),
            pltpu.VMEM((GP,), jnp.float32),
            pltpu.VMEM((GP,), jnp.float32),
            pltpu.VMEM((GP,), jnp.float32),
            pltpu.VMEM((GT2P,), jnp.float32),
            pltpu.VMEM((RECP,), jnp.int32),
            pltpu.VMEM((16,), jnp.float32),
            pltpu.VMEM((16,), jnp.float32),
            pltpu.VMEM((1280,), jnp.float32),
            pltpu.VMEM((80,), jnp.float32),
            pltpu.VMEM((16,), jnp.float32),
            pltpu.VMEM_SHARED((2560,), jnp.float32),
            pltpu.VMEM_SHARED((16,), jnp.float32),
            pltpu.SMEM((8,), jnp.int32),
            pltpu.SMEM((8,), jnp.float32),
            pltpu.SemaphoreType.DMA,
        ],
    )
    return f(pt, g, gt)


def kernel(gt_inds, anchor_gt_inds, gt_bboxes, proposal_list):
    del gt_inds
    pt = jnp.pad(proposal_list.astype(jnp.float32).T,
                 ((0, 0), (0, NPA - N))).reshape(-1)
    g = jnp.pad(anchor_gt_inds.astype(jnp.int32), (0, NPA - N),
                constant_values=-1)
    gt = jnp.pad(gt_bboxes.astype(jnp.float32).T,
                 ((0, 0), (0, GP - G))).reshape(-1)
    out = _nms_sc(pt, g, gt)
    return jnp.stack([out[0], out[1]])

# --- scband reference (transcript-rebuilt; emitter-appended) ---
"""Pipeline reference for scband-final-nmsloss-87136296501791 (READ-ONLY COPY).

The authoritative reference and input builder live on the scoring server;
editing this copy changes nothing except your own understanding.
"""

import jax, jax.numpy as jnp
import numpy as np

NMS_THR = 0.5
EPS = 1e-06
PULL_WEIGHT = 1.0
PUSH_WEIGHT = 1.0


def np_bbox_overlaps(a, b):
    lt = np.maximum(a[:, None, :2], b[None, :, :2])
    rb = np.minimum(a[:, None, 2:], b[None, :, 2:])
    wh = np.clip(rb - lt, 0.0, None)
    inter = wh[..., 0] * wh[..., 1]
    area_a = (a[:, 2] - a[:, 0]) * (a[:, 3] - a[:, 1])
    area_b = (b[:, 2] - b[:, 0]) * (b[:, 3] - b[:, 1])
    return inter / np.clip(area_a[:, None] + area_b[None, :] - inter, 1e-06, None)


def jnp_bbox_overlaps(a, b):
    lt = jnp.maximum(a[:, None, :2], b[None, :, :2])
    rb = jnp.minimum(a[:, None, 2:], b[None, :, 2:])
    wh = jnp.clip(rb - lt, 0.0, None)
    inter = wh[..., 0] * wh[..., 1]
    area_a = (a[:, 2] - a[:, 0]) * (a[:, 3] - a[:, 1])
    area_b = (b[:, 2] - b[:, 0]) * (b[:, 3] - b[:, 1])
    return inter / jnp.clip(area_a[:, None] + area_b[None, :] - inter, 1e-06, None)


def nms_loss_traced(gt_inds, anchor_gt_inds, gt_bboxes, proposals):
    # Traced equivalent of the greedy NMS while-loop: operates on fixed-shape
    # masks over all N proposals instead of a concrete numpy index plan.
    N = proposals.shape[0]
    G = gt_bboxes.shape[0]
    tmp_zero = jnp.mean(proposals) * 0.0 + jnp.sum(gt_inds) * 0.0
    g = anchor_gt_inds
    pos_mask = g >= 0
    boxes = proposals[:, :4]
    scores = proposals[:, 4]
    # push_select=True: rows of the IoU matrix are detached, columns carry grad
    iou = jnp_bbox_overlaps(jax.lax.stop_gradient(boxes), boxes)
    gt_iou = jnp_bbox_overlaps(gt_bboxes, gt_bboxes)
    arange = jnp.arange(N)
    neg_inf = jnp.array(-jnp.inf, scores.dtype)

    def cond_fun(state):
        active, rec, total_pull, total_push, pull_cnt, push_cnt = state
        return jnp.any(active)

    def body_fun(state):
        active, rec, total_pull, total_push, pull_cnt, push_cnt = state
        masked = jnp.where(active, scores, neg_inf)
        top = jnp.max(masked)
        # stable argsort + idx[-1]: among equal max scores pick the largest index
        i = jnp.max(jnp.where(masked == top, arange, -1))
        rest = active & (arange != i)
        gi = g[i]
        max_idx = rec[gi]
        rec = rec.at[gi].set(jnp.where(max_idx < 0, i, max_idx))
        has_pull = max_idx >= 0
        max_s_iou = jnp.clip(iou[max_idx, i], EPS, None)
        pull = jnp.where(has_pull,
                         -jnp.log(1.0 - NMS_THR + max_s_iou) * scores[i],
                         tmp_zero)  # pull_relax=True; use_score=True
        pull_cnt = pull_cnt + jnp.where(has_pull, 1, 0)
        terminal = ~jnp.any(rest)
        row = iou[i]
        overlap = rest & (row > NMS_THR)
        push_cand = overlap & (g != gi) & (row > gt_iou[gi, g])
        k = jnp.sum(push_cand)
        pl = jnp.where(push_cand, -jnp.log(1.0 - row) * scores, 0.0)
        push = jnp.where(k > 0, jnp.sum(pl) / k, tmp_zero)
        push_cnt = push_cnt + k
        # torch code breaks before accumulating the last pull loss
        total_pull = total_pull + jnp.where(terminal, tmp_zero, pull)
        total_push = total_push + jnp.where(terminal, tmp_zero, push)
        active = rest & ~(row > NMS_THR)
        return (active, rec, total_pull, total_push, pull_cnt, push_cnt)

    state0 = (pos_mask, jnp.full((G,), -1, dtype=jnp.int32),
              tmp_zero, tmp_zero, jnp.int32(0), jnp.int32(0))
    _, _, total_pull, total_push, pull_cnt, push_cnt = jax.lax.while_loop(
        cond_fun, body_fun, state0)
    pull_loss = total_pull / (pull_cnt + EPS)
    push_loss = total_push / (push_cnt + EPS)
    # img_num = 1; returns [nms_push_loss, nms_pull_loss]
    return jnp.stack([push_loss * PUSH_WEIGHT, pull_loss * PULL_WEIGHT])


def setup_inputs(seed: int = 0):
    key = jax.random.key(seed)
    N, G = 1000, 50
    ks = jax.random.split(key, 6)
    gcx = jax.random.uniform(ks[0], (G,), minval=100.0, maxval=900.0)
    gcy = jax.random.uniform(ks[1], (G,), minval=100.0, maxval=900.0)
    gwh = jax.random.uniform(ks[2], (G, 2), minval=60.0, maxval=140.0)
    gt_bboxes = jnp.stack([gcx - gwh[:, 0] / 2, gcy - gwh[:, 1] / 2,
                           gcx + gwh[:, 0] / 2, gcy + gwh[:, 1] / 2], axis=1)
    anchor_gt_inds = jax.random.randint(ks[3], (N,), -1, G).astype(jnp.int64) if jax.config.jax_enable_x64 else jax.random.randint(ks[3], (N,), -1, G)
    assigned = jnp.clip(anchor_gt_inds, 0, G - 1)
    base = gt_bboxes[assigned]
    noise = jax.random.normal(ks[4], (N, 4)) * 6.0
    pb = base + noise
    x1 = jnp.minimum(pb[:, 0], pb[:, 2])
    x2 = jnp.maximum(pb[:, 0], pb[:, 2]) + 1.0
    y1 = jnp.minimum(pb[:, 1], pb[:, 3])
    y2 = jnp.maximum(pb[:, 1], pb[:, 3]) + 1.0
    scores = jax.random.uniform(ks[5], (N,), minval=0.05, maxval=1.0)
    proposal_list = jnp.stack([x1, y1, x2, y2, scores], axis=1)
    return {"gt_inds": anchor_gt_inds, "anchor_gt_inds": anchor_gt_inds,
            "gt_bboxes": gt_bboxes, "proposal_list": proposal_list}


def reference(gt_inds, anchor_gt_inds, gt_bboxes, proposal_list):
    # single_nms_loss ignores gt_inds and uses anchor_gt_inds (gt_inds = anchor_gt_inds)
    return nms_loss_traced(gt_inds, anchor_gt_inds, gt_bboxes, proposal_list)

if __name__ == "__main__":
    import jax
    _d = setup_inputs()
    print(jax.jit(kernel)(*tuple(_d.values())))

</pallas_src>

<mosaic_0001>
#map = affine_map<(d0, d1) -> (0)>
module attributes {stable_mosaic.version = 14 : i64} {
  func.func @_nms_body(%arg0: i32, %arg1: i32, %arg2: memref<5200xf32, #tpu.memory_space<hbm>>, %arg3: memref<1040xi32, #tpu.memory_space<hbm>>, %arg4: memref<320xf32, #tpu.memory_space<hbm>>, %arg5: memref<16xf32, #tpu.memory_space<hbm>>, %arg6: memref<1040xf32, #tpu.memory_space<vmem>>, %arg7: memref<1040xf32, #tpu.memory_space<vmem>>, %arg8: memref<1040xf32, #tpu.memory_space<vmem>>, %arg9: memref<1040xf32, #tpu.memory_space<vmem>>, %arg10: memref<1040xf32, #tpu.memory_space<vmem>>, %arg11: memref<1040xi32, #tpu.memory_space<vmem>>, %arg12: memref<1040xf32, #tpu.memory_space<vmem>>, %arg13: memref<1040xi32, #tpu.memory_space<vmem>>, %arg14: memref<1024xi32, #tpu.memory_space<vmem>>, %arg15: memref<1024xi32, #tpu.memory_space<vmem>>, %arg16: memref<1024xf32, #tpu.memory_space<vmem>>, %arg17: memref<80xf32, #tpu.memory_space<vmem>>, %arg18: memref<80xf32, #tpu.memory_space<vmem>>, %arg19: memref<80xf32, #tpu.memory_space<vmem>>, %arg20: memref<80xf32, #tpu.memory_space<vmem>>, %arg21: memref<80xf32, #tpu.memory_space<vmem>>, %arg22: memref<3216xf32, #tpu.memory_space<vmem>>, %arg23: memref<80xi32, #tpu.memory_space<vmem>>, %arg24: memref<16xf32, #tpu.memory_space<vmem>>, %arg25: memref<16xf32, #tpu.memory_space<vmem>>, %arg26: memref<1280xf32, #tpu.memory_space<vmem>>, %arg27: memref<80xf32, #tpu.memory_space<vmem>>, %arg28: memref<16xf32, #tpu.memory_space<vmem>>, %arg29: memref<2560xf32, #tpu.memory_space<vmem_shared>>, %arg30: memref<16xf32, #tpu.memory_space<vmem_shared>>, %arg31: memref<8xi32, #tpu.memory_space<smem>>, %arg32: memref<8xf32, #tpu.memory_space<smem>>, %arg33: memref<!tpu.dma_semaphore, #tpu.memory_space<semaphore_mem>>) attributes {dimension_semantics = [#tpu.dimension_semantics<core_parallel>, #tpu.dimension_semantics<subcore_parallel>], iteration_bounds = array<i64: 2, 16>, scalar_prefetch = 0 : i64, scratch_operands = 28 : i64, tpu.core_type = #tpu.core_type<sc_vector_subcore>, window_params = [{transform_indices = #map}, {transform_indices = #map}, {transform_indices = #map}, {transform_indices = #map}]} {
    %eq3A = arith.constant 0 : i32
    %eq3A_0 = arith.cmpi eq, %arg0, %eq3A : i32
    %convert_element_type3A = arith.extui %eq3A_0 : i1 to i32
    %cond3A = arith.constant 0 : i32
    %cond3A_1 = arith.cmpi ne, %convert_element_type3A, %cond3A : i32
    scf.if %cond3A_1 {
      %iota3A = tpu.iota {dimensions = array<i32: 0>} : vector<16xi32>
      %eq3A_2 = arith.constant 0 : i32
      %eq3A_3 = vector.broadcast %eq3A_2 : i32 to vector<16xi32>
      %eq3A_4 = arith.cmpi eq, %iota3A, %eq3A_3 : vector<16xi32>
      %dma_start3A = arith.constant 0 : i32
      %dma_start3A_5 = tpu.memref_slice %arg2[%dma_start3A] : memref<5200xf32, #tpu.memory_space<hbm>> -> memref<1040xf32, #tpu.memory_space<hbm>>
      %dma_start3A_6 = arith.constant 0 : i32
      %dma_start3A_7 = tpu.memref_slice %arg2[%dma_start3A_6] : memref<5200xf32, #tpu.memory_space<hbm>> -> memref<1040xf32, #tpu.memory_space<hbm>>
      tpu.enqueue_dma source(%dma_start3A_7 : memref<1040xf32, #tpu.memory_space<hbm>>) target(%arg6 : memref<1040xf32, #tpu.memory_space<vmem>>) target_semaphore(%arg33 : memref<!tpu.dma_semaphore, #tpu.memory_space<semaphore_mem>>)
      %dma_start3A_8 = arith.constant 1040 : i32
      %dma_start3A_9 = tpu.memref_slice %arg2[%dma_start3A_8] : memref<5200xf32, #tpu.memory_space<hbm>> -> memref<1040xf32, #tpu.memory_space<hbm>>
      %dma_start3A_10 = arith.constant 1040 : i32
      %dma_start3A_11 = tpu.memref_slice %arg2[%dma_start3A_10] : memref<5200xf32, #tpu.memory_space<hbm>> -> memref<1040xf32, #tpu.memory_space<hbm>>
      tpu.enqueue_dma source(%dma_start3A_11 : memref<1040xf32, #tpu.memory_space<hbm>>) target(%arg7 : memref<1040xf32, #tpu.memory_space<vmem>>) target_semaphore(%arg33 : memref<!tpu.dma_semaphore, #tpu.memory_space<semaphore_mem>>)
      %dma_start3A_12 = arith.constant 2080 : i32
      %dma_start3A_13 = tpu.memref_slice %arg2[%dma_start3A_12] : memref<5200xf32, #tpu.memory_space<hbm>> -> memref<1040xf32, #tpu.memory_space<hbm>>
      %dma_start3A_14 = arith.constant 2080 : i32
      %dma_start3A_15 = tpu.memref_slice %arg2[%dma_start3A_14] : memref<5200xf32, #tpu.memory_space<hbm>> -> memref<1040xf32, #tpu.memory_space<hbm>>
      tpu.enqueue_dma source(%dma_start3A_15 : memref<1040xf32, #tpu.memory_space<hbm>>) target(%arg8 : memref<1040xf32, #tpu.memory_space<vmem>>) target_semaphore(%arg33 : memref<!tpu.dma_semaphore, #tpu.memory_space<semaphore_mem>>)
      %dma_start3A_16 = arith.constant 3120 : i32
      %dma_start3A_17 = tpu.memref_slice %arg2[%dma_start3A_16] : memref<5200xf32, #tpu.memory_space<hbm>> -> memref<1040xf32, #tpu.memory_space<hbm>>
      %dma_start3A_18 = arith.constant 3120 : i32
      %dma_start3A_19 = tpu.memref_slice %arg2[%dma_start3A_18] : memref<5200xf32, #tpu.memory_space<hbm>> -> memref<1040xf32, #tpu.memory_space<hbm>>
      tpu.enqueue_dma source(%dma_start3A_19 : memref<1040xf32, #tpu.memory_space<hbm>>) target(%arg9 : memref<1040xf32, #tpu.memory_space<vmem>>) target_semaphore(%arg33 : memref<!tpu.dma_semaphore, #tpu.memory_space<semaphore_mem>>)
      %dma_start3A_20 = arith.constant 4160 : i32
      %dma_start3A_21 = tpu.memref_slice %arg2[%dma_start3A_20] : memref<5200xf32, #tpu.memory_space<hbm>> -> memref<1040xf32, #tpu.memory_space<hbm>>
      %dma_start3A_22 = arith.constant 4160 : i32
      %dma_start3A_23 = tpu.memref_slice %arg2[%dma_start3A_22] : memref<5200xf32, #tpu.memory_space<hbm>> -> memref<1040xf32, #tpu.memory_space<hbm>>
      tpu.enqueue_dma source(%dma_start3A_23 : memref<1040xf32, #tpu.memory_space<hbm>>) target(%arg10 : memref<1040xf32, #tpu.memory_space<vmem>>) target_semaphore(%arg33 : memref<!tpu.dma_semaphore, #tpu.memory_space<semaphore_mem>>)
      tpu.enqueue_dma source(%arg3 : memref<1040xi32, #tpu.memory_space<hbm>>) target(%arg11 : memref<1040xi32, #tpu.memory_space<vmem>>) target_semaphore(%arg33 : memref<!tpu.dma_semaphore, #tpu.memory_space<semaphore_mem>>)
      %dma_start3A_24 = arith.constant 0 : i32
      %dma_start3A_25 = tpu.memref_slice %arg4[%dma_start3A_24] : memref<320xf32, #tpu.memory_space<hbm>> -> memref<80xf32, #tpu.memory_space<hbm>>
      %dma_start3A_26 = arith.constant 0 : i32
      %dma_start3A_27 = tpu.memref_slice %arg4[%dma_start3A_26] : memref<320xf32, #tpu.memory_space<hbm>> -> memref<80xf32, #tpu.memory_space<hbm>>
      tpu.enqueue_dma source(%dma_start3A_27 : memref<80xf32, #tpu.memory_space<hbm>>) target(%arg17 : memref<80xf32, #tpu.memory_space<vmem>>) target_semaphore(%arg33 : memref<!tpu.dma_semaphore, #tpu.memory_space<semaphore_mem>>)
      %dma_start3A_28 = arith.constant 80 : i32
      %dma_start3A_29 = tpu.memref_slice %arg4[%dma_start3A_28] : memref<320xf32, #tpu.memory_space<hbm>> -> memref<80xf32, #tpu.memory_space<hbm>>
      %dma_start3A_30 = arith.constant 80 : i32
      %dma_start3A_31 = tpu.memref_slice %arg4[%dma_start3A_30] : memref<320xf32, #tpu.memory_space<hbm>> -> memref<80xf32, #tpu.memory_space<hbm>>
      tpu.enqueue_dma source(%dma_start3A_31 : memref<80xf32, #tpu.memory_space<hbm>>) target(%arg18 : memref<80xf32, #tpu.memory_space<vmem>>) target_semaphore(%arg33 : memref<!tpu.dma_semaphore, #tpu.memory_space<semaphore_mem>>)
      %dma_start3A_32 = arith.constant 160 : i32
      %dma_start3A_33 = tpu.memref_slice %arg4[%dma_start3A_32] : memref<320xf32, #tpu.memory_space<hbm>> -> memref<80xf32, #tpu.memory_space<hbm>>
      %dma_start3A_34 = arith.constant 160 : i32
      %dma_start3A_35 = tpu.memref_slice %arg4[%dma_start3A_34] : memref<320xf32, #tpu.memory_space<hbm>> -> memref<80xf32, #tpu.memory_space<hbm>>
      tpu.enqueue_dma source(%dma_start3A_35 : memref<80xf32, #tpu.memory_space<hbm>>) target(%arg19 : memref<80xf32, #tpu.memory_space<vmem>>) target_semaphore(%arg33 : memref<!tpu.dma_semaphore, #tpu.memory_space<semaphore_mem>>)
      %dma_start3A_36 = arith.constant 240 : i32
      %dma_start3A_37 = tpu.memref_slice %arg4[%dma_start3A_36] : memref<320xf32, #tpu.memory_space<hbm>> -> memref<80xf32, #tpu.memory_space<hbm>>
      %dma_start3A_38 = arith.constant 240 : i32
      %dma_start3A_39 = tpu.memref_slice %arg4[%dma_start3A_38] : memref<320xf32, #tpu.memory_space<hbm>> -> memref<80xf32, #tpu.memory_space<hbm>>
      tpu.enqueue_dma source(%dma_start3A_39 : memref<80xf32, #tpu.memory_space<hbm>>) target(%arg20 : memref<80xf32, #tpu.memory_space<vmem>>) target_semaphore(%arg33 : memref<!tpu.dma_semaphore, #tpu.memory_space<semaphore_mem>>)
      %dma_wait3A = arith.constant 0 : i32
      %dma_wait3A_40 = tpu.memref_slice %arg2[%dma_wait3A] : memref<5200xf32, #tpu.memory_space<hbm>> -> memref<1040xf32, #tpu.memory_space<hbm>>
      %dma_wait3A_41 = arith.constant 0 : i32
      %dma_wait3A_42 = tpu.memref_slice %arg2[%dma_wait3A_41] : memref<5200xf32, #tpu.memory_space<hbm>> -> memref<1040xf32, #tpu.memory_space<hbm>>
      tpu.wait_dma2 semaphore(%arg33 : memref<!tpu.dma_semaphore, #tpu.memory_space<semaphore_mem>>) src(%dma_wait3A_42 : memref<1040xf32, #tpu.memory_space<hbm>>) dst(%arg6 : memref<1040xf32, #tpu.memory_space<vmem>>)
      %dma_wait3A_43 = arith.constant 1040 : i32
      %dma_wait3A_44 = tpu.memref_slice %arg2[%dma_wait3A_43] : memref<5200xf32, #tpu.memory_space<hbm>> -> memref<1040xf32, #tpu.memory_space<hbm>>
      %dma_wait3A_45 = arith.constant 1040 : i32
      %dma_wait3A_46 = tpu.memref_slice %arg2[%dma_wait3A_45] : memref<5200xf32, #tpu.memory_space<hbm>> -> memref<1040xf32, #tpu.memory_space<hbm>>
      tpu.wait_dma2 semaphore(%arg33 : memref<!tpu.dma_semaphore, #tpu.memory_space<semaphore_mem>>) src(%dma_wait3A_46 : memref<1040xf32, #tpu.memory_space<hbm>>) dst(%arg7 : memref<1040xf32, #tpu.memory_space<vmem>>)
      %dma_wait3A_47 = arith.constant 2080 : i32
      %dma_wait3A_48 = tpu.memref_slice %arg2[%dma_wait3A_47] : memref<5200xf32, #tpu.memory_space<hbm>> -> memref<1040xf32, #tpu.memory_space<hbm>>
      %dma_wait3A_49 = arith.constant 2080 : i32
      %dma_wait3A_50 = tpu.memref_slice %arg2[%dma_wait3A_49] : memref<5200xf32, #tpu.memory_space<hbm>> -> memref<1040xf32, #tpu.memory_space<hbm>>
      tpu.wait_dma2 semaphore(%arg33 : memref<!tpu.dma_semaphore, #tpu.memory_space<semaphore_mem>>) src(%dma_wait3A_50 : memref<1040xf32, #tpu.memory_space<hbm>>) dst(%arg8 : memref<1040xf32, #tpu.memory_space<vmem>>)
      %dma_wait3A_51 = arith.constant 3120 : i32
      %dma_wait3A_52 = tpu.memref_slice %arg2[%dma_wait3A_51] : memref<5200xf32, #tpu.memory_space<hbm>> -> memref<1040xf32, #tpu.memory_space<hbm>>
      %dma_wait3A_53 = arith.constant 3120 : i32
      %dma_wait3A_54 = tpu.memref_slice %arg2[%dma_wait3A_53] : memref<5200xf32, #tpu.memory_space<hbm>> -> memref<1040xf32, #tpu.memory_space<hbm>>
      tpu.wait_dma2 semaphore(%arg33 : memref<!tpu.dma_semaphore, #tpu.memory_space<semaphore_mem>>) src(%dma_wait3A_54 : memref<1040xf32, #tpu.memory_space<hbm>>) dst(%arg9 : memref<1040xf32, #tpu.memory_space<vmem>>)
      %dma_wait3A_55 = arith.constant 4160 : i32
      %dma_wait3A_56 = tpu.memref_slice %arg2[%dma_wait3A_55] : memref<5200xf32, #tpu.memory_space<hbm>> -> memref<1040xf32, #tpu.memory_space<hbm>>
      %dma_wait3A_57 = arith.constant 4160 : i32
      %dma_wait3A_58 = tpu.memref_slice %arg2[%dma_wait3A_57] : memref<5200xf32, #tpu.memory_space<hbm>> -> memref<1040xf32, #tpu.memory_space<hbm>>
      tpu.wait_dma2 semaphore(%arg33 : memref<!tpu.dma_semaphore, #tpu.memory_space<semaphore_mem>>) src(%dma_wait3A_58 : memref<1040xf32, #tpu.memory_space<hbm>>) dst(%arg10 : memref<1040xf32, #tpu.memory_space<vmem>>)
      tpu.wait_dma2 semaphore(%arg33 : memref<!tpu.dma_semaphore, #tpu.memory_space<semaphore_mem>>) src(%arg3 : memref<1040xi32, #tpu.memory_space<hbm>>) dst(%arg11 : memref<1040xi32, #tpu.memory_space<vmem>>)
      %dma_wait3A_59 = arith.constant 0 : i32
      %dma_wait3A_60 = tpu.memref_slice %arg4[%dma_wait3A_59] : memref<320xf32, #tpu.memory_space<hbm>> -> memref<80xf32, #tpu.memory_space<hbm>>
      %dma_wait3A_61 = arith.constant 0 : i32
      %dma_wait3A_62 = tpu.memref_slice %arg4[%dma_wait3A_61] : memref<320xf32, #tpu.memory_space<hbm>> -> memref<80xf32, #tpu.memory_space<hbm>>
      tpu.wait_dma2 semaphore(%arg33 : memref<!tpu.dma_semaphore, #tpu.memory_space<semaphore_mem>>) src(%dma_wait3A_62 : memref<80xf32, #tpu.memory_space<hbm>>) dst(%arg17 : memref<80xf32, #tpu.memory_space<vmem>>)
      %dma_wait3A_63 = arith.constant 80 : i32
      %dma_wait3A_64 = tpu.memref_slice %arg4[%dma_wait3A_63] : memref<320xf32, #tpu.memory_space<hbm>> -> memref<80xf32, #tpu.memory_space<hbm>>
      %dma_wait3A_65 = arith.constant 80 : i32
      %dma_wait3A_66 = tpu.memref_slice %arg4[%dma_wait3A_65] : memref<320xf32, #tpu.memory_space<hbm>> -> memref<80xf32, #tpu.memory_space<hbm>>
      tpu.wait_dma2 semaphore(%arg33 : memref<!tpu.dma_semaphore, #tpu.memory_space<semaphore_mem>>) src(%dma_wait3A_66 : memref<80xf32, #tpu.memory_space<hbm>>) dst(%arg18 : memref<80xf32, #tpu.memory_space<vmem>>)
      %dma_wait3A_67 = arith.constant 160 : i32
      %dma_wait3A_68 = tpu.memref_slice %arg4[%dma_wait3A_67] : memref<320xf32, #tpu.memory_space<hbm>> -> memref<80xf32, #tpu.memory_space<hbm>>
      %dma_wait3A_69 = arith.constant 160 : i32
      %dma_wait3A_70 = tpu.memref_slice %arg4[%dma_wait3A_69] : memref<320xf32, #tpu.memory_space<hbm>> -> memref<80xf32, #tpu.memory_space<hbm>>
      tpu.wait_dma2 semaphore(%arg33 : memref<!tpu.dma_semaphore, #tpu.memory_space<semaphore_mem>>) src(%dma_wait3A_70 : memref<80xf32, #tpu.memory_space<hbm>>) dst(%arg19 : memref<80xf32, #tpu.memory_space<vmem>>)
      %dma_wait3A_71 = arith.constant 240 : i32
      %dma_wait3A_72 = tpu.memref_slice %arg4[%dma_wait3A_71] : memref<320xf32, #tpu.memory_space<hbm>> -> memref<80xf32, #tpu.memory_space<hbm>>
      %dma_wait3A_73 = arith.constant 240 : i32
      %dma_wait3A_74 = tpu.memref_slice %arg4[%dma_wait3A_73] : memref<320xf32, #tpu.memory_space<hbm>> -> memref<80xf32, #tpu.memory_space<hbm>>
      tpu.wait_dma2 semaphore(%arg33 : memref<!tpu.dma_semaphore, #tpu.memory_space<semaphore_mem>>) src(%dma_wait3A_74 : memref<80xf32, #tpu.memory_space<hbm>>) dst(%arg20 : memref<80xf32, #tpu.memory_space<vmem>>)
      %get3A = arith.constant 0 : index
      %get3A_75 = tpu.vector_load %arg19[%get3A] {strides = array<i32>} : memref<80xf32, #tpu.memory_space<vmem>>, vector<16xf32>,
      %get3A_76 = vector.shape_cast %get3A_75 : vector<16xf32> to vector<16xf32>
      %get3A_77 = arith.constant 0 : index
      %get3A_78 = tpu.vector_load %arg17[%get3A_77] {strides = array<i32>} : memref<80xf32, #tpu.memory_space<vmem>>, vector<16xf32>,
      %get3A_79 = vector.shape_cast %get3A_78 : vector<16xf32> to vector<16xf32>
      %sub3A = arith.subf %get3A_76, %get3A_79 : vector<16xf32>
      %get3A_80 = arith.constant 0 : index
      %get3A_81 = tpu.vector_load %arg20[%get3A_80] {strides = array<i32>} : memref<80xf32, #tpu.memory_space<vmem>>, vector<16xf32>,
      %get3A_82 = vector.shape_cast %get3A_81 : vector<16xf32> to vector<16xf32>
      %get3A_83 = arith.constant 0 : index
      %get3A_84 = tpu.vector_load %arg18[%get3A_83] {strides = array<i32>} : memref<80xf32, #tpu.memory_space<vmem>>, vector<16xf32>,
      %get3A_85 = vector.shape_cast %get3A_84 : vector<16xf32> to vector<16xf32>
      %sub3A_86 = arith.subf %get3A_82, %get3A_85 : vector<16xf32>
      %mul3A = arith.mulf %sub3A, %sub3A_86 : vector<16xf32>
      %swap3A = arith.constant 0 : index
      %swap3A_87 = tpu.vector_load %arg21[%swap3A] {strides = array<i32>} : memref<80xf32, #tpu.memory_space<vmem>>, vector<16xf32>,
      %swap3A_88 = vector.shape_cast %swap3A_87 : vector<16xf32> to vector<16xf32>
      %swap3A_89 = vector.shape_cast %mul3A : vector<16xf32> to vector<16xf32>
      tpu.vector_store %arg21[%swap3A], %swap3A_89 {strides = array<i32>} : memref<80xf32, #tpu.memory_space<vmem>>, vector<16xf32>,
      %get3A_90 = arith.constant 16 : index
      %get3A_91 = tpu.vector_load %arg19[%get3A_90] {strides = array<i32>} : memref<80xf32, #tpu.memory_space<vmem>>, vector<16xf32>,
      %get3A_92 = vector.shape_cast %get3A_91 : vector<16xf32> to vector<16xf32>
      %get3A_93 = arith.constant 16 : index
      %get3A_94 = tpu.vector_load %arg17[%get3A_93] {strides = array<i32>} : memref<80xf32, #tpu.memory_space<vmem>>, vector<16xf32>,
      %get3A_95 = vector.shape_cast %get3A_94 : vector<16xf32> to vector<16xf32>
      %sub3A_96 = arith.subf %get3A_92, %get3A_95 : vector<16xf32>
      %get3A_97 = arith.constant 16 : index
      %get3A_98 = tpu.vector_load %arg20[%get3A_97] {strides = array<i32>} : memref<80xf32, #tpu.memory_space<vmem>>, vector<16xf32>,
      %get3A_99 = vector.shape_cast %get3A_98 : vector<16xf32> to vector<16xf32>
      %get3A_100 = arith.constant 16 : index
      %get3A_101 = tpu.vector_load %arg18[%get3A_100] {strides = array<i32>} : memref<80xf32, #tpu.memory_space<vmem>>, vector<16xf32>,
      %get3A_102 = vector.shape_cast %get3A_101 : vector<16xf32> to vector<16xf32>
      %sub3A_103 = arith.subf %get3A_99, %get3A_102 : vector<16xf32>
      %mul3A_104 = arith.mulf %sub3A_96, %sub3A_103 : vector<16xf32>
      %swap3A_105 = arith.constant 16 : index
      %swap3A_106 = tpu.vector_load %arg21[%swap3A_105] {strides = array<i32>} : memref<80xf32, #tpu.memory_space<vmem>>, vector<16xf32>,
      %swap3A_107 = vector.shape_cast %swap3A_106 : vector<16xf32> to vector<16xf32>
      %swap3A_108 = vector.shape_cast %mul3A_104 : vector<16xf32> to vector<16xf32>
      tpu.vector_store %arg21[%swap3A_105], %swap3A_108 {strides = array<i32>} : memref<80xf32, #tpu.memory_space<vmem>>, vector<16xf32>,
      %get3A_109 = arith.constant 32 : index
      %get3A_110 = tpu.vector_load %arg19[%get3A_109] {strides = array<i32>} : memref<80xf32, #tpu.memory_space<vmem>>, vector<16xf32>,
      %get3A_111 = vector.shape_cast %get3A_110 : vector<16xf32> to vector<16xf32>
      %get3A_112 = arith.constant 32 : index
      %get3A_113 = tpu.vector_load %arg17[%get3A_112] {strides = array<i32>} : memref<80xf32, #tpu.memory_space<vmem>>, vector<16xf32>,
      %get3A_114 = vector.shape_cast %get3A_113 : vector<16xf32> to vector<16xf32>
      %sub3A_115 = arith.subf %get3A_111, %get3A_114 : vector<16xf32>
      %get3A_116 = arith.constant 32 : index
      %get3A_117 = tpu.vector_load %arg20[%get3A_116] {strides = array<i32>} : memref<80xf32, #tpu.memory_space<vmem>>, vector<16xf32>,
      %get3A_118 = vector.shape_cast %get3A_117 : vector<16xf32> to vector<16xf32>
      %get3A_119 = arith.constant 32 : index
      %get3A_120 = tpu.vector_load %arg18[%get3A_119] {strides = array<i32>} : memref<80xf32, #tpu.memory_space<vmem>>, vector<16xf32>,
      %get3A_121 = vector.shape_cast %get3A_120 : vector<16xf32> to vector<16xf32>
      %sub3A_122 = arith.subf %get3A_118, %get3A_121 : vector<16xf32>
      %mul3A_123 = arith.mulf %sub3A_115, %sub3A_122 : vector<16xf32>
      %swap3A_124 = arith.constant 32 : index
      %swap3A_125 = tpu.vector_load %arg21[%swap3A_124] {strides = array<i32>} : memref<80xf32, #tpu.memory_space<vmem>>, vector<16xf32>,
      %swap3A_126 = vector.shape_cast %swap3A_125 : vector<16xf32> to vector<16xf32>
      %swap3A_127 = vector.shape_cast %mul3A_123 : vector<16xf32> to vector<16xf32>
      tpu.vector_store %arg21[%swap3A_124], %swap3A_127 {strides = array<i32>} : memref<80xf32, #tpu.memory_space<vmem>>, vector<16xf32>,
      %get3A_128 = arith.constant 48 : index
      %get3A_129 = tpu.vector_load %arg19[%get3A_128] {strides = array<i32>} : memref<80xf32, #tpu.memory_space<vmem>>, vector<16xf32>,
      %get3A_130 = vector.shape_cast %get3A_129 : vector<16xf32> to vector<16xf32>
      %get3A_131 = arith.constant 48 : index
      %get3A_132 = tpu.vector_load %arg17[%get3A_131] {strides = array<i32>} : memref<80xf32, #tpu.memory_space<vmem>>, vector<16xf32>,
      %get3A_133 = vector.shape_cast %get3A_132 : vector<16xf32> to vector<16xf32>
      %sub3A_134 = arith.subf %get3A_130, %get3A_133 : vector<16xf32>
      %get3A_135 = arith.constant 48 : index
      %get3A_136 = tpu.vector_load %arg20[%get3A_135] {strides = array<i32>} : memref<80xf32, #tpu.memory_space<vmem>>, vector<16xf32>,
      %get3A_137 = vector.shape_cast %get3A_136 : vector<16xf32> to vector<16xf32>
      %get3A_138 = arith.constant 48 : index
      %get3A_139 = tpu.vector_load %arg18[%get3A_138] {strides = array<i32>} : memref<80xf32, #tpu.memory_space<vmem>>, vector<16xf32>,
      %get3A_140 = vector.shape_cast %get3A_139 : vector<16xf32> to vector<16xf32>
      %sub3A_141 = arith.subf %get3A_137, %get3A_140 : vector<16xf32>
      %mul3A_142 = arith.mulf %sub3A_134, %sub3A_141 : vector<16xf32>
      %swap3A_143 = arith.constant 48 : index
      %swap3A_144 = tpu.vector_load %arg21[%swap3A_143] {strides = array<i32>} : memref<80xf32, #tpu.memory_space<vmem>>, vector<16xf32>,
      %swap3A_145 = vector.shape_cast %swap3A_144 : vector<16xf32> to vector<16xf32>
      %swap3A_146 = vector.shape_cast %mul3A_142 : vector<16xf32> to vector<16xf32>
      tpu.vector_store %arg21[%swap3A_143], %swap3A_146 {strides = array<i32>} : memref<80xf32, #tpu.memory_space<vmem>>, vector<16xf32>,
      %get3A_147 = arith.constant 64 : index
      %get3A_148 = tpu.vector_load %arg19[%get3A_147] {strides = array<i32>} : memref<80xf32, #tpu.memory_space<vmem>>, vector<16xf32>,
      %get3A_149 = vector.shape_cast %get3A_148 : vector<16xf32> to vector<16xf32>
      %get3A_150 = arith.constant 64 : index
      %get3A_151 = tpu.vector_load %arg17[%get3A_150] {strides = array<i32>} : memref<80xf32, #tpu.memory_space<vmem>>, vector<16xf32>,
      %get3A_152 = vector.shape_cast %get3A_151 : vector<16xf32> to vector<16xf32>
      %sub3A_153 = arith.subf %get3A_149, %get3A_152 : vector<16xf32>
      %get3A_154 = arith.constant 64 : index
      %get3A_155 = tpu.vector_load %arg20[%get3A_154] {strides = array<i32>} : memref<80xf32, #tpu.memory_space<vmem>>, vector<16xf32>,
      %get3A_156 = vector.shape_cast %get3A_155 : vector<16xf32> to vector<16xf32>
      %get3A_157 = arith.constant 64 : index
      %get3A_158 = tpu.vector_load %arg18[%get3A_157] {strides = array<i32>} : memref<80xf32, #tpu.memory_space<vmem>>, vector<16xf32>,
      %get3A_159 = vector.shape_cast %get3A_158 : vector<16xf32> to vector<16xf32>
      %sub3A_160 = arith.subf %get3A_156, %get3A_159 : vector<16xf32>
      %mul3A_161 = arith.mulf %sub3A_153, %sub3A_160 : vector<16xf32>
      %swap3A_162 = arith.constant 64 : index
      %swap3A_163 = tpu.vector_load %arg21[%swap3A_162] {strides = array<i32>} : memref<80xf32, #tpu.memory_space<vmem>>, vector<16xf32>,
      %swap3A_164 = vector.shape_cast %swap3A_163 : vector<16xf32> to vector<16xf32>
      %swap3A_165 = vector.shape_cast %mul3A_161 : vector<16xf32> to vector<16xf32>
      tpu.vector_store %arg21[%swap3A_162], %swap3A_165 {strides = array<i32>} : memref<80xf32, #tpu.memory_space<vmem>>, vector<16xf32>,
      %broadcast_in_dim3A = arith.constant -1 : i32
      %broadcast_in_dim3A_166 = vector.broadcast %broadcast_in_dim3A : i32 to vector<16xi32>
      %swap3A_167 = arith.constant 0 : index
      %swap3A_168 = tpu.vector_load %arg23[%swap3A_167] {strides = array<i32>} : memref<80xi32, #tpu.memory_space<vmem>>, vector<16xi32>,
      %swap3A_169 = vector.shape_cast %swap3A_168 : vector<16xi32> to vector<16xi32>
      %swap3A_170 = vector.shape_cast %broadcast_in_dim3A_166 : vector<16xi32> to vector<16xi32>
      tpu.vector_store %arg23[%swap3A_167], %swap3A_170 {strides = array<i32>} : memref<80xi32, #tpu.memory_space<vmem>>, vector<16xi32>,
      %broadcast_in_dim3A_171 = arith.constant -1 : i32
      %broadcast_in_dim3A_172 = vector.broadcast %broadcast_in_dim3A_171 : i32 to vector<16xi32>
      %swap3A_173 = arith.constant 16 : index
      %swap3A_174 = tpu.vector_load %arg23[%swap3A_173] {strides = array<i32>} : memref<80xi32, #tpu.memory_space<vmem>>, vector<16xi32>,
      %swap3A_175 = vector.shape_cast %swap3A_174 : vector<16xi32> to vector<16xi32>
      %swap3A_176 = vector.shape_cast %broadcast_in_dim3A_172 : vector<16xi32> to vector<16xi32>
      tpu.vector_store %arg23[%swap3A_173], %swap3A_176 {strides = array<i32>} : memref<80xi32, #tpu.memory_space<vmem>>, vector<16xi32>,
      %broadcast_in_dim3A_177 = arith.constant -1 : i32
      %broadcast_in_dim3A_178 = vector.broadcast %broadcast_in_dim3A_177 : i32 to vector<16xi32>
      %swap3A_179 = arith.constant 32 : index
      %swap3A_180 = tpu.vector_load %arg23[%swap3A_179] {strides = array<i32>} : memref<80xi32, #tpu.memory_space<vmem>>, vector<16xi32>,
      %swap3A_181 = vector.shape_cast %swap3A_180 : vector<16xi32> to vector<16xi32>
      %swap3A_182 = vector.shape_cast %broadcast_in_dim3A_178 : vector<16xi32> to vector<16xi32>
      tpu.vector_store %arg23[%swap3A_179], %swap3A_182 {strides = array<i32>} : memref<80xi32, #tpu.memory_space<vmem>>, vector<16xi32>,
      %broadcast_in_dim3A_183 = arith.constant -1 : i32
      %broadcast_in_dim3A_184 = vector.broadcast %broadcast_in_dim3A_183 : i32 to vector<16xi32>
      %swap3A_185 = arith.constant 48 : index
      %swap3A_186 = tpu.vector_load %arg23[%swap3A_185] {strides = array<i32>} : memref<80xi32, #tpu.memory_space<vmem>>, vector<16xi32>,
      %swap3A_187 = vector.shape_cast %swap3A_186 : vector<16xi32> to vector<16xi32>
      %swap3A_188 = vector.shape_cast %broadcast_in_dim3A_184 : vector<16xi32> to vector<16xi32>
      tpu.vector_store %arg23[%swap3A_185], %swap3A_188 {strides = array<i32>} : memref<80xi32, #tpu.memory_space<vmem>>, vector<16xi32>,
      %broadcast_in_dim3A_189 = arith.constant -1 : i32
      %broadcast_in_dim3A_190 = vector.broadcast %broadcast_in_dim3A_189 : i32 to vector<16xi32>
      %swap3A_191 = arith.constant 64 : index
      %swap3A_192 = tpu.vector_load %arg23[%swap3A_191] {strides = array<i32>} : memref<80xi32, #tpu.memory_space<vmem>>, vector<16xi32>,
      %swap3A_193 = vector.shape_cast %swap3A_192 : vector<16xi32> to vector<16xi32>
      %swap3A_194 = vector.shape_cast %broadcast_in_dim3A_190 : vector<16xi32> to vector<16xi32>
      tpu.vector_store %arg23[%swap3A_191], %swap3A_194 {strides = array<i32>} : memref<80xi32, #tpu.memory_space<vmem>>, vector<16xi32>,
      %scan3A = arith.constant 0 : i32
      %scan3A_195 = arith.constant 0 : i32
      %scan3A_196 = arith.constant 50 : i32
      %scan3A_197 = arith.addi %scan3A_195, %scan3A_196 : i32
      %scan3A_198 = arith.constant 1 : i32
      scf.for %scan3A_426 = %scan3A_195 to %scan3A_197 step %scan3A_198  : i32 {
        %get3A_427 = arith.index_cast %scan3A_426 : i32 to index
        %get3A_428 = tpu.vector_load %arg17[%get3A_427] {strides = array<i32>} : memref<80xf32, #tpu.memory_space<vmem>>, vector<16xf32>,
        %get3A_429 = vector.shape_cast %get3A_428 : vector<16xf32> to vector<16xf32>
        %slice3A_430 = vector.extract_strided_slice %get3A_429 {offsets = [0], sizes = [1], strides = [1]} : vector<16xf32> to vector<1xf32>
        %squeeze3A_431 = vector.extract %slice3A_430[0] : f32 from vector<1xf32>
        %broadcast_in_dim3A_432 = vector.broadcast %squeeze3A_431 : f32 to vector<16xf32>
        %get3A_433 = arith.index_cast %scan3A_426 : i32 to index
        %get3A_434 = tpu.vector_load %arg18[%get3A_433] {strides = array<i32>} : memref<80xf32, #tpu.memory_space<vmem>>, vector<16xf32>,
        %get3A_435 = vector.shape_cast %get3A_434 : vector<16xf32> to vector<16xf32>
        %slice3A_436 = vector.extract_strided_slice %get3A_435 {offsets = [0], sizes = [1], strides = [1]} : vector<16xf32> to vector<1xf32>
        %squeeze3A_437 = vector.extract %slice3A_436[0] : f32 from vector<1xf32>
        %broadcast_in_dim3A_438 = vector.broadcast %squeeze3A_437 : f32 to vector<16xf32>
        %get3A_439 = arith.index_cast %scan3A_426 : i32 to index
        %get3A_440 = tpu.vector_load %arg19[%get3A_439] {strides = array<i32>} : memref<80xf32, #tpu.memory_space<vmem>>, vector<16xf32>,
        %get3A_441 = vector.shape_cast %get3A_440 : vector<16xf32> to vector<16xf32>
        %slice3A_442 = vector.extract_strided_slice %get3A_441 {offsets = [0], sizes = [1], strides = [1]} : vector<16xf32> to vector<1xf32>
        %squeeze3A_443 = vector.extract %slice3A_442[0] : f32 from vector<1xf32>
        %broadcast_in_dim3A_444 = vector.broadcast %squeeze3A_443 : f32 to vector<16xf32>
        %get3A_445 = arith.index_cast %scan3A_426 : i32 to index
        %get3A_446 = tpu.vector_load %arg20[%get3A_445] {strides = array<i32>} : memref<80xf32, #tpu.memory_space<vmem>>, vector<16xf32>,
        %get3A_447 = vector.shape_cast %get3A_446 : vector<16xf32> to vector<16xf32>
        %slice3A_448 = vector.extract_strided_slice %get3A_447 {offsets = [0], sizes = [1], strides = [1]} : vector<16xf32> to vector<1xf32>
        %squeeze3A_449 = vector.extract %slice3A_448[0] : f32 from vector<1xf32>
        %broadcast_in_dim3A_450 = vector.broadcast %squeeze3A_449 : f32 to vector<16xf32>
        %get3A_451 = arith.index_cast %scan3A_426 : i32 to index
        %get3A_452 = tpu.vector_load %arg21[%get3A_451] {strides = array<i32>} : memref<80xf32, #tpu.memory_space<vmem>>, vector<16xf32>,
        %get3A_453 = vector.shape_cast %get3A_452 : vector<16xf32> to vector<16xf32>
        %slice3A_454 = vector.extract_strided_slice %get3A_453 {offsets = [0], sizes = [1], strides = [1]} : vector<16xf32> to vector<1xf32>
        %squeeze3A_455 = vector.extract %slice3A_454[0] : f32 from vector<1xf32>
        %broadcast_in_dim3A_456 = vector.broadcast %squeeze3A_455 : f32 to vector<16xf32>
        %get3A_457 = arith.constant 0 : index
        %get3A_458 = tpu.vector_load %arg17[%get3A_457] {strides = array<i32>} : memref<80xf32, #tpu.memory_space<vmem>>, vector<16xf32>,
        %get3A_459 = vector.shape_cast %get3A_458 : vector<16xf32> to vector<16xf32>
        %get3A_460 = arith.constant 0 : index
        %get3A_461 = tpu.vector_load %arg18[%get3A_460] {strides = array<i32>} : memref<80xf32, #tpu.memory_space<vmem>>, vector<16xf32>,
        %get3A_462 = vector.shape_cast %get3A_461 : vector<16xf32> to vector<16xf32>
        %get3A_463 = arith.constant 0 : index
        %get3A_464 = tpu.vector_load %arg19[%get3A_463] {strides = array<i32>} : memref<80xf32, #tpu.memory_space<vmem>>, vector<16xf32>,
        %get3A_465 = vector.shape_cast %get3A_464 : vector<16xf32> to vector<16xf32>
        %get3A_466 = arith.constant 0 : index
        %get3A_467 = tpu.vector_load %arg20[%get3A_466] {strides = array<i32>} : memref<80xf32, #tpu.memory_space<vmem>>, vector<16xf32>,
        %get3A_468 = vector.shape_cast %get3A_467 : vector<16xf32> to vector<16xf32>
        %get3A_469 = arith.constant 0 : index
        %get3A_470 = tpu.vector_load %arg21[%get3A_469] {strides = array<i32>} : memref<80xf32, #tpu.memory_space<vmem>>, vector<16xf32>,
        %get3A_471 = vector.shape_cast %get3A_470 : vector<16xf32> to vector<16xf32>
        %max3A_472 = arith.maximumf %broadcast_in_dim3A_432, %get3A_459 : vector<16xf32>
        %max3A_473 = arith.maximumf %broadcast_in_dim3A_438, %get3A_462 : vector<16xf32>
        %min3A = arith.minimumf %broadcast_in_dim3A_444, %get3A_465 : vector<16xf32>
        %min3A_474 = arith.minimumf %broadcast_in_dim3A_450, %get3A_468 : vector<16xf32>
        %sub3A_475 = arith.subf %min3A, %max3A_472 : vector<16xf32>
        %max3A_476 = arith.constant 0.000000e+00 : f32
        %max3A_477 = vector.broadcast %max3A_476 : f32 to vector<16xf32>
        %max3A_478 = arith.maximumf %sub3A_475, %max3A_477 : vector<16xf32>
        %sub3A_479 = arith.subf %min3A_474, %max3A_473 : vector<16xf32>
        %max3A_480 = arith.constant 0.000000e+00 : f32
        %max3A_481 = vector.broadcast %max3A_480 : f32 to vector<16xf32>
        %max3A_482 = arith.maximumf %sub3A_479, %max3A_481 : vector<16xf32>
        %mul3A_483 = arith.mulf %max3A_478, %max3A_482 : vector<16xf32>
        %add3A_484 = arith.addf %broadcast_in_dim3A_456, %get3A_471 : vector<16xf32>
        %sub3A_485 = arith.subf %add3A_484, %mul3A_483 : vector<16xf32>
        %max3A_486 = arith.constant 9.99999997E-7 : f32
        %max3A_487 = vector.broadcast %max3A_486 : f32 to vector<16xf32>
        %max3A_488 = arith.maximumf %sub3A_485, %max3A_487 : vector<16xf32>
        %div3A = arith.divf %mul3A_483, %max3A_488 : vector<16xf32>
        %mul3A_489 = arith.constant 64 : i32
        %mul3A_490 = arith.muli %scan3A_426, %mul3A_489 : i32
        %add3A_491 = arith.constant 0 : i32
        %add3A_492 = arith.addi %mul3A_490, %add3A_491 : i32
        %swap3A_493 = arith.index_cast %add3A_492 : i32 to index
        %swap3A_494 = tpu.vector_load %arg22[%swap3A_493] {strides = array<i32>} : memref<3216xf32, #tpu.memory_space<vmem>>, vector<16xf32>,
        %swap3A_495 = vector.shape_cast %swap3A_494 : vector<16xf32> to vector<16xf32>
        %swap3A_496 = vector.shape_cast %div3A : vector<16xf32> to vector<16xf32>
        tpu.vector_store %arg22[%swap3A_493], %swap3A_496 {strides = array<i32>} : memref<3216xf32, #tpu.memory_space<vmem>>, vector<16xf32>,
        %get3A_497 = arith.constant 16 : index
        %get3A_498 = tpu.vector_load %arg17[%get3A_497] {strides = array<i32>} : memref<80xf32, #tpu.memory_space<vmem>>, vector<16xf32>,
        %get3A_499 = vector.shape_cast %get3A_498 : vector<16xf32> to vector<16xf32>
        %get3A_500 = arith.constant 16 : index
        %get3A_501 = tpu.vector_load %arg18[%get3A_500] {strides = array<i32>} : memref<80xf32, #tpu.memory_space<vmem>>, vector<16xf32>,
        %get3A_502 = vector.shape_cast %get3A_501 : vector<16xf32> to vector<16xf32>
        %get3A_503 = arith.constant 16 : index
        %get3A_504 = tpu.vector_load %arg19[%get3A_503] {strides = array<i32>} : memref<80xf32, #tpu.memory_space<vmem>>, vector<16xf32>,
        %get3A_505 = vector.shape_cast %get3A_504 : vector<16xf32> to vector<16xf32>
        %get3A_506 = arith.constant 16 : index
        %get3A_507 = tpu.vector_load %arg20[%get3A_506] {strides = array<i32>} : memref<80xf32, #tpu.memory_space<vmem>>, vector<16xf32>,
        %get3A_508 = vector.shape_cast %get3A_507 : vector<16xf32> to vector<16xf32>
        %get3A_509 = arith.constant 16 : index
        %get3A_510 = tpu.vector_load %arg21[%get3A_509] {strides = array<i32>} : memref<80xf32, #tpu.memory_space<vmem>>, vector<16xf32>,
        %get3A_511 = vector.shape_cast %get3A_510 : vector<16xf32> to vector<16xf32>
        %max3A_512 = arith.maximumf %broadcast_in_dim3A_432, %get3A_499 : vector<16xf32>
        %max3A_513 = arith.maximumf %broadcast_in_dim3A_438, %get3A_502 : vector<16xf32>
        %min3A_514 = arith.minimumf %broadcast_in_dim3A_444, %get3A_505 : vector<16xf32>
        %min3A_515 = arith.minimumf %broadcast_in_dim3A_450, %get3A_508 : vector<16xf32>
        %sub3A_516 = arith.subf %min3A_514, %max3A_512 : vector<16xf32>
        %max3A_517 = arith.constant 0.000000e+00 : f32
        %max3A_518 = vector.broadcast %max3A_517 : f32 to vector<16xf32>
        %max3A_519 = arith.maximumf %sub3A_516, %max3A_518 : vector<16xf32>
        %sub3A_520 = arith.subf %min3A_515, %max3A_513 : vector<16xf32>
        %max3A_521 = arith.constant 0.000000e+00 : f32
        %max3A_522 = vector.broadcast %max3A_521 : f32 to vector<16xf32>
        %max3A_523 = arith.maximumf %sub3A_520, %max3A_522 : vector<16xf32>
        %mul3A_524 = arith.mulf %max3A_519, %max3A_523 : vector<16xf32>
        %add3A_525 = arith.addf %broadcast_in_dim3A_456, %get3A_511 : vector<16xf32>
        %sub3A_526 = arith.subf %add3A_525, %mul3A_524 : vector<16xf32>
        %max3A_527 = arith.constant 9.99999997E-7 : f32
        %max3A_528 = vector.broadcast %max3A_527 : f32 to vector<16xf32>
        %max3A_529 = arith.maximumf %sub3A_526, %max3A_528 : vector<16xf32>
        %div3A_530 = arith.divf %mul3A_524, %max3A_529 : vector<16xf32>
        %mul3A_531 = arith.constant 64 : i32
        %mul3A_532 = arith.muli %scan3A_426, %mul3A_531 : i32
        %add3A_533 = arith.constant 16 : i32
        %add3A_534 = arith.addi %mul3A_532, %add3A_533 : i32
        %swap3A_535 = arith.index_cast %add3A_534 : i32 to index
        %swap3A_536 = tpu.vector_load %arg22[%swap3A_535] {strides = array<i32>} : memref<3216xf32, #tpu.memory_space<vmem>>, vector<16xf32>,
        %swap3A_537 = vector.shape_cast %swap3A_536 : vector<16xf32> to vector<16xf32>
        %swap3A_538 = vector.shape_cast %div3A_530 : vector<16xf32> to vector<16xf32>
        tpu.vector_store %arg22[%swap3A_535], %swap3A_538 {strides = array<i32>} : memref<3216xf32, #tpu.memory_space<vmem>>, vector<16xf32>,
        %get3A_539 = arith.constant 32 : index
        %get3A_540 = tpu.vector_load %arg17[%get3A_539] {strides = array<i32>} : memref<80xf32, #tpu.memory_space<vmem>>, vector<16xf32>,
        %get3A_541 = vector.shape_cast %get3A_540 : vector<16xf32> to vector<16xf32>
        %get3A_542 = arith.constant 32 : index
        %get3A_543 = tpu.vector_load %arg18[%get3A_542] {strides = array<i32>} : memref<80xf32, #tpu.memory_space<vmem>>, vector<16xf32>,
        %get3A_544 = vector.shape_cast %get3A_543 : vector<16xf32> to vector<16xf32>
        %get3A_545 = arith.constant 32 : index
        %get3A_546 = tpu.vector_load %arg19[%get3A_545] {strides = array<i32>} : memref<80xf32, #tpu.memory_space<vmem>>, vector<16xf32>,
        %get3A_547 = vector.shape_cast %get3A_546 : vector<16xf32> to vector<16xf32>
        %get3A_548 = arith.constant 32 : index
        %get3A_549 = tpu.vector_load %arg20[%get3A_548] {strides = array<i32>} : memref<80xf32, #tpu.memory_space<vmem>>, vector<16xf32>,
        %get3A_550 = vector.shape_cast %get3A_549 : vector<16xf32> to vector<16xf32>
        %get3A_551 = arith.constant 32 : index
        %get3A_552 = tpu.vector_load %arg21[%get3A_551] {strides = array<i32>} : memref<80xf32, #tpu.memory_space<vmem>>, vector<16xf32>,
        %get3A_553 = vector.shape_cast %get3A_552 : vector<16xf32> to vector<16xf32>
        %max3A_554 = arith.maximumf %broadcast_in_dim3A_432, %get3A_541 : vector<16xf32>
        %max3A_555 = arith.maximumf %broadcast_in_dim3A_438, %get3A_544 : vector<16xf32>
        %min3A_556 = arith.minimumf %broadcast_in_dim3A_444, %get3A_547 : vector<16xf32>
        %min3A_557 = arith.minimumf %broadcast_in_dim3A_450, %get3A_550 : vector<16xf32>
        %sub3A_558 = arith.subf %min3A_556, %max3A_554 : vector<16xf32>
        %max3A_559 = arith.constant 0.000000e+00 : f32
        %max3A_560 = vector.broadcast %max3A_559 : f32 to vector<16xf32>
        %max3A_561 = arith.maximumf %sub3A_558, %max3A_560 : vector<16xf32>
        %sub3A_562 = arith.subf %min3A_557, %max3A_555 : vector<16xf32>
        %max3A_563 = arith.constant 0.000000e+00 : f32
        %max3A_564 = vector.broadcast %max3A_563 : f32 to vector<16xf32>
        %max3A_565 = arith.maximumf %sub3A_562, %max3A_564 : vector<16xf32>
        %mul3A_566 = arith.mulf %max3A_561, %max3A_565 : vector<16xf32>
        %add3A_567 = arith.addf %broadcast_in_dim3A_456, %get3A_553 : vector<16xf32>
        %sub3A_568 = arith.subf %add3A_567, %mul3A_566 : vector<16xf32>
        %max3A_569 = arith.constant 9.99999997E-7 : f32
        %max3A_570 = vector.broadcast %max3A_569 : f32 to vector<16xf32>
        %max3A_571 = arith.maximumf %sub3A_568, %max3A_570 : vector<16xf32>
        %div3A_572 = arith.divf %mul3A_566, %max3A_571 : vector<16xf32>
        %mul3A_573 = arith.constant 64 : i32
        %mul3A_574 = arith.muli %scan3A_426, %mul3A_573 : i32
        %add3A_575 = arith.constant 32 : i32
        %add3A_576 = arith.addi %mul3A_574, %add3A_575 : i32
        %swap3A_577 = arith.index_cast %add3A_576 : i32 to index
        %swap3A_578 = tpu.vector_load %arg22[%swap3A_577] {strides = array<i32>} : memref<3216xf32, #tpu.memory_space<vmem>>, vector<16xf32>,
        %swap3A_579 = vector.shape_cast %swap3A_578 : vector<16xf32> to vector<16xf32>
        %swap3A_580 = vector.shape_cast %div3A_572 : vector<16xf32> to vector<16xf32>
        tpu.vector_store %arg22[%swap3A_577], %swap3A_580 {strides = array<i32>} : memref<3216xf32, #tpu.memory_space<vmem>>, vector<16xf32>,
        %get3A_581 = arith.constant 48 : index
        %get3A_582 = tpu.vector_load %arg17[%get3A_581] {strides = array<i32>} : memref<80xf32, #tpu.memory_space<vmem>>, vector<16xf32>,
        %get3A_583 = vector.shape_cast %get3A_582 : vector<16xf32> to vector<16xf32>
        %get3A_584 = arith.constant 48 : index
        %get3A_585 = tpu.vector_load %arg18[%get3A_584] {strides = array<i32>} : memref<80xf32, #tpu.memory_space<vmem>>, vector<16xf32>,
        %get3A_586 = vector.shape_cast %get3A_585 : vector<16xf32> to vector<16xf32>
        %get3A_587 = arith.constant 48 : index
        %get3A_588 = tpu.vector_load %arg19[%get3A_587] {strides = array<i32>} : memref<80xf32, #tpu.memory_space<vmem>>, vector<16xf32>,
        %get3A_589 = vector.shape_cast %get3A_588 : vector<16xf32> to vector<16xf32>
        %get3A_590 = arith.constant 48 : index
        %get3A_591 = tpu.vector_load %arg20[%get3A_590] {strides = array<i32>} : memref<80xf32, #tpu.memory_space<vmem>>, vector<16xf32>,
        %get3A_592 = vector.shape_cast %get3A_591 : vector<16xf32> to vector<16xf32>
        %get3A_593 = arith.constant 48 : index
        %get3A_594 = tpu.vector_load %arg21[%get3A_593] {strides = array<i32>} : memref<80xf32, #tpu.memory_space<vmem>>, vector<16xf32>,
        %get3A_595 = vector.shape_cast %get3A_594 : vector<16xf32> to vector<16xf32>
        %max3A_596 = arith.maximumf %broadcast_in_dim3A_432, %get3A_583 : vector<16xf32>
        %max3A_597 = arith.maximumf %broadcast_in_dim3A_438, %get3A_586 : vector<16xf32>
        %min3A_598 = arith.minimumf %broadcast_in_dim3A_444, %get3A_589 : vector<16xf32>
        %min3A_599 = arith.minimumf %broadcast_in_dim3A_450, %get3A_592 : vector<16xf32>
        %sub3A_600 = arith.subf %min3A_598, %max3A_596 : vector<16xf32>
        %max3A_601 = arith.constant 0.000000e+00 : f32
        %max3A_602 = vector.broadcast %max3A_601 : f32 to vector<16xf32>
        %max3A_603 = arith.maximumf %sub3A_600, %max3A_602 : vector<16xf32>
        %sub3A_604 = arith.subf %min3A_599, %max3A_597 : vector<16xf32>
        %max3A_605 = arith.constant 0.000000e+00 : f32
        %max3A_606 = vector.broadcast %max3A_605 : f32 to vector<16xf32>
        %max3A_607 = arith.maximumf %sub3A_604, %max3A_606 : vector<16xf32>
        %mul3A_608 = arith.mulf %max3A_603, %max3A_607 : vector<16xf32>
        %add3A_609 = arith.addf %broadcast_in_dim3A_456, %get3A_595 : vector<16xf32>
        %sub3A_610 = arith.subf %add3A_609, %mul3A_608 : vector<16xf32>
        %max3A_611 = arith.constant 9.99999997E-7 : f32
        %max3A_612 = vector.broadcast %max3A_611 : f32 to vector<16xf32>
        %max3A_613 = arith.maximumf %sub3A_610, %max3A_612 : vector<16xf32>
        %div3A_614 = arith.divf %mul3A_608, %max3A_613 : vector<16xf32>
        %mul3A_615 = arith.constant 64 : i32
        %mul3A_616 = arith.muli %scan3A_426, %mul3A_615 : i32
        %add3A_617 = arith.constant 48 : i32
        %add3A_618 = arith.addi %mul3A_616, %add3A_617 : i32
        %swap3A_619 = arith.index_cast %add3A_618 : i32 to index
        %swap3A_620 = tpu.vector_load %arg22[%swap3A_619] {strides = array<i32>} : memref<3216xf32, #tpu.memory_space<vmem>>, vector<16xf32>,
        %swap3A_621 = vector.shape_cast %swap3A_620 : vector<16xf32> to vector<16xf32>
        %swap3A_622 = vector.shape_cast %div3A_614 : vector<16xf32> to vector<16xf32>
        tpu.vector_store %arg22[%swap3A_619], %swap3A_622 {strides = array<i32>} : memref<3216xf32, #tpu.memory_space<vmem>>, vector<16xf32>,
      }
      %scan3A_199 = arith.constant 50 : i32
      %broadcast_in_dim3A_200 = arith.constant 0xFF800000 : f32
      %broadcast_in_dim3A_201 = vector.broadcast %broadcast_in_dim3A_200 : f32 to vector<16xf32>
      %broadcast_in_dim3A_202 = arith.constant -1 : i32
      %broadcast_in_dim3A_203 = vector.broadcast %broadcast_in_dim3A_202 : i32 to vector<16xi32>
      %broadcast_in_dim3A_204 = arith.constant 0 : i32
      %broadcast_in_dim3A_205 = vector.broadcast %broadcast_in_dim3A_204 : i32 to vector<16xi32>
      %scan3A_206 = arith.constant 0 : i32
      %scan3A_207 = arith.constant 64 : i32
      %scan3A_208 = arith.addi %scan3A_206, %scan3A_207 : i32
      %scan3A_209 = arith.constant 1 : i32
      %scan3A_210:3 = scf.for %scan3A_426 = %scan3A_206 to %scan3A_208 step %scan3A_209 iter_args(%scan3A_427 = %broadcast_in_dim3A_201, %scan3A_428 = %broadcast_in_dim3A_203, %scan3A_429 = %broadcast_in_dim3A_205) -> (vector<16xf32>, vector<16xi32>, vector<16xi32>)  : i32 {
        %mul3A_430 = arith.constant 16 : i32
        %mul3A_431 = arith.muli %scan3A_426, %mul3A_430 : i32
        %get3A_432 = arith.index_cast %mul3A_431 : i32 to index
        %get3A_433 = tpu.vector_load %arg8[%get3A_432] {strides = array<i32>} : memref<1040xf32, #tpu.memory_space<vmem>>, vector<16xf32>,
        %get3A_434 = vector.shape_cast %get3A_433 : vector<16xf32> to vector<16xf32>
        %get3A_435 = arith.index_cast %mul3A_431 : i32 to index
        %get3A_436 = tpu.vector_load %arg6[%get3A_435] {strides = array<i32>} : memref<1040xf32, #tpu.memory_space<vmem>>, vector<16xf32>,
        %get3A_437 = vector.shape_cast %get3A_436 : vector<16xf32> to vector<16xf32>
        %sub3A_438 = arith.subf %get3A_434, %get3A_437 : vector<16xf32>
        %get3A_439 = arith.index_cast %mul3A_431 : i32 to index
        %get3A_440 = tpu.vector_load %arg9[%get3A_439] {strides = array<i32>} : memref<1040xf32, #tpu.memory_space<vmem>>, vector<16xf32>,
        %get3A_441 = vector.shape_cast %get3A_440 : vector<16xf32> to vector<16xf32>
        %get3A_442 = arith.index_cast %mul3A_431 : i32 to index
        %get3A_443 = tpu.vector_load %arg7[%get3A_442] {strides = array<i32>} : memref<1040xf32, #tpu.memory_space<vmem>>, vector<16xf32>,
        %get3A_444 = vector.shape_cast %get3A_443 : vector<16xf32> to vector<16xf32>
        %sub3A_445 = arith.subf %get3A_441, %get3A_444 : vector<16xf32>
        %mul3A_446 = arith.mulf %sub3A_438, %sub3A_445 : vector<16xf32>
        %swap3A_447 = arith.index_cast %mul3A_431 : i32 to index
        %swap3A_448 = tpu.vector_load %arg12[%swap3A_447] {strides = array<i32>} : memref<1040xf32, #tpu.memory_space<vmem>>, vector<16xf32>,
        %swap3A_449 = vector.shape_cast %swap3A_448 : vector<16xf32> to vector<16xf32>
        %swap3A_450 = vector.shape_cast %mul3A_446 : vector<16xf32> to vector<16xf32>
        tpu.vector_store %arg12[%swap3A_447], %swap3A_450 {strides = array<i32>} : memref<1040xf32, #tpu.memory_space<vmem>>, vector<16xf32>,
        %get3A_451 = arith.index_cast %mul3A_431 : i32 to index
        %get3A_452 = tpu.vector_load %arg11[%get3A_451] {strides = array<i32>} : memref<1040xi32, #tpu.memory_space<vmem>>, vector<16xi32>,
        %get3A_453 = vector.shape_cast %get3A_452 : vector<16xi32> to vector<16xi32>
        %max3A_454 = arith.constant 0 : i32
        %max3A_455 = vector.broadcast %max3A_454 : i32 to vector<16xi32>
        %max3A_456 = arith.maxsi %get3A_453, %max3A_455 : vector<16xi32>
        %and3A = arith.constant 15 : i32
        %and3A_457 = vector.broadcast %and3A : i32 to vector<16xi32>
        %and3A_458 = arith.andi %max3A_456, %and3A_457 : vector<16xi32>
        %swap3A_459 = arith.index_cast %mul3A_431 : i32 to index
        %swap3A_460 = tpu.vector_load %arg14[%swap3A_459] {strides = array<i32>} : memref<1024xi32, #tpu.memory_space<vmem>>, vector<16xi32>,
        %swap3A_461 = vector.shape_cast %swap3A_460 : vector<16xi32> to vector<16xi32>
        %swap3A_462 = vector.shape_cast %and3A_458 : vector<16xi32> to vector<16xi32>
        tpu.vector_store %arg14[%swap3A_459], %swap3A_462 {strides = array<i32>} : memref<1024xi32, #tpu.memory_space<vmem>>, vector<16xi32>,
        %shift_right_arithmetic3A = arith.constant 4 : i32
        %shift_right_arithmetic3A_463 = vector.broadcast %shift_right_arithmetic3A : i32 to vector<16xi32>
        %shift_right_arithmetic3A_464 = arith.shrsi %max3A_456, %shift_right_arithmetic3A_463 : vector<16xi32>
        %swap3A_465 = arith.index_cast %mul3A_431 : i32 to index
        %swap3A_466 = tpu.vector_load %arg15[%swap3A_465] {strides = array<i32>} : memref<1024xi32, #tpu.memory_space<vmem>>, vector<16xi32>,
        %swap3A_467 = vector.shape_cast %swap3A_466 : vector<16xi32> to vector<16xi32>
        %swap3A_468 = vector.shape_cast %shift_right_arithmetic3A_464 : vector<16xi32> to vector<16xi32>
        tpu.vector_store %arg15[%swap3A_465], %swap3A_468 {strides = array<i32>} : memref<1024xi32, #tpu.memory_space<vmem>>, vector<16xi32>,
        %get3A_469 = arith.index_cast %mul3A_431 : i32 to index
        %get3A_470 = tpu.vector_load %arg10[%get3A_469] {strides = array<i32>} : memref<1040xf32, #tpu.memory_space<vmem>>, vector<16xf32>,
        %get3A_471 = vector.shape_cast %get3A_470 : vector<16xf32> to vector<16xf32>
        %neg3A = arith.constant 0.000000e+00 : f32
        %neg3A_472 = vector.broadcast %neg3A : f32 to vector<16xf32>
        %neg3A_473 = arith.subf %neg3A_472, %get3A_471 : vector<16xf32>
        %swap3A_474 = arith.index_cast %mul3A_431 : i32 to index
        %swap3A_475 = tpu.vector_load %arg16[%swap3A_474] {strides = array<i32>} : memref<1024xf32, #tpu.memory_space<vmem>>, vector<16xf32>,
        %swap3A_476 = vector.shape_cast %swap3A_475 : vector<16xf32> to vector<16xf32>
        %swap3A_477 = vector.shape_cast %neg3A_473 : vector<16xf32> to vector<16xf32>
        tpu.vector_store %arg16[%swap3A_474], %swap3A_477 {strides = array<i32>} : memref<1024xf32, #tpu.memory_space<vmem>>, vector<16xf32>,
        %ge3A = arith.constant 0 : i32
        %ge3A_478 = vector.broadcast %ge3A : i32 to vector<16xi32>
        %ge3A_479 = arith.cmpi sge, %get3A_453, %ge3A_478 : vector<16xi32>
        %jit3A_480 = arith.constant 1 : i32
        %jit3A_481 = arith.constant 0 : i32
        %broadcast_in_dim3A_482 = vector.broadcast %jit3A_480 : i32 to vector<16xi32>
        %broadcast_in_dim3A_483 = vector.broadcast %jit3A_481 : i32 to vector<16xi32>
        %select_n3A_484 = arith.select %ge3A_479, %broadcast_in_dim3A_482, %broadcast_in_dim3A_483 : vector<16xi1>, vector<16xi32>
        %swap3A_485 = arith.index_cast %mul3A_431 : i32 to index
        %swap3A_486 = tpu.vector_load %arg13[%swap3A_485] {strides = array<i32>} : memref<1040xi32, #tpu.memory_space<vmem>>, vector<16xi32>,
        %swap3A_487 = vector.shape_cast %swap3A_486 : vector<16xi32> to vector<16xi32>
        %swap3A_488 = vector.shape_cast %select_n3A_484 : vector<16xi32> to vector<16xi32>
        tpu.vector_store %arg13[%swap3A_485], %swap3A_488 {strides = array<i32>} : memref<1040xi32, #tpu.memory_space<vmem>>, vector<16xi32>,
        %get3A_489 = arith.index_cast %mul3A_431 : i32 to index
        %get3A_490 = tpu.vector_load %arg10[%get3A_489] {strides = array<i32>} : memref<1040xf32, #tpu.memory_space<vmem>>, vector<16xf32>,
        %get3A_491 = vector.shape_cast %get3A_490 : vector<16xf32> to vector<16xf32>
        %jit3A_492 = arith.constant 0xFF800000 : f32
        %broadcast_in_dim3A_493 = vector.broadcast %jit3A_492 : f32 to vector<16xf32>
        %select_n3A_494 = arith.select %ge3A_479, %get3A_491, %broadcast_in_dim3A_493 : vector<16xi1>, vector<16xf32>
        %mul3A_495 = arith.constant 16 : i32
        %mul3A_496 = arith.muli %scan3A_426, %mul3A_495 : i32
        %add3A_497 = vector.broadcast %mul3A_496 : i32 to vector<16xi32>
        %add3A_498 = arith.addi %add3A_497, %iota3A : vector<16xi32>
        %ge3A_499 = arith.cmpf oge, %select_n3A_494, %scan3A_427 : vector<16xf32>
        %select_n3A_500 = arith.select %ge3A_499, %select_n3A_494, %scan3A_427 : vector<16xi1>, vector<16xf32>
        %select_n3A_501 = arith.select %ge3A_499, %add3A_498, %scan3A_428 : vector<16xi1>, vector<16xi32>
        %jit3A_502 = arith.constant 1 : i32
        %jit3A_503 = arith.constant 0 : i32
        %broadcast_in_dim3A_504 = vector.broadcast %jit3A_502 : i32 to vector<16xi32>
        %broadcast_in_dim3A_505 = vector.broadcast %jit3A_503 : i32 to vector<16xi32>
        %select_n3A_506 = arith.select %ge3A_479, %broadcast_in_dim3A_504, %broadcast_in_dim3A_505 : vector<16xi1>, vector<16xi32>
        %add3A_507 = arith.addi %scan3A_429, %select_n3A_506 : vector<16xi32>
        scf.yield %select_n3A_500, %select_n3A_501, %add3A_507 : vector<16xf32>, vector<16xi32>, vector<16xi32>
      }
      %scan3A_211 = arith.constant 64 : i32
      %xor3A = arith.constant 1 : i32
      %xor3A_212 = vector.broadcast %xor3A : i32 to vector<16xi32>
      %xor3A_213 = arith.xori %iota3A, %xor3A_212 : vector<16xi32>
      %lt3A = arith.constant 0 : i32
      %lt3A_214 = vector.broadcast %lt3A : i32 to vector<16xi32>
      %lt3A_215 = arith.cmpi slt, %xor3A_213, %lt3A_214 : vector<16xi32>
      %add3A = arith.constant 16 : i32
      %add3A_216 = vector.broadcast %add3A : i32 to vector<16xi32>
      %add3A_217 = arith.addi %xor3A_213, %add3A_216 : vector<16xi32>
      %select_n3A = arith.select %lt3A_215, %add3A_217, %xor3A_213 : vector<16xi1>, vector<16xi32>
      %broadcast_in_dim3A_218 = vector.shape_cast %select_n3A : vector<16xi32> to vector<16x1xi32>
      %gather3A = vector.shape_cast %broadcast_in_dim3A_218 : vector<16x1xi32> to vector<16xi32>
      %gather3A_219 = tpu.dynamic_gather %scan3A_210#0[%gather3A] in [0] : vector<16xf32>, vector<16xi32> -> vector<16xf32>
      %max3A = arith.maximumf %scan3A_210#0, %gather3A_219 : vector<16xf32>
      %xor3A_220 = arith.constant 2 : i32
      %xor3A_221 = vector.broadcast %xor3A_220 : i32 to vector<16xi32>
      %xor3A_222 = arith.xori %iota3A, %xor3A_221 : vector<16xi32>
      %lt3A_223 = arith.constant 0 : i32
      %lt3A_224 = vector.broadcast %lt3A_223 : i32 to vector<16xi32>
      %lt3A_225 = arith.cmpi slt, %xor3A_222, %lt3A_224 : vector<16xi32>
      %add3A_226 = arith.constant 16 : i32
      %add3A_227 = vector.broadcast %add3A_226 : i32 to vector<16xi32>
      %add3A_228 = arith.addi %xor3A_222, %add3A_227 : vector<16xi32>
      %select_n3A_229 = arith.select %lt3A_225, %add3A_228, %xor3A_222 : vector<16xi1>, vector<16xi32>
      %broadcast_in_dim3A_230 = vector.shape_cast %select_n3A_229 : vector<16xi32> to vector<16x1xi32>
      %gather3A_231 = vector.shape_cast %broadcast_in_dim3A_230 : vector<16x1xi32> to vector<16xi32>
      %gather3A_232 = tpu.dynamic_gather %max3A[%gather3A_231] in [0] : vector<16xf32>, vector<16xi32> -> vector<16xf32>
      %max3A_233 = arith.maximumf %max3A, %gather3A_232 : vector<16xf32>
      %xor3A_234 = arith.constant 4 : i32
      %xor3A_235 = vector.broadcast %xor3A_234 : i32 to vector<16xi32>
      %xor3A_236 = arith.xori %iota3A, %xor3A_235 : vector<16xi32>
      %lt3A_237 = arith.constant 0 : i32
      %lt3A_238 = vector.broadcast %lt3A_237 : i32 to vector<16xi32>
      %lt3A_239 = arith.cmpi slt, %xor3A_236, %lt3A_238 : vector<16xi32>
      %add3A_240 = arith.constant 16 : i32
      %add3A_241 = vector.broadcast %add3A_240 : i32 to vector<16xi32>
      %add3A_242 = arith.addi %xor3A_236, %add3A_241 : vector<16xi32>
      %select_n3A_243 = arith.select %lt3A_239, %add3A_242, %xor3A_236 : vector<16xi1>, vector<16xi32>
      %broadcast_in_dim3A_244 = vector.shape_cast %select_n3A_243 : vector<16xi32> to vector<16x1xi32>
      %gather3A_245 = vector.shape_cast %broadcast_in_dim3A_244 : vector<16x1xi32> to vector<16xi32>
      %gather3A_246 = tpu.dynamic_gather %max3A_233[%gather3A_245] in [0] : vector<16xf32>, vector<16xi32> -> vector<16xf32>
      %max3A_247 = arith.maximumf %max3A_233, %gather3A_246 : vector<16xf32>
      %xor3A_248 = arith.constant 8 : i32
      %xor3A_249 = vector.broadcast %xor3A_248 : i32 to vector<16xi32>
      %xor3A_250 = arith.xori %iota3A, %xor3A_249 : vector<16xi32>
      %lt3A_251 = arith.constant 0 : i32
      %lt3A_252 = vector.broadcast %lt3A_251 : i32 to vector<16xi32>
      %lt3A_253 = arith.cmpi slt, %xor3A_250, %lt3A_252 : vector<16xi32>
      %add3A_254 = arith.constant 16 : i32
      %add3A_255 = vector.broadcast %add3A_254 : i32 to vector<16xi32>
      %add3A_256 = arith.addi %xor3A_250, %add3A_255 : vector<16xi32>
      %select_n3A_257 = arith.select %lt3A_253, %add3A_256, %xor3A_250 : vector<16xi1>, vector<16xi32>
      %broadcast_in_dim3A_258 = vector.shape_cast %select_n3A_257 : vector<16xi32> to vector<16x1xi32>
      %gather3A_259 = vector.shape_cast %broadcast_in_dim3A_258 : vector<16x1xi32> to vector<16xi32>
      %gather3A_260 = tpu.dynamic_gather %max3A_247[%gather3A_259] in [0] : vector<16xf32>, vector<16xi32> -> vector<16xf32>
      %max3A_261 = arith.maximumf %max3A_247, %gather3A_260 : vector<16xf32>
      %eq3A_262 = arith.cmpf oeq, %scan3A_210#0, %max3A_261 : vector<16xf32>
      %jit3A = arith.constant -1 : i32
      %broadcast_in_dim3A_263 = vector.broadcast %jit3A : i32 to vector<16xi32>
      %select_n3A_264 = arith.select %eq3A_262, %scan3A_210#1, %broadcast_in_dim3A_263 : vector<16xi1>, vector<16xi32>
      %xor3A_265 = arith.constant 1 : i32
      %xor3A_266 = vector.broadcast %xor3A_265 : i32 to vector<16xi32>
      %xor3A_267 = arith.xori %iota3A, %xor3A_266 : vector<16xi32>
      %lt3A_268 = arith.constant 0 : i32
      %lt3A_269 = vector.broadcast %lt3A_268 : i32 to vector<16xi32>
      %lt3A_270 = arith.cmpi slt, %xor3A_267, %lt3A_269 : vector<16xi32>
      %add3A_271 = arith.constant 16 : i32
      %add3A_272 = vector.broadcast %add3A_271 : i32 to vector<16xi32>
      %add3A_273 = arith.addi %xor3A_267, %add3A_272 : vector<16xi32>
      %select_n3A_274 = arith.select %lt3A_270, %add3A_273, %xor3A_267 : vector<16xi1>, vector<16xi32>
      %broadcast_in_dim3A_275 = vector.shape_cast %select_n3A_274 : vector<16xi32> to vector<16x1xi32>
      %gather3A_276 = vector.shape_cast %broadcast_in_dim3A_275 : vector<16x1xi32> to vector<16xi32>
      %gather3A_277 = tpu.dynamic_gather %select_n3A_264[%gather3A_276] in [0] : vector<16xi32>, vector<16xi32> -> vector<16xi32>
      %max3A_278 = arith.maxsi %select_n3A_264, %gather3A_277 : vector<16xi32>
      %xor3A_279 = arith.constant 2 : i32
      %xor3A_280 = vector.broadcast %xor3A_279 : i32 to vector<16xi32>
      %xor3A_281 = arith.xori %iota3A, %xor3A_280 : vector<16xi32>
      %lt3A_282 = arith.constant 0 : i32
      %lt3A_283 = vector.broadcast %lt3A_282 : i32 to vector<16xi32>
      %lt3A_284 = arith.cmpi slt, %xor3A_281, %lt3A_283 : vector<16xi32>
      %add3A_285 = arith.constant 16 : i32
      %add3A_286 = vector.broadcast %add3A_285 : i32 to vector<16xi32>
      %add3A_287 = arith.addi %xor3A_281, %add3A_286 : vector<16xi32>
      %select_n3A_288 = arith.select %lt3A_284, %add3A_287, %xor3A_281 : vector<16xi1>, vector<16xi32>
      %broadcast_in_dim3A_289 = vector.shape_cast %select_n3A_288 : vector<16xi32> to vector<16x1xi32>
      %gather3A_290 = vector.shape_cast %broadcast_in_dim3A_289 : vector<16x1xi32> to vector<16xi32>
      %gather3A_291 = tpu.dynamic_gather %max3A_278[%gather3A_290] in [0] : vector<16xi32>, vector<16xi32> -> vector<16xi32>
      %max3A_292 = arith.maxsi %max3A_278, %gather3A_291 : vector<16xi32>
      %xor3A_293 = arith.constant 4 : i32
      %xor3A_294 = vector.broadcast %xor3A_293 : i32 to vector<16xi32>
      %xor3A_295 = arith.xori %iota3A, %xor3A_294 : vector<16xi32>
      %lt3A_296 = arith.constant 0 : i32
      %lt3A_297 = vector.broadcast %lt3A_296 : i32 to vector<16xi32>
      %lt3A_298 = arith.cmpi slt, %xor3A_295, %lt3A_297 : vector<16xi32>
      %add3A_299 = arith.constant 16 : i32
      %add3A_300 = vector.broadcast %add3A_299 : i32 to vector<16xi32>
      %add3A_301 = arith.addi %xor3A_295, %add3A_300 : vector<16xi32>
      %select_n3A_302 = arith.select %lt3A_298, %add3A_301, %xor3A_295 : vector<16xi1>, vector<16xi32>
      %broadcast_in_dim3A_303 = vector.shape_cast %select_n3A_302 : vector<16xi32> to vector<16x1xi32>
      %gather3A_304 = vector.shape_cast %broadcast_in_dim3A_303 : vector<16x1xi32> to vector<16xi32>
      %gather3A_305 = tpu.dynamic_gather %max3A_292[%gather3A_304] in [0] : vector<16xi32>, vector<16xi32> -> vector<16xi32>
      %max3A_306 = arith.maxsi %max3A_292, %gather3A_305 : vector<16xi32>
      %xor3A_307 = arith.constant 8 : i32
      %xor3A_308 = vector.broadcast %xor3A_307 : i32 to vector<16xi32>
      %xor3A_309 = arith.xori %iota3A, %xor3A_308 : vector<16xi32>
      %lt3A_310 = arith.constant 0 : i32
      %lt3A_311 = vector.broadcast %lt3A_310 : i32 to vector<16xi32>
      %lt3A_312 = arith.cmpi slt, %xor3A_309, %lt3A_311 : vector<16xi32>
      %add3A_313 = arith.constant 16 : i32
      %add3A_314 = vector.broadcast %add3A_313 : i32 to vector<16xi32>
      %add3A_315 = arith.addi %xor3A_309, %add3A_314 : vector<16xi32>
      %select_n3A_316 = arith.select %lt3A_312, %add3A_315, %xor3A_309 : vector<16xi1>, vector<16xi32>
      %broadcast_in_dim3A_317 = vector.shape_cast %select_n3A_316 : vector<16xi32> to vector<16x1xi32>
      %gather3A_318 = vector.shape_cast %broadcast_in_dim3A_317 : vector<16x1xi32> to vector<16xi32>
      %gather3A_319 = tpu.dynamic_gather %max3A_306[%gather3A_318] in [0] : vector<16xi32>, vector<16xi32> -> vector<16xi32>
      %max3A_320 = arith.maxsi %max3A_306, %gather3A_319 : vector<16xi32>
      %swap3A_321 = arith.constant 0 : i32
      %swap3A_322 = arith.constant 7 : i32
      %swap3A_323 = arith.index_cast %swap3A_322 : i32 to index
      %swap3A_324 = memref.load %arg31[%swap3A_323] : memref<8xi32, #tpu.memory_space<smem>>
      memref.store %swap3A_321, %arg31[%swap3A_323] : memref<8xi32, #tpu.memory_space<smem>>
      %slice3A = vector.extract_strided_slice %max3A_320 {offsets = [0], sizes = [1], strides = [1]} : vector<16xi32> to vector<1xi32>
      %squeeze3A = vector.extract %slice3A[0] : i32 from vector<1xi32>
      %swap3A_325 = arith.constant 0 : i32
      %swap3A_326 = arith.index_cast %swap3A_325 : i32 to index
      %swap3A_327 = memref.load %arg31[%swap3A_326] : memref<8xi32, #tpu.memory_space<smem>>
      memref.store %squeeze3A, %arg31[%swap3A_326] : memref<8xi32, #tpu.memory_space<smem>>
      %xor3A_328 = arith.constant 1 : i32
      %xor3A_329 = vector.broadcast %xor3A_328 : i32 to vector<16xi32>
      %xor3A_330 = arith.xori %iota3A, %xor3A_329 : vector<16xi32>
      %lt3A_331 = arith.constant 0 : i32
      %lt3A_332 = vector.broadcast %lt3A_331 : i32 to vector<16xi32>
      %lt3A_333 = arith.cmpi slt, %xor3A_330, %lt3A_332 : vector<16xi32>
      %add3A_334 = arith.constant 16 : i32
      %add3A_335 = vector.broadcast %add3A_334 : i32 to vector<16xi32>
      %add3A_336 = arith.addi %xor3A_330, %add3A_335 : vector<16xi32>
      %select_n3A_337 = arith.select %lt3A_333, %add3A_336, %xor3A_330 : vector<16xi1>, vector<16xi32>
      %broadcast_in_dim3A_338 = vector.shape_cast %select_n3A_337 : vector<16xi32> to vector<16x1xi32>
      %gather3A_339 = vector.shape_cast %broadcast_in_dim3A_338 : vector<16x1xi32> to vector<16xi32>
      %gather3A_340 = tpu.dynamic_gather %scan3A_210#2[%gather3A_339] in [0] : vector<16xi32>, vector<16xi32> -> vector<16xi32>
      %add3A_341 = arith.addi %scan3A_210#2, %gather3A_340 : vector<16xi32>
      %xor3A_342 = arith.constant 2 : i32
      %xor3A_343 = vector.broadcast %xor3A_342 : i32 to vector<16xi32>
      %xor3A_344 = arith.xori %iota3A, %xor3A_343 : vector<16xi32>
      %lt3A_345 = arith.constant 0 : i32
      %lt3A_346 = vector.broadcast %lt3A_345 : i32 to vector<16xi32>
      %lt3A_347 = arith.cmpi slt, %xor3A_344, %lt3A_346 : vector<16xi32>
      %add3A_348 = arith.constant 16 : i32
      %add3A_349 = vector.broadcast %add3A_348 : i32 to vector<16xi32>
      %add3A_350 = arith.addi %xor3A_344, %add3A_349 : vector<16xi32>
      %select_n3A_351 = arith.select %lt3A_347, %add3A_350, %xor3A_344 : vector<16xi1>, vector<16xi32>
      %broadcast_in_dim3A_352 = vector.shape_cast %select_n3A_351 : vector<16xi32> to vector<16x1xi32>
      %gather3A_353 = vector.shape_cast %broadcast_in_dim3A_352 : vector<16x1xi32> to vector<16xi32>
      %gather3A_354 = tpu.dynamic_gather %add3A_341[%gather3A_353] in [0] : vector<16xi32>, vector<16xi32> -> vector<16xi32>
      %add3A_355 = arith.addi %add3A_341, %gather3A_354 : vector<16xi32>
      %xor3A_356 = arith.constant 4 : i32
      %xor3A_357 = vector.broadcast %xor3A_356 : i32 to vector<16xi32>
      %xor3A_358 = arith.xori %iota3A, %xor3A_357 : vector<16xi32>
      %lt3A_359 = arith.constant 0 : i32
      %lt3A_360 = vector.broadcast %lt3A_359 : i32 to vector<16xi32>
      %lt3A_361 = arith.cmpi slt, %xor3A_358, %lt3A_360 : vector<16xi32>
      %add3A_362 = arith.constant 16 : i32
      %add3A_363 = vector.broadcast %add3A_362 : i32 to vector<16xi32>
      %add3A_364 = arith.addi %xor3A_358, %add3A_363 : vector<16xi32>
      %select_n3A_365 = arith.select %lt3A_361, %add3A_364, %xor3A_358 : vector<16xi1>, vector<16xi32>
      %broadcast_in_dim3A_366 = vector.shape_cast %select_n3A_365 : vector<16xi32> to vector<16x1xi32>
      %gather3A_367 = vector.shape_cast %broadcast_in_dim3A_366 : vector<16x1xi32> to vector<16xi32>
      %gather3A_368 = tpu.dynamic_gather %add3A_355[%gather3A_367] in [0] : vector<16xi32>, vector<16xi32> -> vector<16xi32>
      %add3A_369 = arith.addi %add3A_355, %gather3A_368 : vector<16xi32>
      %xor3A_370 = arith.constant 8 : i32
      %xor3A_371 = vector.broadcast %xor3A_370 : i32 to vector<16xi32>
      %xor3A_372 = arith.xori %iota3A, %xor3A_371 : vector<16xi32>
      %lt3A_373 = arith.constant 0 : i32
      %lt3A_374 = vector.broadcast %lt3A_373 : i32 to vector<16xi32>
      %lt3A_375 = arith.cmpi slt, %xor3A_372, %lt3A_374 : vector<16xi32>
      %add3A_376 = arith.constant 16 : i32
      %add3A_377 = vector.broadcast %add3A_376 : i32 to vector<16xi32>
      %add3A_378 = arith.addi %xor3A_372, %add3A_377 : vector<16xi32>
      %select_n3A_379 = arith.select %lt3A_375, %add3A_378, %xor3A_372 : vector<16xi1>, vector<16xi32>
      %broadcast_in_dim3A_380 = vector.shape_cast %select_n3A_379 : vector<16xi32> to vector<16x1xi32>
      %gather3A_381 = vector.shape_cast %broadcast_in_dim3A_380 : vector<16x1xi32> to vector<16xi32>
      %gather3A_382 = tpu.dynamic_gather %add3A_369[%gather3A_381] in [0] : vector<16xi32>, vector<16xi32> -> vector<16xi32>
      %add3A_383 = arith.addi %add3A_369, %gather3A_382 : vector<16xi32>
      %slice3A_384 = vector.extract_strided_slice %add3A_383 {offsets = [0], sizes = [1], strides = [1]} : vector<16xi32> to vector<1xi32>
      %squeeze3A_385 = vector.extract %slice3A_384[0] : i32 from vector<1xi32>
      %swap3A_386 = arith.constant 1 : i32
      %swap3A_387 = arith.index_cast %swap3A_386 : i32 to index
      %swap3A_388 = memref.load %arg31[%swap3A_387] : memref<8xi32, #tpu.memory_space<smem>>
      memref.store %squeeze3A_385, %arg31[%swap3A_387] : memref<8xi32, #tpu.memory_space<smem>>
      %swap3A_389 = arith.constant 0 : i32
      %swap3A_390 = arith.constant 2 : i32
      %swap3A_391 = arith.index_cast %swap3A_390 : i32 to index
      %swap3A_392 = memref.load %arg31[%swap3A_391] : memref<8xi32, #tpu.memory_space<smem>>
      memref.store %swap3A_389, %arg31[%swap3A_391] : memref<8xi32, #tpu.memory_space<smem>>
      %swap3A_393 = arith.constant 0 : i32
      %swap3A_394 = arith.constant 3 : i32
      %swap3A_395 = arith.index_cast %swap3A_394 : i32 to index
      %swap3A_396 = memref.load %arg31[%swap3A_395] : memref<8xi32, #tpu.memory_space<smem>>
      memref.store %swap3A_393, %arg31[%swap3A_395] : memref<8xi32, #tpu.memory_space<smem>>
      %slice3A_397 = vector.extract_strided_slice %max3A_261 {offsets = [0], sizes = [1], strides = [1]} : vector<16xf32> to vector<1xf32>
      %squeeze3A_398 = vector.extract %slice3A_397[0] : f32 from vector<1xf32>
      %swap3A_399 = arith.constant 0 : i32
      %swap3A_400 = arith.index_cast %swap3A_399 : i32 to index
      %swap3A_401 = memref.load %arg32[%swap3A_400] : memref<8xf32, #tpu.memory_space<smem>>
      memref.store %squeeze3A_398, %arg32[%swap3A_400] : memref<8xf32, #tpu.memory_space<smem>>
      %swap3A_402 = arith.constant 0.000000e+00 : f32
      %swap3A_403 = arith.constant 1 : i32
      %swap3A_404 = arith.index_cast %swap3A_403 : i32 to index
      %swap3A_405 = memref.load %arg32[%swap3A_404] : memref<8xf32, #tpu.memory_space<smem>>
      memref.store %swap3A_402, %arg32[%swap3A_404] : memref<8xf32, #tpu.memory_space<smem>>
      %swap3A_406 = arith.constant 0.000000e+00 : f32
      %swap3A_407 = arith.constant 2 : i32
      %swap3A_408 = arith.index_cast %swap3A_407 : i32 to index
      %swap3A_409 = memref.load %arg32[%swap3A_408] : memref<8xf32, #tpu.memory_space<smem>>
      memref.store %swap3A_406, %arg32[%swap3A_408] : memref<8xf32, #tpu.memory_space<smem>>
      %scan3A_410 = arith.constant 0 : i32
      %scan3A_411 = arith.constant 0 : i32
      %scan3A_412 = arith.constant 64 : i32
      %scan3A_413 = arith.addi %scan3A_411, %scan3A_412 : i32
      %scan3A_414 = arith.constant 1 : i32
      scf.for %scan3A_426 = %scan3A_411 to %scan3A_413 step %scan3A_414  : i32 {
        %get3A_427 = arith.constant 1 : i32
        %get3A_428 = arith.index_cast %get3A_427 : i32 to index
        %get3A_429 = memref.load %arg31[%get3A_428] : memref<8xi32, #tpu.memory_space<smem>>
        %gt3A = arith.constant 0 : i32
        %gt3A_430 = arith.cmpi sgt, %get3A_429, %gt3A : i32
        %convert_element_type3A_431 = arith.extui %gt3A_430 : i1 to i32
        %cond3A_432 = arith.constant 0 : i32
        %cond3A_433 = arith.cmpi ne, %convert_element_type3A_431, %cond3A_432 : i32
        scf.if %cond3A_433 {
          %scan3A_434 = arith.constant 0 : i32
          %scan3A_435 = arith.constant 0 : i32
          %scan3A_436 = arith.constant 16 : i32
          %scan3A_437 = arith.addi %scan3A_435, %scan3A_436 : i32
          %scan3A_438 = arith.constant 1 : i32
          scf.for %scan3A_440 = %scan3A_435 to %scan3A_437 step %scan3A_438  : i32 {
            %get3A_441 = arith.constant 1 : i32
            %get3A_442 = arith.index_cast %get3A_441 : i32 to index
            %get3A_443 = memref.load %arg31[%get3A_442] : memref<8xi32, #tpu.memory_space<smem>>
            %gt3A_444 = arith.constant 0 : i32
            %gt3A_445 = arith.cmpi sgt, %get3A_443, %gt3A_444 : i32
            %convert_element_type3A_446 = arith.extui %gt3A_445 : i1 to i32
            %cond3A_447 = arith.constant 0 : i32
            %cond3A_448 = arith.cmpi ne, %convert_element_type3A_446, %cond3A_447 : i32
            scf.if %cond3A_448 {
              %get3A_449 = arith.constant 0 : i32
              %get3A_450 = arith.index_cast %get3A_449 : i32 to index
              %get3A_451 = memref.load %arg31[%get3A_450] : memref<8xi32, #tpu.memory_space<smem>>
              %get3A_452 = arith.constant 0 : i32
              %get3A_453 = arith.index_cast %get3A_452 : i32 to index
              %get3A_454 = memref.load %arg32[%get3A_453] : memref<8xf32, #tpu.memory_space<smem>>
              %eq3A_455 = arith.constant 1 : i32
              %eq3A_456 = arith.cmpi eq, %get3A_443, %eq3A_455 : i32
              %eq3A_457 = arith.constant 0 : i32
              %eq3A_458 = vector.broadcast %eq3A_457 : i32 to vector<16xi32>
              %eq3A_459 = arith.cmpi eq, %iota3A, %eq3A_458 : vector<16xi32>
              %get3A_460 = arith.index_cast %get3A_451 : i32 to index
              %get3A_461 = tpu.vector_load %arg13[%get3A_460] {strides = array<i32>} : memref<1040xi32, #tpu.memory_space<vmem>>, vector<16xi32>,
              %get3A_462 = vector.shape_cast %get3A_461 : vector<16xi32> to vector<16xi32>
              %jit3A_463 = arith.constant 0 : i32
              %broadcast_in_dim3A_464 = vector.broadcast %jit3A_463 : i32 to vector<16xi32>
              %select_n3A_465 = arith.select %eq3A_459, %broadcast_in_dim3A_464, %get3A_462 : vector<16xi1>, vector<16xi32>
              %swap3A_466 = arith.index_cast %get3A_451 : i32 to index
              %swap3A_467 = tpu.vector_load %arg13[%swap3A_466] {strides = array<i32>} : memref<1040xi32, #tpu.memory_space<vmem>>, vector<16xi32>,
              %swap3A_468 = vector.shape_cast %swap3A_467 : vector<16xi32> to vector<16xi32>
              %swap3A_469 = vector.shape_cast %select_n3A_465 : vector<16xi32> to vector<16xi32>
              tpu.vector_store %arg13[%swap3A_466], %swap3A_469 {strides = array<i32>} : memref<1040xi32, #tpu.memory_space<vmem>>, vector<16xi32>,
              %get3A_470 = arith.index_cast %get3A_451 : i32 to index
              %get3A_471 = tpu.vector_load %arg11[%get3A_470] {strides = array<i32>} : memref<1040xi32, #tpu.memory_space<vmem>>, vector<16xi32>,
              %get3A_472 = vector.shape_cast %get3A_471 : vector<16xi32> to vector<16xi32>
              %slice3A_473 = vector.extract_strided_slice %get3A_472 {offsets = [0], sizes = [1], strides = [1]} : vector<16xi32> to vector<1xi32>
              %squeeze3A_474 = vector.extract %slice3A_473[0] : i32 from vector<1xi32>
              %swap3A_475 = arith.constant 4 : i32
              %swap3A_476 = arith.index_cast %swap3A_475 : i32 to index
              %swap3A_477 = memref.load %arg31[%swap3A_476] : memref<8xi32, #tpu.memory_space<smem>>
              memref.store %squeeze3A_474, %arg31[%swap3A_476] : memref<8xi32, #tpu.memory_space<smem>>
              %get3A_478 = arith.constant 4 : i32
              %get3A_479 = arith.index_cast %get3A_478 : i32 to index
              %get3A_480 = memref.load %arg31[%get3A_479] : memref<8xi32, #tpu.memory_space<smem>>
              %get3A_481 = arith.index_cast %get3A_451 : i32 to index
              %get3A_482 = tpu.vector_load %arg6[%get3A_481] {strides = array<i32>} : memref<1040xf32, #tpu.memory_space<vmem>>, vector<16xf32>,
              %get3A_483 = vector.shape_cast %get3A_482 : vector<16xf32> to vector<16xf32>
              %slice3A_484 = vector.extract_strided_slice %get3A_483 {offsets = [0], sizes = [1], strides = [1]} : vector<16xf32> to vector<1xf32>
              %squeeze3A_485 = vector.extract %slice3A_484[0] : f32 from vector<1xf32>
              %get3A_486 = arith.index_cast %get3A_451 : i32 to index
              %get3A_487 = tpu.vector_load %arg7[%get3A_486] {strides = array<i32>} : memref<1040xf32, #tpu.memory_space<vmem>>, vector<16xf32>,
              %get3A_488 = vector.shape_cast %get3A_487 : vector<16xf32> to vector<16xf32>
              %slice3A_489 = vector.extract_strided_slice %get3A_488 {offsets = [0], sizes = [1], strides = [1]} : vector<16xf32> to vector<1xf32>
              %squeeze3A_490 = vector.extract %slice3A_489[0] : f32 from vector<1xf32>
              %get3A_491 = arith.index_cast %get3A_451 : i32 to index
              %get3A_492 = tpu.vector_load %arg8[%get3A_491] {strides = array<i32>} : memref<1040xf32, #tpu.memory_space<vmem>>, vector<16xf32>,
              %get3A_493 = vector.shape_cast %get3A_492 : vector<16xf32> to vector<16xf32>
              %slice3A_494 = vector.extract_strided_slice %get3A_493 {offsets = [0], sizes = [1], strides = [1]} : vector<16xf32> to vector<1xf32>
              %squeeze3A_495 = vector.extract %slice3A_494[0] : f32 from vector<1xf32>
              %get3A_496 = arith.index_cast %get3A_451 : i32 to index
              %get3A_497 = tpu.vector_load %arg9[%get3A_496] {strides = array<i32>} : memref<1040xf32, #tpu.memory_space<vmem>>, vector<16xf32>,
              %get3A_498 = vector.shape_cast %get3A_497 : vector<16xf32> to vector<16xf32>
              %slice3A_499 = vector.extract_strided_slice %get3A_498 {offsets = [0], sizes = [1], strides = [1]} : vector<16xf32> to vector<1xf32>
              %squeeze3A_500 = vector.extract %slice3A_499[0] : f32 from vector<1xf32>
              %get3A_501 = arith.index_cast %get3A_451 : i32 to index
              %get3A_502 = tpu.vector_load %arg12[%get3A_501] {strides = array<i32>} : memref<1040xf32, #tpu.memory_space<vmem>>, vector<16xf32>,
              %get3A_503 = vector.shape_cast %get3A_502 : vector<16xf32> to vector<16xf32>
              %slice3A_504 = vector.extract_strided_slice %get3A_503 {offsets = [0], sizes = [1], strides = [1]} : vector<16xf32> to vector<1xf32>
              %squeeze3A_505 = vector.extract %slice3A_504[0] : f32 from vector<1xf32>
              %broadcast_in_dim3A_506 = vector.broadcast %squeeze3A_485 : f32 to vector<16xf32>
              %broadcast_in_dim3A_507 = vector.broadcast %squeeze3A_490 : f32 to vector<16xf32>
              %broadcast_in_dim3A_508 = vector.broadcast %squeeze3A_495 : f32 to vector<16xf32>
              %broadcast_in_dim3A_509 = vector.broadcast %squeeze3A_500 : f32 to vector<16xf32>
              %broadcast_in_dim3A_510 = vector.broadcast %squeeze3A_505 : f32 to vector<16xf32>
              %eq3A_511 = arith.constant 15 : i32
              %eq3A_512 = arith.cmpi eq, %arg1, %eq3A_511 : i32
              %convert_element_type3A_513 = arith.extui %eq3A_512 : i1 to i32
              %cond3A_514 = arith.constant 0 : i32
              %cond3A_515 = arith.cmpi ne, %convert_element_type3A_513, %cond3A_514 : i32
              scf.if %cond3A_515 {
                %eq3A_1428 = arith.constant 0 : i32
                %eq3A_1429 = vector.broadcast %eq3A_1428 : i32 to vector<16xi32>
                %eq3A_1430 = arith.cmpi eq, %iota3A, %eq3A_1429 : vector<16xi32>
                %get3A_1431 = arith.index_cast %get3A_480 : i32 to index
                %get3A_1432 = tpu.vector_load %arg23[%get3A_1431] {strides = array<i32>} : memref<80xi32, #tpu.memory_space<vmem>>, vector<16xi32>,
                %get3A_1433 = vector.shape_cast %get3A_1432 : vector<16xi32> to vector<16xi32>
                %slice3A_1434 = vector.extract_strided_slice %get3A_1433 {offsets = [0], sizes = [1], strides = [1]} : vector<16xi32> to vector<1xi32>
                %squeeze3A_1435 = vector.extract %slice3A_1434[0] : i32 from vector<1xi32>
                %swap3A_1436 = arith.constant 5 : i32
                %swap3A_1437 = arith.index_cast %swap3A_1436 : i32 to index
                %swap3A_1438 = memref.load %arg31[%swap3A_1437] : memref<8xi32, #tpu.memory_space<smem>>
                memref.store %squeeze3A_1435, %arg31[%swap3A_1437] : memref<8xi32, #tpu.memory_space<smem>>
                %get3A_1439 = arith.constant 5 : i32
                %get3A_1440 = arith.index_cast %get3A_1439 : i32 to index
                %get3A_1441 = memref.load %arg31[%get3A_1440] : memref<8xi32, #tpu.memory_space<smem>>
                %lt3A_1442 = arith.constant 0 : i32
                %lt3A_1443 = arith.cmpi slt, %get3A_1441, %lt3A_1442 : i32
                %select_n3A_1444 = arith.select %lt3A_1443, %get3A_451, %get3A_1441 : i32
                %broadcast_in_dim3A_1445 = vector.broadcast %select_n3A_1444 : i32 to vector<16xi32>
                %select_n3A_1446 = arith.select %eq3A_1430, %broadcast_in_dim3A_1445, %get3A_1433 : vector<16xi1>, vector<16xi32>
                %swap3A_1447 = arith.index_cast %get3A_480 : i32 to index
                %swap3A_1448 = tpu.vector_load %arg23[%swap3A_1447] {strides = array<i32>} : memref<80xi32, #tpu.memory_space<vmem>>, vector<16xi32>,
                %swap3A_1449 = vector.shape_cast %swap3A_1448 : vector<16xi32> to vector<16xi32>
                %swap3A_1450 = vector.shape_cast %select_n3A_1446 : vector<16xi32> to vector<16xi32>
                tpu.vector_store %arg23[%swap3A_1447], %swap3A_1450 {strides = array<i32>} : memref<80xi32, #tpu.memory_space<vmem>>, vector<16xi32>,
                %ge3A = arith.constant 0 : i32
                %ge3A_1451 = arith.cmpi sge, %get3A_1441, %ge3A : i32
                %convert_element_type3A_1452 = arith.extui %ge3A_1451 : i1 to i32
                %cond3A_1453 = arith.constant 0 : i32
                %cond3A_1454 = arith.cmpi ne, %convert_element_type3A_1452, %cond3A_1453 : i32
                scf.if %cond3A_1454 {
                  %get3A_1455 = arith.constant 5 : i32
                  %get3A_1456 = arith.index_cast %get3A_1455 : i32 to index
                  %get3A_1457 = memref.load %arg31[%get3A_1456] : memref<8xi32, #tpu.memory_space<smem>>
                  %get3A_1458 = arith.index_cast %get3A_1457 : i32 to index
                  %get3A_1459 = tpu.vector_load %arg6[%get3A_1458] {strides = array<i32>} : memref<1040xf32, #tpu.memory_space<vmem>>, vector<16xf32>,
                  %get3A_1460 = vector.shape_cast %get3A_1459 : vector<16xf32> to vector<16xf32>
                  %slice3A_1461 = vector.extract_strided_slice %get3A_1460 {offsets = [0], sizes = [1], strides = [1]} : vector<16xf32> to vector<1xf32>
                  %squeeze3A_1462 = vector.extract %slice3A_1461[0] : f32 from vector<1xf32>
                  %broadcast_in_dim3A_1463 = vector.broadcast %squeeze3A_1462 : f32 to vector<16xf32>
                  %get3A_1464 = arith.index_cast %get3A_1457 : i32 to index
                  %get3A_1465 = tpu.vector_load %arg7[%get3A_1464] {strides = array<i32>} : memref<1040xf32, #tpu.memory_space<vmem>>, vector<16xf32>,
                  %get3A_1466 = vector.shape_cast %get3A_1465 : vector<16xf32> to vector<16xf32>
                  %slice3A_1467 = vector.extract_strided_slice %get3A_1466 {offsets = [0], sizes = [1], strides = [1]} : vector<16xf32> to vector<1xf32>
                  %squeeze3A_1468 = vector.extract %slice3A_1467[0] : f32 from vector<1xf32>
                  %broadcast_in_dim3A_1469 = vector.broadcast %squeeze3A_1468 : f32 to vector<16xf32>
                  %get3A_1470 = arith.index_cast %get3A_1457 : i32 to index
                  %get3A_1471 = tpu.vector_load %arg8[%get3A_1470] {strides = array<i32>} : memref<1040xf32, #tpu.memory_space<vmem>>, vector<16xf32>,
                  %get3A_1472 = vector.shape_cast %get3A_1471 : vector<16xf32> to vector<16xf32>
                  %slice3A_1473 = vector.extract_strided_slice %get3A_1472 {offsets = [0], sizes = [1], strides = [1]} : vector<16xf32> to vector<1xf32>
                  %squeeze3A_1474 = vector.extract %slice3A_1473[0] : f32 from vector<1xf32>
                  %broadcast_in_dim3A_1475 = vector.broadcast %squeeze3A_1474 : f32 to vector<16xf32>
                  %get3A_1476 = arith.index_cast %get3A_1457 : i32 to index
                  %get3A_1477 = tpu.vector_load %arg9[%get3A_1476] {strides = array<i32>} : memref<1040xf32, #tpu.memory_space<vmem>>, vector<16xf32>,
                  %get3A_1478 = vector.shape_cast %get3A_1477 : vector<16xf32> to vector<16xf32>
                  %slice3A_1479 = vector.extract_strided_slice %get3A_1478 {offsets = [0], sizes = [1], strides = [1]} : vector<16xf32> to vector<1xf32>
                  %squeeze3A_1480 = vector.extract %slice3A_1479[0] : f32 from vector<1xf32>
                  %broadcast_in_dim3A_1481 = vector.broadcast %squeeze3A_1480 : f32 to vector<16xf32>
                  %get3A_1482 = arith.index_cast %get3A_1457 : i32 to index
                  %get3A_1483 = tpu.vector_load %arg12[%get3A_1482] {strides = array<i32>} : memref<1040xf32, #tpu.memory_space<vmem>>, vector<16xf32>,
                  %get3A_1484 = vector.shape_cast %get3A_1483 : vector<16xf32> to vector<16xf32>
                  %slice3A_1485 = vector.extract_strided_slice %get3A_1484 {offsets = [0], sizes = [1], strides = [1]} : vector<16xf32> to vector<1xf32>
                  %squeeze3A_1486 = vector.extract %slice3A_1485[0] : f32 from vector<1xf32>
                  %broadcast_in_dim3A_1487 = vector.broadcast %squeeze3A_1486 : f32 to vector<16xf32>
                  %max3A_1488 = arith.maximumf %broadcast_in_dim3A_506, %broadcast_in_dim3A_1463 : vector<16xf32>
                  %max3A_1489 = arith.maximumf %broadcast_in_dim3A_507, %broadcast_in_dim3A_1469 : vector<16xf32>
                  %min3A = arith.minimumf %broadcast_in_dim3A_508, %broadcast_in_dim3A_1475 : vector<16xf32>
                  %min3A_1490 = arith.minimumf %broadcast_in_dim3A_509, %broadcast_in_dim3A_1481 : vector<16xf32>
                  %sub3A_1491 = arith.subf %min3A, %max3A_1488 : vector<16xf32>
                  %max3A_1492 = arith.constant 0.000000e+00 : f32
                  %max3A_1493 = vector.broadcast %max3A_1492 : f32 to vector<16xf32>
                  %max3A_1494 = arith.maximumf %sub3A_1491, %max3A_1493 : vector<16xf32>
                  %sub3A_1495 = arith.subf %min3A_1490, %max3A_1489 : vector<16xf32>
                  %max3A_1496 = arith.constant 0.000000e+00 : f32
                  %max3A_1497 = vector.broadcast %max3A_1496 : f32 to vector<16xf32>
                  %max3A_1498 = arith.maximumf %sub3A_1495, %max3A_1497 : vector<16xf32>
                  %mul3A_1499 = arith.mulf %max3A_1494, %max3A_1498 : vector<16xf32>
                  %add3A_1500 = arith.addf %broadcast_in_dim3A_510, %broadcast_in_dim3A_1487 : vector<16xf32>
                  %sub3A_1501 = arith.subf %add3A_1500, %mul3A_1499 : vector<16xf32>
                  %max3A_1502 = arith.constant 9.99999997E-7 : f32
                  %max3A_1503 = vector.broadcast %max3A_1502 : f32 to vector<16xf32>
                  %max3A_1504 = arith.maximumf %sub3A_1501, %max3A_1503 : vector<16xf32>
                  %div3A = arith.divf %mul3A_1499, %max3A_1504 : vector<16xf32>
                  %max3A_1505 = arith.constant 9.99999997E-7 : f32
                  %max3A_1506 = vector.broadcast %max3A_1505 : f32 to vector<16xf32>
                  %max3A_1507 = arith.maximumf %div3A, %max3A_1506 : vector<16xf32>
                  %add3A_1508 = arith.constant 5.000000e-01 : f32
                  %add3A_1509 = vector.broadcast %add3A_1508 : f32 to vector<16xf32>
                  %add3A_1510 = arith.addf %max3A_1507, %add3A_1509 : vector<16xf32>
                  %bitcast_convert_type3A = tpu.bitcast %add3A_1510 : vector<16xf32> -> vector<16xi32>
                  %shift_right_arithmetic3A = arith.constant 23 : i32
                  %shift_right_arithmetic3A_1511 = vector.broadcast %shift_right_arithmetic3A : i32 to vector<16xi32>
                  %shift_right_arithmetic3A_1512 = arith.shrsi %bitcast_convert_type3A, %shift_right_arithmetic3A_1511 : vector<16xi32>
                  %and3A = arith.constant 255 : i32
                  %and3A_1513 = vector.broadcast %and3A : i32 to vector<16xi32>
                  %and3A_1514 = arith.andi %shift_right_arithmetic3A_1512, %and3A_1513 : vector<16xi32>
                  %sub3A_1515 = arith.constant 127 : i32
                  %sub3A_1516 = vector.broadcast %sub3A_1515 : i32 to vector<16xi32>
                  %sub3A_1517 = arith.subi %and3A_1514, %sub3A_1516 : vector<16xi32>
                  %convert_element_type3A_1518 = arith.sitofp %sub3A_1517 : vector<16xi32> to vector<16xf32>
                  %and3A_1519 = arith.constant 8388607 : i32
                  %and3A_1520 = vector.broadcast %and3A_1519 : i32 to vector<16xi32>
                  %and3A_1521 = arith.andi %bitcast_convert_type3A, %and3A_1520 : vector<16xi32>
                  %or3A = arith.constant 1065353216 : i32
                  %or3A_1522 = vector.broadcast %or3A : i32 to vector<16xi32>
                  %or3A_1523 = arith.ori %and3A_1521, %or3A_1522 : vector<16xi32>
                  %bitcast_convert_type3A_1524 = tpu.bitcast %or3A_1523 : vector<16xi32> -> vector<16xf32>
                  %sub3A_1525 = arith.constant 1.000000e+00 : f32
                  %sub3A_1526 = vector.broadcast %sub3A_1525 : f32 to vector<16xf32>
                  %sub3A_1527 = arith.subf %bitcast_convert_type3A_1524, %sub3A_1526 : vector<16xf32>
                  %add3A_1528 = arith.constant 1.000000e+00 : f32
                  %add3A_1529 = vector.broadcast %add3A_1528 : f32 to vector<16xf32>
                  %add3A_1530 = arith.addf %bitcast_convert_type3A_1524, %add3A_1529 : vector<16xf32>
                  %div3A_1531 = arith.divf %sub3A_1527, %add3A_1530 : vector<16xf32>
                  %mul3A_1532 = arith.mulf %div3A_1531, %div3A_1531 : vector<16xf32>
                  %mul3A_1533 = arith.constant 0.285714298 : f32
                  %mul3A_1534 = vector.broadcast %mul3A_1533 : f32 to vector<16xf32>
                  %mul3A_1535 = arith.mulf %mul3A_1532, %mul3A_1534 : vector<16xf32>
                  %add3A_1536 = arith.constant 4.000000e-01 : f32
                  %add3A_1537 = vector.broadcast %add3A_1536 : f32 to vector<16xf32>
                  %add3A_1538 = arith.addf %mul3A_1535, %add3A_1537 : vector<16xf32>
                  %mul3A_1539 = arith.mulf %add3A_1538, %mul3A_1532 : vector<16xf32>
                  %add3A_1540 = arith.constant 0.666666686 : f32
                  %add3A_1541 = vector.broadcast %add3A_1540 : f32 to vector<16xf32>
                  %add3A_1542 = arith.addf %mul3A_1539, %add3A_1541 : vector<16xf32>
                  %mul3A_1543 = arith.mulf %add3A_1542, %mul3A_1532 : vector<16xf32>
                  %add3A_1544 = arith.constant 2.000000e+00 : f32
                  %add3A_1545 = vector.broadcast %add3A_1544 : f32 to vector<16xf32>
                  %add3A_1546 = arith.addf %mul3A_1543, %add3A_1545 : vector<16xf32>
                  %mul3A_1547 = arith.constant 0.693147182 : f32
                  %mul3A_1548 = vector.broadcast %mul3A_1547 : f32 to vector<16xf32>
                  %mul3A_1549 = arith.mulf %convert_element_type3A_1518, %mul3A_1548 : vector<16xf32>
                  %mul3A_1550 = arith.mulf %div3A_1531, %add3A_1546 : vector<16xf32>
                  %add3A_1551 = arith.addf %mul3A_1549, %mul3A_1550 : vector<16xf32>
                  %neg3A = arith.constant 0.000000e+00 : f32
                  %neg3A_1552 = vector.broadcast %neg3A : f32 to vector<16xf32>
                  %neg3A_1553 = arith.subf %neg3A_1552, %add3A_1551 : vector<16xf32>
                  %mul3A_1554 = vector.broadcast %get3A_454 : f32 to vector<16xf32>
                  %mul3A_1555 = arith.mulf %neg3A_1553, %mul3A_1554 : vector<16xf32>
                  %swap3A_1556 = arith.constant 0 : index
                  %swap3A_1557 = tpu.vector_load %arg25[%swap3A_1556] {strides = array<i32>} : memref<16xf32, #tpu.memory_space<vmem>>, vector<16xf32>,
                  %swap3A_1558 = vector.shape_cast %swap3A_1557 : vector<16xf32> to vector<16xf32>
                  %swap3A_1559 = vector.shape_cast %mul3A_1555 : vector<16xf32> to vector<16xf32>
                  tpu.vector_store %arg25[%swap3A_1556], %swap3A_1559 {strides = array<i32>} : memref<16xf32, #tpu.memory_space<vmem>>, vector<16xf32>,
                  %get3A_1560 = arith.constant 0 : index
                  %get3A_1561 = tpu.vector_load %arg25[%get3A_1560] {strides = array<i32>} : memref<16xf32, #tpu.memory_space<vmem>>, vector<16xf32>,
                  %get3A_1562 = vector.shape_cast %get3A_1561 : vector<16xf32> to vector<16xf32>
                  %slice3A_1563 = vector.extract_strided_slice %get3A_1562 {offsets = [0], sizes = [1], strides = [1]} : vector<16xf32> to vector<1xf32>
                  %squeeze3A_1564 = vector.extract %slice3A_1563[0] : f32 from vector<1xf32>
                  %get3A_1565 = arith.constant 1 : i32
                  %get3A_1566 = arith.index_cast %get3A_1565 : i32 to index
                  %get3A_1567 = memref.load %arg32[%get3A_1566] : memref<8xf32, #tpu.memory_space<smem>>
                  %jit3A_1568 = arith.constant 0.000000e+00 : f32
                  %select_n3A_1569 = arith.select %eq3A_456, %jit3A_1568, %squeeze3A_1564 : f32
                  %add3A_1570 = arith.addf %get3A_1567, %select_n3A_1569 : f32
                  %swap3A_1571 = arith.constant 1 : i32
                  %swap3A_1572 = arith.index_cast %swap3A_1571 : i32 to index
                  %swap3A_1573 = memref.load %arg32[%swap3A_1572] : memref<8xf32, #tpu.memory_space<smem>>
                  memref.store %add3A_1570, %arg32[%swap3A_1572] : memref<8xf32, #tpu.memory_space<smem>>
                  %get3A_1574 = arith.constant 2 : i32
                  %get3A_1575 = arith.index_cast %get3A_1574 : i32 to index
                  %get3A_1576 = memref.load %arg31[%get3A_1575] : memref<8xi32, #tpu.memory_space<smem>>
                  %add3A_1577 = arith.constant 1 : i32
                  %add3A_1578 = arith.addi %get3A_1576, %add3A_1577 : i32
                  %swap3A_1579 = arith.constant 2 : i32
                  %swap3A_1580 = arith.index_cast %swap3A_1579 : i32 to index
                  %swap3A_1581 = memref.load %arg31[%swap3A_1580] : memref<8xi32, #tpu.memory_space<smem>>
                  memref.store %add3A_1578, %arg31[%swap3A_1580] : memref<8xi32, #tpu.memory_space<smem>>
                } else {
                }
              } else {
              }
              %mul3A_516 = arith.constant 64 : i32
              %mul3A_517 = arith.muli %get3A_480, %mul3A_516 : i32
              %get3A_518 = arith.index_cast %mul3A_517 : i32 to index
              %get3A_519 = tpu.vector_load %arg22[%get3A_518] {strides = array<i32>} : memref<3216xf32, #tpu.memory_space<vmem>>, vector<16xf32>,
              %get3A_520 = vector.shape_cast %get3A_519 : vector<16xf32> to vector<16xf32>
              %max3A_521 = arith.constant 5.000000e-01 : f32
              %max3A_522 = vector.broadcast %max3A_521 : f32 to vector<16xf32>
              %max3A_523 = arith.maximumf %get3A_520, %max3A_522 : vector<16xf32>
              %add3A_524 = arith.constant 16 : i32
              %add3A_525 = arith.addi %mul3A_517, %add3A_524 : i32
              %get3A_526 = arith.index_cast %add3A_525 : i32 to index
              %get3A_527 = tpu.vector_load %arg22[%get3A_526] {strides = array<i32>} : memref<3216xf32, #tpu.memory_space<vmem>>, vector<16xf32>,
              %get3A_528 = vector.shape_cast %get3A_527 : vector<16xf32> to vector<16xf32>
              %max3A_529 = arith.constant 5.000000e-01 : f32
              %max3A_530 = vector.broadcast %max3A_529 : f32 to vector<16xf32>
              %max3A_531 = arith.maximumf %get3A_528, %max3A_530 : vector<16xf32>
              %add3A_532 = arith.constant 32 : i32
              %add3A_533 = arith.addi %mul3A_517, %add3A_532 : i32
              %get3A_534 = arith.index_cast %add3A_533 : i32 to index
              %get3A_535 = tpu.vector_load %arg22[%get3A_534] {strides = array<i32>} : memref<3216xf32, #tpu.memory_space<vmem>>, vector<16xf32>,
              %get3A_536 = vector.shape_cast %get3A_535 : vector<16xf32> to vector<16xf32>
              %max3A_537 = arith.constant 5.000000e-01 : f32
              %max3A_538 = vector.broadcast %max3A_537 : f32 to vector<16xf32>
              %max3A_539 = arith.maximumf %get3A_536, %max3A_538 : vector<16xf32>
              %add3A_540 = arith.constant 48 : i32
              %add3A_541 = arith.addi %mul3A_517, %add3A_540 : i32
              %get3A_542 = arith.index_cast %add3A_541 : i32 to index
              %get3A_543 = tpu.vector_load %arg22[%get3A_542] {strides = array<i32>} : memref<3216xf32, #tpu.memory_space<vmem>>, vector<16xf32>,
              %get3A_544 = vector.shape_cast %get3A_543 : vector<16xf32> to vector<16xf32>
              %max3A_545 = arith.constant 5.000000e-01 : f32
              %max3A_546 = vector.broadcast %max3A_545 : f32 to vector<16xf32>
              %max3A_547 = arith.maximumf %get3A_544, %max3A_546 : vector<16xf32>
              %broadcast_in_dim3A_548 = arith.constant 0 : i32
              %broadcast_in_dim3A_549 = vector.broadcast %broadcast_in_dim3A_548 : i32 to vector<16xi32>
              %broadcast_in_dim3A_550 = arith.constant 0.000000e+00 : f32
              %broadcast_in_dim3A_551 = vector.broadcast %broadcast_in_dim3A_550 : f32 to vector<16xf32>
              %broadcast_in_dim3A_552 = arith.constant 0xFF800000 : f32
              %broadcast_in_dim3A_553 = vector.broadcast %broadcast_in_dim3A_552 : f32 to vector<16xf32>
              %broadcast_in_dim3A_554 = arith.constant -1 : i32
              %broadcast_in_dim3A_555 = vector.broadcast %broadcast_in_dim3A_554 : i32 to vector<16xi32>
              %scan3A_556 = arith.constant 0 : i32
              %scan3A_557 = arith.constant 4 : i32
              %scan3A_558 = arith.addi %scan3A_556, %scan3A_557 : i32
              %scan3A_559 = arith.constant 1 : i32
              %scan3A_560:5 = scf.for %scan3A_1428 = %scan3A_556 to %scan3A_558 step %scan3A_559 iter_args(%scan3A_1429 = %broadcast_in_dim3A_553, %scan3A_1430 = %broadcast_in_dim3A_555, %scan3A_1431 = %broadcast_in_dim3A_549, %scan3A_1432 = %broadcast_in_dim3A_551, %scan3A_1433 = %broadcast_in_dim3A_549) -> (vector<16xf32>, vector<16xi32>, vector<16xi32>, vector<16xf32>, vector<16xi32>)  : i32 {
                %mul3A_1434 = arith.constant 4 : i32
                %mul3A_1435 = arith.muli %arg1, %mul3A_1434 : i32
                %add3A_1436 = arith.addi %mul3A_1435, %scan3A_1428 : i32
                %mul3A_1437 = arith.constant 16 : i32
                %mul3A_1438 = arith.muli %add3A_1436, %mul3A_1437 : i32
                %get3A_1439 = arith.index_cast %mul3A_1438 : i32 to index
                %get3A_1440 = tpu.vector_load %arg10[%get3A_1439] {strides = array<i32>} : memref<1040xf32, #tpu.memory_space<vmem>>, vector<16xf32>,
                %get3A_1441 = vector.shape_cast %get3A_1440 : vector<16xf32> to vector<16xf32>
                %get3A_1442 = arith.index_cast %mul3A_1438 : i32 to index
                %get3A_1443 = tpu.vector_load %arg11[%get3A_1442] {strides = array<i32>} : memref<1040xi32, #tpu.memory_space<vmem>>, vector<16xi32>,
                %get3A_1444 = vector.shape_cast %get3A_1443 : vector<16xi32> to vector<16xi32>
                %get3A_1445 = arith.index_cast %mul3A_1438 : i32 to index
                %get3A_1446 = tpu.vector_load %arg13[%get3A_1445] {strides = array<i32>} : memref<1040xi32, #tpu.memory_space<vmem>>, vector<16xi32>,
                %get3A_1447 = vector.shape_cast %get3A_1446 : vector<16xi32> to vector<16xi32>
                %mul3A_1448 = arith.constant 16 : i32
                %mul3A_1449 = arith.muli %add3A_1436, %mul3A_1448 : i32
                %add3A_1450 = vector.broadcast %mul3A_1449 : i32 to vector<16xi32>
                %add3A_1451 = arith.addi %add3A_1450, %iota3A : vector<16xi32>
                %get3A_1452 = arith.index_cast %mul3A_1438 : i32 to index
                %get3A_1453 = tpu.vector_load %arg6[%get3A_1452] {strides = array<i32>} : memref<1040xf32, #tpu.memory_space<vmem>>, vector<16xf32>,
                %get3A_1454 = vector.shape_cast %get3A_1453 : vector<16xf32> to vector<16xf32>
                %get3A_1455 = arith.index_cast %mul3A_1438 : i32 to index
                %get3A_1456 = tpu.vector_load %arg7[%get3A_1455] {strides = array<i32>} : memref<1040xf32, #tpu.memory_space<vmem>>, vector<16xf32>,
                %get3A_1457 = vector.shape_cast %get3A_1456 : vector<16xf32> to vector<16xf32>
                %get3A_1458 = arith.index_cast %mul3A_1438 : i32 to index
                %get3A_1459 = tpu.vector_load %arg8[%get3A_1458] {strides = array<i32>} : memref<1040xf32, #tpu.memory_space<vmem>>, vector<16xf32>,
                %get3A_1460 = vector.shape_cast %get3A_1459 : vector<16xf32> to vector<16xf32>
                %get3A_1461 = arith.index_cast %mul3A_1438 : i32 to index
                %get3A_1462 = tpu.vector_load %arg9[%get3A_1461] {strides = array<i32>} : memref<1040xf32, #tpu.memory_space<vmem>>, vector<16xf32>,
                %get3A_1463 = vector.shape_cast %get3A_1462 : vector<16xf32> to vector<16xf32>
                %get3A_1464 = arith.index_cast %mul3A_1438 : i32 to index
                %get3A_1465 = tpu.vector_load %arg12[%get3A_1464] {strides = array<i32>} : memref<1040xf32, #tpu.memory_space<vmem>>, vector<16xf32>,
                %get3A_1466 = vector.shape_cast %get3A_1465 : vector<16xf32> to vector<16xf32>
                %max3A_1467 = arith.maximumf %broadcast_in_dim3A_506, %get3A_1454 : vector<16xf32>
                %max3A_1468 = arith.maximumf %broadcast_in_dim3A_507, %get3A_1457 : vector<16xf32>
                %min3A = arith.minimumf %broadcast_in_dim3A_508, %get3A_1460 : vector<16xf32>
                %min3A_1469 = arith.minimumf %broadcast_in_dim3A_509, %get3A_1463 : vector<16xf32>
                %sub3A_1470 = arith.subf %min3A, %max3A_1467 : vector<16xf32>
                %max3A_1471 = arith.constant 0.000000e+00 : f32
                %max3A_1472 = vector.broadcast %max3A_1471 : f32 to vector<16xf32>
                %max3A_1473 = arith.maximumf %sub3A_1470, %max3A_1472 : vector<16xf32>
                %sub3A_1474 = arith.subf %min3A_1469, %max3A_1468 : vector<16xf32>
                %max3A_1475 = arith.constant 0.000000e+00 : f32
                %max3A_1476 = vector.broadcast %max3A_1475 : f32 to vector<16xf32>
                %max3A_1477 = arith.maximumf %sub3A_1474, %max3A_1476 : vector<16xf32>
                %mul3A_1478 = arith.mulf %max3A_1473, %max3A_1477 : vector<16xf32>
                %add3A_1479 = arith.addf %broadcast_in_dim3A_510, %get3A_1466 : vector<16xf32>
                %sub3A_1480 = arith.subf %add3A_1479, %mul3A_1478 : vector<16xf32>
                %max3A_1481 = arith.constant 9.99999997E-7 : f32
                %max3A_1482 = vector.broadcast %max3A_1481 : f32 to vector<16xf32>
                %max3A_1483 = arith.maximumf %sub3A_1480, %max3A_1482 : vector<16xf32>
                %div3A = arith.divf %mul3A_1478, %max3A_1483 : vector<16xf32>
                %gt3A_1484 = arith.constant 5.000000e-01 : f32
                %gt3A_1485 = vector.broadcast %gt3A_1484 : f32 to vector<16xf32>
                %gt3A_1486 = arith.cmpf ogt, %div3A, %gt3A_1485 : vector<16xf32>
                %jit3A_1487 = arith.constant 0 : i32
                %jit3A_1488 = arith.constant 1 : i32
                %broadcast_in_dim3A_1489 = vector.broadcast %jit3A_1487 : i32 to vector<16xi32>
                %broadcast_in_dim3A_1490 = vector.broadcast %jit3A_1488 : i32 to vector<16xi32>
                %select_n3A_1491 = arith.select %gt3A_1486, %broadcast_in_dim3A_1489, %broadcast_in_dim3A_1490 : vector<16xi1>, vector<16xi32>
                %and3A = arith.andi %get3A_1447, %select_n3A_1491 : vector<16xi32>
                %swap3A_1492 = arith.index_cast %mul3A_1438 : i32 to index
                %swap3A_1493 = tpu.vector_load %arg13[%swap3A_1492] {strides = array<i32>} : memref<1040xi32, #tpu.memory_space<vmem>>, vector<16xi32>,
                %swap3A_1494 = vector.shape_cast %swap3A_1493 : vector<16xi32> to vector<16xi32>
                %swap3A_1495 = vector.shape_cast %and3A : vector<16xi32> to vector<16xi32>
                tpu.vector_store %arg13[%swap3A_1492], %swap3A_1495 {strides = array<i32>} : memref<1040xi32, #tpu.memory_space<vmem>>, vector<16xi32>,
                %get3A_1496 = arith.index_cast %mul3A_1438 : i32 to index
                %get3A_1497 = tpu.vector_load %arg14[%get3A_1496] {strides = array<i32>} : memref<1024xi32, #tpu.memory_space<vmem>>, vector<16xi32>,
                %get3A_1498 = vector.shape_cast %get3A_1497 : vector<16xi32> to vector<16xi32>
                %get3A_1499 = arith.index_cast %mul3A_1438 : i32 to index
                %get3A_1500 = tpu.vector_load %arg15[%get3A_1499] {strides = array<i32>} : memref<1024xi32, #tpu.memory_space<vmem>>, vector<16xi32>,
                %get3A_1501 = vector.shape_cast %get3A_1500 : vector<16xi32> to vector<16xi32>
                %eq3A_1502 = arith.constant 0 : i32
                %eq3A_1503 = vector.broadcast %eq3A_1502 : i32 to vector<16xi32>
                %eq3A_1504 = arith.cmpi eq, %get3A_1501, %eq3A_1503 : vector<16xi32>
                %lt3A_1505 = arith.constant 0 : i32
                %lt3A_1506 = vector.broadcast %lt3A_1505 : i32 to vector<16xi32>
                %lt3A_1507 = arith.cmpi slt, %get3A_1498, %lt3A_1506 : vector<16xi32>
                %add3A_1508 = arith.constant 16 : i32
                %add3A_1509 = vector.broadcast %add3A_1508 : i32 to vector<16xi32>
                %add3A_1510 = arith.addi %get3A_1498, %add3A_1509 : vector<16xi32>
                %select_n3A_1511 = arith.select %lt3A_1507, %add3A_1510, %get3A_1498 : vector<16xi1>, vector<16xi32>
                %broadcast_in_dim3A_1512 = vector.shape_cast %select_n3A_1511 : vector<16xi32> to vector<16x1xi32>
                %gather3A_1513 = vector.shape_cast %broadcast_in_dim3A_1512 : vector<16x1xi32> to vector<16xi32>
                %gather3A_1514 = tpu.dynamic_gather %max3A_523[%gather3A_1513] in [0] : vector<16xf32>, vector<16xi32> -> vector<16xf32>
                %eq3A_1515 = arith.constant 1 : i32
                %eq3A_1516 = vector.broadcast %eq3A_1515 : i32 to vector<16xi32>
                %eq3A_1517 = arith.cmpi eq, %get3A_1501, %eq3A_1516 : vector<16xi32>
                %lt3A_1518 = arith.constant 0 : i32
                %lt3A_1519 = vector.broadcast %lt3A_1518 : i32 to vector<16xi32>
                %lt3A_1520 = arith.cmpi slt, %get3A_1498, %lt3A_1519 : vector<16xi32>
                %add3A_1521 = arith.constant 16 : i32
                %add3A_1522 = vector.broadcast %add3A_1521 : i32 to vector<16xi32>
                %add3A_1523 = arith.addi %get3A_1498, %add3A_1522 : vector<16xi32>
                %select_n3A_1524 = arith.select %lt3A_1520, %add3A_1523, %get3A_1498 : vector<16xi1>, vector<16xi32>
                %broadcast_in_dim3A_1525 = vector.shape_cast %select_n3A_1524 : vector<16xi32> to vector<16x1xi32>
                %gather3A_1526 = vector.shape_cast %broadcast_in_dim3A_1525 : vector<16x1xi32> to vector<16xi32>
                %gather3A_1527 = tpu.dynamic_gather %max3A_531[%gather3A_1526] in [0] : vector<16xf32>, vector<16xi32> -> vector<16xf32>
                %eq3A_1528 = arith.constant 2 : i32
                %eq3A_1529 = vector.broadcast %eq3A_1528 : i32 to vector<16xi32>
                %eq3A_1530 = arith.cmpi eq, %get3A_1501, %eq3A_1529 : vector<16xi32>
                %lt3A_1531 = arith.constant 0 : i32
                %lt3A_1532 = vector.broadcast %lt3A_1531 : i32 to vector<16xi32>
                %lt3A_1533 = arith.cmpi slt, %get3A_1498, %lt3A_1532 : vector<16xi32>
                %add3A_1534 = arith.constant 16 : i32
                %add3A_1535 = vector.broadcast %add3A_1534 : i32 to vector<16xi32>
                %add3A_1536 = arith.addi %get3A_1498, %add3A_1535 : vector<16xi32>
                %select_n3A_1537 = arith.select %lt3A_1533, %add3A_1536, %get3A_1498 : vector<16xi1>, vector<16xi32>
                %broadcast_in_dim3A_1538 = vector.shape_cast %select_n3A_1537 : vector<16xi32> to vector<16x1xi32>
                %gather3A_1539 = vector.shape_cast %broadcast_in_dim3A_1538 : vector<16x1xi32> to vector<16xi32>
                %gather3A_1540 = tpu.dynamic_gather %max3A_539[%gather3A_1539] in [0] : vector<16xf32>, vector<16xi32> -> vector<16xf32>
                %lt3A_1541 = arith.constant 0 : i32
                %lt3A_1542 = vector.broadcast %lt3A_1541 : i32 to vector<16xi32>
                %lt3A_1543 = arith.cmpi slt, %get3A_1498, %lt3A_1542 : vector<16xi32>
                %add3A_1544 = arith.constant 16 : i32
                %add3A_1545 = vector.broadcast %add3A_1544 : i32 to vector<16xi32>
                %add3A_1546 = arith.addi %get3A_1498, %add3A_1545 : vector<16xi32>
                %select_n3A_1547 = arith.select %lt3A_1543, %add3A_1546, %get3A_1498 : vector<16xi1>, vector<16xi32>
                %broadcast_in_dim3A_1548 = vector.shape_cast %select_n3A_1547 : vector<16xi32> to vector<16x1xi32>
                %gather3A_1549 = vector.shape_cast %broadcast_in_dim3A_1548 : vector<16x1xi32> to vector<16xi32>
                %gather3A_1550 = tpu.dynamic_gather %max3A_547[%gather3A_1549] in [0] : vector<16xf32>, vector<16xi32> -> vector<16xf32>
                %select_n3A_1551 = arith.select %eq3A_1530, %gather3A_1540, %gather3A_1550 : vector<16xi1>, vector<16xf32>
                %select_n3A_1552 = arith.select %eq3A_1517, %gather3A_1527, %select_n3A_1551 : vector<16xi1>, vector<16xf32>
                %select_n3A_1553 = arith.select %eq3A_1504, %gather3A_1514, %select_n3A_1552 : vector<16xi1>, vector<16xf32>
                %ne3A = vector.broadcast %get3A_480 : i32 to vector<16xi32>
                %ne3A_1554 = arith.cmpi ne, %get3A_1444, %ne3A : vector<16xi32>
                %jit3A_1555 = arith.constant 1 : i32
                %jit3A_1556 = arith.constant 0 : i32
                %broadcast_in_dim3A_1557 = vector.broadcast %jit3A_1555 : i32 to vector<16xi32>
                %broadcast_in_dim3A_1558 = vector.broadcast %jit3A_1556 : i32 to vector<16xi32>
                %select_n3A_1559 = arith.select %ne3A_1554, %broadcast_in_dim3A_1557, %broadcast_in_dim3A_1558 : vector<16xi1>, vector<16xi32>
                %and3A_1560 = arith.andi %get3A_1447, %select_n3A_1559 : vector<16xi32>
                %gt3A_1561 = arith.cmpf ogt, %div3A, %select_n3A_1553 : vector<16xf32>
                %jit3A_1562 = arith.constant 1 : i32
                %jit3A_1563 = arith.constant 0 : i32
                %broadcast_in_dim3A_1564 = vector.broadcast %jit3A_1562 : i32 to vector<16xi32>
                %broadcast_in_dim3A_1565 = vector.broadcast %jit3A_1563 : i32 to vector<16xi32>
                %select_n3A_1566 = arith.select %gt3A_1561, %broadcast_in_dim3A_1564, %broadcast_in_dim3A_1565 : vector<16xi1>, vector<16xi32>
                %and3A_1567 = arith.andi %and3A_1560, %select_n3A_1566 : vector<16xi32>
                %ne3A_1568 = arith.constant 0 : i32
                %ne3A_1569 = vector.broadcast %ne3A_1568 : i32 to vector<16xi32>
                %ne3A_1570 = arith.cmpi ne, %and3A_1567, %ne3A_1569 : vector<16xi32>
                %sub3A_1571 = arith.constant 1.000000e+00 : f32
                %sub3A_1572 = vector.broadcast %sub3A_1571 : f32 to vector<16xf32>
                %sub3A_1573 = arith.subf %sub3A_1572, %div3A : vector<16xf32>
                %bitcast_convert_type3A = tpu.bitcast %sub3A_1573 : vector<16xf32> -> vector<16xi32>
                %shift_right_arithmetic3A = arith.constant 23 : i32
                %shift_right_arithmetic3A_1574 = vector.broadcast %shift_right_arithmetic3A : i32 to vector<16xi32>
                %shift_right_arithmetic3A_1575 = arith.shrsi %bitcast_convert_type3A, %shift_right_arithmetic3A_1574 : vector<16xi32>
                %and3A_1576 = arith.constant 255 : i32
                %and3A_1577 = vector.broadcast %and3A_1576 : i32 to vector<16xi32>
                %and3A_1578 = arith.andi %shift_right_arithmetic3A_1575, %and3A_1577 : vector<16xi32>
                %sub3A_1579 = arith.constant 127 : i32
                %sub3A_1580 = vector.broadcast %sub3A_1579 : i32 to vector<16xi32>
                %sub3A_1581 = arith.subi %and3A_1578, %sub3A_1580 : vector<16xi32>
                %convert_element_type3A_1582 = arith.sitofp %sub3A_1581 : vector<16xi32> to vector<16xf32>
                %and3A_1583 = arith.constant 8388607 : i32
                %and3A_1584 = vector.broadcast %and3A_1583 : i32 to vector<16xi32>
                %and3A_1585 = arith.andi %bitcast_convert_type3A, %and3A_1584 : vector<16xi32>
                %or3A = arith.constant 1065353216 : i32
                %or3A_1586 = vector.broadcast %or3A : i32 to vector<16xi32>
                %or3A_1587 = arith.ori %and3A_1585, %or3A_1586 : vector<16xi32>
                %bitcast_convert_type3A_1588 = tpu.bitcast %or3A_1587 : vector<16xi32> -> vector<16xf32>
                %sub3A_1589 = arith.constant 1.000000e+00 : f32
                %sub3A_1590 = vector.broadcast %sub3A_1589 : f32 to vector<16xf32>
                %sub3A_1591 = arith.subf %bitcast_convert_type3A_1588, %sub3A_1590 : vector<16xf32>
                %add3A_1592 = arith.constant 1.000000e+00 : f32
                %add3A_1593 = vector.broadcast %add3A_1592 : f32 to vector<16xf32>
                %add3A_1594 = arith.addf %bitcast_convert_type3A_1588, %add3A_1593 : vector<16xf32>
                %div3A_1595 = arith.divf %sub3A_1591, %add3A_1594 : vector<16xf32>
                %mul3A_1596 = arith.mulf %div3A_1595, %div3A_1595 : vector<16xf32>
                %mul3A_1597 = arith.constant 0.285714298 : f32
                %mul3A_1598 = vector.broadcast %mul3A_1597 : f32 to vector<16xf32>
                %mul3A_1599 = arith.mulf %mul3A_1596, %mul3A_1598 : vector<16xf32>
                %add3A_1600 = arith.constant 4.000000e-01 : f32
                %add3A_1601 = vector.broadcast %add3A_1600 : f32 to vector<16xf32>
                %add3A_1602 = arith.addf %mul3A_1599, %add3A_1601 : vector<16xf32>
                %mul3A_1603 = arith.mulf %add3A_1602, %mul3A_1596 : vector<16xf32>
                %add3A_1604 = arith.constant 0.666666686 : f32
                %add3A_1605 = vector.broadcast %add3A_1604 : f32 to vector<16xf32>
                %add3A_1606 = arith.addf %mul3A_1603, %add3A_1605 : vector<16xf32>
                %mul3A_1607 = arith.mulf %add3A_1606, %mul3A_1596 : vector<16xf32>
                %add3A_1608 = arith.constant 2.000000e+00 : f32
                %add3A_1609 = vector.broadcast %add3A_1608 : f32 to vector<16xf32>
                %add3A_1610 = arith.addf %mul3A_1607, %add3A_1609 : vector<16xf32>
                %mul3A_1611 = arith.constant 0.693147182 : f32
                %mul3A_1612 = vector.broadcast %mul3A_1611 : f32 to vector<16xf32>
                %mul3A_1613 = arith.mulf %convert_element_type3A_1582, %mul3A_1612 : vector<16xf32>
                %mul3A_1614 = arith.mulf %div3A_1595, %add3A_1610 : vector<16xf32>
                %add3A_1615 = arith.addf %mul3A_1613, %mul3A_1614 : vector<16xf32>
                %get3A_1616 = arith.index_cast %mul3A_1438 : i32 to index
                %get3A_1617 = tpu.vector_load %arg16[%get3A_1616] {strides = array<i32>} : memref<1024xf32, #tpu.memory_space<vmem>>, vector<16xf32>,
                %get3A_1618 = vector.shape_cast %get3A_1617 : vector<16xf32> to vector<16xf32>
                %mul3A_1619 = arith.mulf %add3A_1615, %get3A_1618 : vector<16xf32>
                %jit3A_1620 = arith.constant 0.000000e+00 : f32
                %broadcast_in_dim3A_1621 = vector.broadcast %jit3A_1620 : f32 to vector<16xf32>
                %select_n3A_1622 = arith.select %ne3A_1570, %mul3A_1619, %broadcast_in_dim3A_1621 : vector<16xi1>, vector<16xf32>
                %add3A_1623 = arith.addf %scan3A_1432, %select_n3A_1622 : vector<16xf32>
                %add3A_1624 = arith.addi %scan3A_1433, %and3A_1567 : vector<16xi32>
                %ne3A_1625 = arith.constant 0 : i32
                %ne3A_1626 = vector.broadcast %ne3A_1625 : i32 to vector<16xi32>
                %ne3A_1627 = arith.cmpi ne, %and3A, %ne3A_1626 : vector<16xi32>
                %jit3A_1628 = arith.constant 0xFF800000 : f32
                %broadcast_in_dim3A_1629 = vector.broadcast %jit3A_1628 : f32 to vector<16xf32>
                %select_n3A_1630 = arith.select %ne3A_1627, %get3A_1441, %broadcast_in_dim3A_1629 : vector<16xi1>, vector<16xf32>
                %ge3A = arith.cmpf oge, %select_n3A_1630, %scan3A_1429 : vector<16xf32>
                %select_n3A_1631 = arith.select %ge3A, %select_n3A_1630, %scan3A_1429 : vector<16xi1>, vector<16xf32>
                %select_n3A_1632 = arith.select %ge3A, %add3A_1451, %scan3A_1430 : vector<16xi1>, vector<16xi32>
                %add3A_1633 = arith.addi %scan3A_1431, %and3A : vector<16xi32>
                scf.yield %select_n3A_1631, %select_n3A_1632, %add3A_1633, %add3A_1623, %add3A_1624 : vector<16xf32>, vector<16xi32>, vector<16xi32>, vector<16xf32>, vector<16xi32>
              }
              %scan3A_561 = arith.constant 4 : i32
              %xor3A_562 = arith.constant 1 : i32
              %xor3A_563 = vector.broadcast %xor3A_562 : i32 to vector<16xi32>
              %xor3A_564 = arith.xori %iota3A, %xor3A_563 : vector<16xi32>
              %lt3A_565 = arith.constant 0 : i32
              %lt3A_566 = vector.broadcast %lt3A_565 : i32 to vector<16xi32>
              %lt3A_567 = arith.cmpi slt, %xor3A_564, %lt3A_566 : vector<16xi32>
              %add3A_568 = arith.constant 16 : i32
              %add3A_569 = vector.broadcast %add3A_568 : i32 to vector<16xi32>
              %add3A_570 = arith.addi %xor3A_564, %add3A_569 : vector<16xi32>
              %select_n3A_571 = arith.select %lt3A_567, %add3A_570, %xor3A_564 : vector<16xi1>, vector<16xi32>
              %broadcast_in_dim3A_572 = vector.shape_cast %select_n3A_571 : vector<16xi32> to vector<16x1xi32>
              %gather3A_573 = vector.shape_cast %broadcast_in_dim3A_572 : vector<16x1xi32> to vector<16xi32>
              %gather3A_574 = tpu.dynamic_gather %scan3A_560#0[%gather3A_573] in [0] : vector<16xf32>, vector<16xi32> -> vector<16xf32>
              %max3A_575 = arith.maximumf %scan3A_560#0, %gather3A_574 : vector<16xf32>
              %xor3A_576 = arith.constant 2 : i32
              %xor3A_577 = vector.broadcast %xor3A_576 : i32 to vector<16xi32>
              %xor3A_578 = arith.xori %iota3A, %xor3A_577 : vector<16xi32>
              %lt3A_579 = arith.constant 0 : i32
              %lt3A_580 = vector.broadcast %lt3A_579 : i32 to vector<16xi32>
              %lt3A_581 = arith.cmpi slt, %xor3A_578, %lt3A_580 : vector<16xi32>
              %add3A_582 = arith.constant 16 : i32
              %add3A_583 = vector.broadcast %add3A_582 : i32 to vector<16xi32>
              %add3A_584 = arith.addi %xor3A_578, %add3A_583 : vector<16xi32>
              %select_n3A_585 = arith.select %lt3A_581, %add3A_584, %xor3A_578 : vector<16xi1>, vector<16xi32>
              %broadcast_in_dim3A_586 = vector.shape_cast %select_n3A_585 : vector<16xi32> to vector<16x1xi32>
              %gather3A_587 = vector.shape_cast %broadcast_in_dim3A_586 : vector<16x1xi32> to vector<16xi32>
              %gather3A_588 = tpu.dynamic_gather %max3A_575[%gather3A_587] in [0] : vector<16xf32>, vector<16xi32> -> vector<16xf32>
              %max3A_589 = arith.maximumf %max3A_575, %gather3A_588 : vector<16xf32>
              %xor3A_590 = arith.constant 4 : i32
              %xor3A_591 = vector.broadcast %xor3A_590 : i32 to vector<16xi32>
              %xor3A_592 = arith.xori %iota3A, %xor3A_591 : vector<16xi32>
              %lt3A_593 = arith.constant 0 : i32
              %lt3A_594 = vector.broadcast %lt3A_593 : i32 to vector<16xi32>
              %lt3A_595 = arith.cmpi slt, %xor3A_592, %lt3A_594 : vector<16xi32>
              %add3A_596 = arith.constant 16 : i32
              %add3A_597 = vector.broadcast %add3A_596 : i32 to vector<16xi32>
              %add3A_598 = arith.addi %xor3A_592, %add3A_597 : vector<16xi32>
              %select_n3A_599 = arith.select %lt3A_595, %add3A_598, %xor3A_592 : vector<16xi1>, vector<16xi32>
              %broadcast_in_dim3A_600 = vector.shape_cast %select_n3A_599 : vector<16xi32> to vector<16x1xi32>
              %gather3A_601 = vector.shape_cast %broadcast_in_dim3A_600 : vector<16x1xi32> to vector<16xi32>
              %gather3A_602 = tpu.dynamic_gather %max3A_589[%gather3A_601] in [0] : vector<16xf32>, vector<16xi32> -> vector<16xf32>
              %max3A_603 = arith.maximumf %max3A_589, %gather3A_602 : vector<16xf32>
              %xor3A_604 = arith.constant 8 : i32
              %xor3A_605 = vector.broadcast %xor3A_604 : i32 to vector<16xi32>
              %xor3A_606 = arith.xori %iota3A, %xor3A_605 : vector<16xi32>
              %lt3A_607 = arith.constant 0 : i32
              %lt3A_608 = vector.broadcast %lt3A_607 : i32 to vector<16xi32>
              %lt3A_609 = arith.cmpi slt, %xor3A_606, %lt3A_608 : vector<16xi32>
              %add3A_610 = arith.constant 16 : i32
              %add3A_611 = vector.broadcast %add3A_610 : i32 to vector<16xi32>
              %add3A_612 = arith.addi %xor3A_606, %add3A_611 : vector<16xi32>
              %select_n3A_613 = arith.select %lt3A_609, %add3A_612, %xor3A_606 : vector<16xi1>, vector<16xi32>
              %broadcast_in_dim3A_614 = vector.shape_cast %select_n3A_613 : vector<16xi32> to vector<16x1xi32>
              %gather3A_615 = vector.shape_cast %broadcast_in_dim3A_614 : vector<16x1xi32> to vector<16xi32>
              %gather3A_616 = tpu.dynamic_gather %max3A_603[%gather3A_615] in [0] : vector<16xf32>, vector<16xi32> -> vector<16xf32>
              %max3A_617 = arith.maximumf %max3A_603, %gather3A_616 : vector<16xf32>
              %eq3A_618 = arith.cmpf oeq, %scan3A_560#0, %max3A_617 : vector<16xf32>
              %jit3A_619 = arith.constant -1 : i32
              %broadcast_in_dim3A_620 = vector.broadcast %jit3A_619 : i32 to vector<16xi32>
              %select_n3A_621 = arith.select %eq3A_618, %scan3A_560#1, %broadcast_in_dim3A_620 : vector<16xi1>, vector<16xi32>
              %xor3A_622 = arith.constant 1 : i32
              %xor3A_623 = vector.broadcast %xor3A_622 : i32 to vector<16xi32>
              %xor3A_624 = arith.xori %iota3A, %xor3A_623 : vector<16xi32>
              %lt3A_625 = arith.constant 0 : i32
              %lt3A_626 = vector.broadcast %lt3A_625 : i32 to vector<16xi32>
              %lt3A_627 = arith.cmpi slt, %xor3A_624, %lt3A_626 : vector<16xi32>
              %add3A_628 = arith.constant 16 : i32
              %add3A_629 = vector.broadcast %add3A_628 : i32 to vector<16xi32>
              %add3A_630 = arith.addi %xor3A_624, %add3A_629 : vector<16xi32>
              %select_n3A_631 = arith.select %lt3A_627, %add3A_630, %xor3A_624 : vector<16xi1>, vector<16xi32>
              %broadcast_in_dim3A_632 = vector.shape_cast %select_n3A_631 : vector<16xi32> to vector<16x1xi32>
              %gather3A_633 = vector.shape_cast %broadcast_in_dim3A_632 : vector<16x1xi32> to vector<16xi32>
              %gather3A_634 = tpu.dynamic_gather %select_n3A_621[%gather3A_633] in [0] : vector<16xi32>, vector<16xi32> -> vector<16xi32>
              %max3A_635 = arith.maxsi %select_n3A_621, %gather3A_634 : vector<16xi32>
              %xor3A_636 = arith.constant 2 : i32
              %xor3A_637 = vector.broadcast %xor3A_636 : i32 to vector<16xi32>
              %xor3A_638 = arith.xori %iota3A, %xor3A_637 : vector<16xi32>
              %lt3A_639 = arith.constant 0 : i32
              %lt3A_640 = vector.broadcast %lt3A_639 : i32 to vector<16xi32>
              %lt3A_641 = arith.cmpi slt, %xor3A_638, %lt3A_640 : vector<16xi32>
              %add3A_642 = arith.constant 16 : i32
              %add3A_643 = vector.broadcast %add3A_642 : i32 to vector<16xi32>
              %add3A_644 = arith.addi %xor3A_638, %add3A_643 : vector<16xi32>
              %select_n3A_645 = arith.select %lt3A_641, %add3A_644, %xor3A_638 : vector<16xi1>, vector<16xi32>
              %broadcast_in_dim3A_646 = vector.shape_cast %select_n3A_645 : vector<16xi32> to vector<16x1xi32>
              %gather3A_647 = vector.shape_cast %broadcast_in_dim3A_646 : vector<16x1xi32> to vector<16xi32>
              %gather3A_648 = tpu.dynamic_gather %max3A_635[%gather3A_647] in [0] : vector<16xi32>, vector<16xi32> -> vector<16xi32>
              %max3A_649 = arith.maxsi %max3A_635, %gather3A_648 : vector<16xi32>
              %xor3A_650 = arith.constant 4 : i32
              %xor3A_651 = vector.broadcast %xor3A_650 : i32 to vector<16xi32>
              %xor3A_652 = arith.xori %iota3A, %xor3A_651 : vector<16xi32>
              %lt3A_653 = arith.constant 0 : i32
              %lt3A_654 = vector.broadcast %lt3A_653 : i32 to vector<16xi32>
              %lt3A_655 = arith.cmpi slt, %xor3A_652, %lt3A_654 : vector<16xi32>
              %add3A_656 = arith.constant 16 : i32
              %add3A_657 = vector.broadcast %add3A_656 : i32 to vector<16xi32>
              %add3A_658 = arith.addi %xor3A_652, %add3A_657 : vector<16xi32>
              %select_n3A_659 = arith.select %lt3A_655, %add3A_658, %xor3A_652 : vector<16xi1>, vector<16xi32>
              %broadcast_in_dim3A_660 = vector.shape_cast %select_n3A_659 : vector<16xi32> to vector<16x1xi32>
              %gather3A_661 = vector.shape_cast %broadcast_in_dim3A_660 : vector<16x1xi32> to vector<16xi32>
              %gather3A_662 = tpu.dynamic_gather %max3A_649[%gather3A_661] in [0] : vector<16xi32>, vector<16xi32> -> vector<16xi32>
              %max3A_663 = arith.maxsi %max3A_649, %gather3A_662 : vector<16xi32>
              %xor3A_664 = arith.constant 8 : i32
              %xor3A_665 = vector.broadcast %xor3A_664 : i32 to vector<16xi32>
              %xor3A_666 = arith.xori %iota3A, %xor3A_665 : vector<16xi32>
              %lt3A_667 = arith.constant 0 : i32
              %lt3A_668 = vector.broadcast %lt3A_667 : i32 to vector<16xi32>
              %lt3A_669 = arith.cmpi slt, %xor3A_666, %lt3A_668 : vector<16xi32>
              %add3A_670 = arith.constant 16 : i32
              %add3A_671 = vector.broadcast %add3A_670 : i32 to vector<16xi32>
              %add3A_672 = arith.addi %xor3A_666, %add3A_671 : vector<16xi32>
              %select_n3A_673 = arith.select %lt3A_669, %add3A_672, %xor3A_666 : vector<16xi1>, vector<16xi32>
              %broadcast_in_dim3A_674 = vector.shape_cast %select_n3A_673 : vector<16xi32> to vector<16x1xi32>
              %gather3A_675 = vector.shape_cast %broadcast_in_dim3A_674 : vector<16x1xi32> to vector<16xi32>
              %gather3A_676 = tpu.dynamic_gather %max3A_663[%gather3A_675] in [0] : vector<16xi32>, vector<16xi32> -> vector<16xi32>
              %max3A_677 = arith.maxsi %max3A_663, %gather3A_676 : vector<16xi32>
              %xor3A_678 = arith.constant 1 : i32
              %xor3A_679 = vector.broadcast %xor3A_678 : i32 to vector<16xi32>
              %xor3A_680 = arith.xori %iota3A, %xor3A_679 : vector<16xi32>
              %lt3A_681 = arith.constant 0 : i32
              %lt3A_682 = vector.broadcast %lt3A_681 : i32 to vector<16xi32>
              %lt3A_683 = arith.cmpi slt, %xor3A_680, %lt3A_682 : vector<16xi32>
              %add3A_684 = arith.constant 16 : i32
              %add3A_685 = vector.broadcast %add3A_684 : i32 to vector<16xi32>
              %add3A_686 = arith.addi %xor3A_680, %add3A_685 : vector<16xi32>
              %select_n3A_687 = arith.select %lt3A_683, %add3A_686, %xor3A_680 : vector<16xi1>, vector<16xi32>
              %broadcast_in_dim3A_688 = vector.shape_cast %select_n3A_687 : vector<16xi32> to vector<16x1xi32>
              %gather3A_689 = vector.shape_cast %broadcast_in_dim3A_688 : vector<16x1xi32> to vector<16xi32>
              %gather3A_690 = tpu.dynamic_gather %scan3A_560#2[%gather3A_689] in [0] : vector<16xi32>, vector<16xi32> -> vector<16xi32>
              %add3A_691 = arith.addi %scan3A_560#2, %gather3A_690 : vector<16xi32>
              %xor3A_692 = arith.constant 2 : i32
              %xor3A_693 = vector.broadcast %xor3A_692 : i32 to vector<16xi32>
              %xor3A_694 = arith.xori %iota3A, %xor3A_693 : vector<16xi32>
              %lt3A_695 = arith.constant 0 : i32
              %lt3A_696 = vector.broadcast %lt3A_695 : i32 to vector<16xi32>
              %lt3A_697 = arith.cmpi slt, %xor3A_694, %lt3A_696 : vector<16xi32>
              %add3A_698 = arith.constant 16 : i32
              %add3A_699 = vector.broadcast %add3A_698 : i32 to vector<16xi32>
              %add3A_700 = arith.addi %xor3A_694, %add3A_699 : vector<16xi32>
              %select_n3A_701 = arith.select %lt3A_697, %add3A_700, %xor3A_694 : vector<16xi1>, vector<16xi32>
              %broadcast_in_dim3A_702 = vector.shape_cast %select_n3A_701 : vector<16xi32> to vector<16x1xi32>
              %gather3A_703 = vector.shape_cast %broadcast_in_dim3A_702 : vector<16x1xi32> to vector<16xi32>
              %gather3A_704 = tpu.dynamic_gather %add3A_691[%gather3A_703] in [0] : vector<16xi32>, vector<16xi32> -> vector<16xi32>
              %add3A_705 = arith.addi %add3A_691, %gather3A_704 : vector<16xi32>
              %xor3A_706 = arith.constant 4 : i32
              %xor3A_707 = vector.broadcast %xor3A_706 : i32 to vector<16xi32>
              %xor3A_708 = arith.xori %iota3A, %xor3A_707 : vector<16xi32>
              %lt3A_709 = arith.constant 0 : i32
              %lt3A_710 = vector.broadcast %lt3A_709 : i32 to vector<16xi32>
              %lt3A_711 = arith.cmpi slt, %xor3A_708, %lt3A_710 : vector<16xi32>
              %add3A_712 = arith.constant 16 : i32
              %add3A_713 = vector.broadcast %add3A_712 : i32 to vector<16xi32>
              %add3A_714 = arith.addi %xor3A_708, %add3A_713 : vector<16xi32>
              %select_n3A_715 = arith.select %lt3A_711, %add3A_714, %xor3A_708 : vector<16xi1>, vector<16xi32>
              %broadcast_in_dim3A_716 = vector.shape_cast %select_n3A_715 : vector<16xi32> to vector<16x1xi32>
              %gather3A_717 = vector.shape_cast %broadcast_in_dim3A_716 : vector<16x1xi32> to vector<16xi32>
              %gather3A_718 = tpu.dynamic_gather %add3A_705[%gather3A_717] in [0] : vector<16xi32>, vector<16xi32> -> vector<16xi32>
              %add3A_719 = arith.addi %add3A_705, %gather3A_718 : vector<16xi32>
              %xor3A_720 = arith.constant 8 : i32
              %xor3A_721 = vector.broadcast %xor3A_720 : i32 to vector<16xi32>
              %xor3A_722 = arith.xori %iota3A, %xor3A_721 : vector<16xi32>
              %lt3A_723 = arith.constant 0 : i32
              %lt3A_724 = vector.broadcast %lt3A_723 : i32 to vector<16xi32>
              %lt3A_725 = arith.cmpi slt, %xor3A_722, %lt3A_724 : vector<16xi32>
              %add3A_726 = arith.constant 16 : i32
              %add3A_727 = vector.broadcast %add3A_726 : i32 to vector<16xi32>
              %add3A_728 = arith.addi %xor3A_722, %add3A_727 : vector<16xi32>
              %select_n3A_729 = arith.select %lt3A_725, %add3A_728, %xor3A_722 : vector<16xi1>, vector<16xi32>
              %broadcast_in_dim3A_730 = vector.shape_cast %select_n3A_729 : vector<16xi32> to vector<16x1xi32>
              %gather3A_731 = vector.shape_cast %broadcast_in_dim3A_730 : vector<16x1xi32> to vector<16xi32>
              %gather3A_732 = tpu.dynamic_gather %add3A_719[%gather3A_731] in [0] : vector<16xi32>, vector<16xi32> -> vector<16xi32>
              %add3A_733 = arith.addi %add3A_719, %gather3A_732 : vector<16xi32>
              %convert_element_type3A_734 = arith.sitofp %add3A_733 : vector<16xi32> to vector<16xf32>
              %xor3A_735 = arith.constant 1 : i32
              %xor3A_736 = vector.broadcast %xor3A_735 : i32 to vector<16xi32>
              %xor3A_737 = arith.xori %iota3A, %xor3A_736 : vector<16xi32>
              %lt3A_738 = arith.constant 0 : i32
              %lt3A_739 = vector.broadcast %lt3A_738 : i32 to vector<16xi32>
              %lt3A_740 = arith.cmpi slt, %xor3A_737, %lt3A_739 : vector<16xi32>
              %add3A_741 = arith.constant 16 : i32
              %add3A_742 = vector.broadcast %add3A_741 : i32 to vector<16xi32>
              %add3A_743 = arith.addi %xor3A_737, %add3A_742 : vector<16xi32>
              %select_n3A_744 = arith.select %lt3A_740, %add3A_743, %xor3A_737 : vector<16xi1>, vector<16xi32>
              %broadcast_in_dim3A_745 = vector.shape_cast %select_n3A_744 : vector<16xi32> to vector<16x1xi32>
              %gather3A_746 = vector.shape_cast %broadcast_in_dim3A_745 : vector<16x1xi32> to vector<16xi32>
              %gather3A_747 = tpu.dynamic_gather %scan3A_560#3[%gather3A_746] in [0] : vector<16xf32>, vector<16xi32> -> vector<16xf32>
              %add3A_748 = arith.addf %scan3A_560#3, %gather3A_747 : vector<16xf32>
              %xor3A_749 = arith.constant 2 : i32
              %xor3A_750 = vector.broadcast %xor3A_749 : i32 to vector<16xi32>
              %xor3A_751 = arith.xori %iota3A, %xor3A_750 : vector<16xi32>
              %lt3A_752 = arith.constant 0 : i32
              %lt3A_753 = vector.broadcast %lt3A_752 : i32 to vector<16xi32>
              %lt3A_754 = arith.cmpi slt, %xor3A_751, %lt3A_753 : vector<16xi32>
              %add3A_755 = arith.constant 16 : i32
              %add3A_756 = vector.broadcast %add3A_755 : i32 to vector<16xi32>
              %add3A_757 = arith.addi %xor3A_751, %add3A_756 : vector<16xi32>
              %select_n3A_758 = arith.select %lt3A_754, %add3A_757, %xor3A_751 : vector<16xi1>, vector<16xi32>
              %broadcast_in_dim3A_759 = vector.shape_cast %select_n3A_758 : vector<16xi32> to vector<16x1xi32>
              %gather3A_760 = vector.shape_cast %broadcast_in_dim3A_759 : vector<16x1xi32> to vector<16xi32>
              %gather3A_761 = tpu.dynamic_gather %add3A_748[%gather3A_760] in [0] : vector<16xf32>, vector<16xi32> -> vector<16xf32>
              %add3A_762 = arith.addf %add3A_748, %gather3A_761 : vector<16xf32>
              %xor3A_763 = arith.constant 4 : i32
              %xor3A_764 = vector.broadcast %xor3A_763 : i32 to vector<16xi32>
              %xor3A_765 = arith.xori %iota3A, %xor3A_764 : vector<16xi32>
              %lt3A_766 = arith.constant 0 : i32
              %lt3A_767 = vector.broadcast %lt3A_766 : i32 to vector<16xi32>
              %lt3A_768 = arith.cmpi slt, %xor3A_765, %lt3A_767 : vector<16xi32>
              %add3A_769 = arith.constant 16 : i32
              %add3A_770 = vector.broadcast %add3A_769 : i32 to vector<16xi32>
              %add3A_771 = arith.addi %xor3A_765, %add3A_770 : vector<16xi32>
              %select_n3A_772 = arith.select %lt3A_768, %add3A_771, %xor3A_765 : vector<16xi1>, vector<16xi32>
              %broadcast_in_dim3A_773 = vector.shape_cast %select_n3A_772 : vector<16xi32> to vector<16x1xi32>
              %gather3A_774 = vector.shape_cast %broadcast_in_dim3A_773 : vector<16x1xi32> to vector<16xi32>
              %gather3A_775 = tpu.dynamic_gather %add3A_762[%gather3A_774] in [0] : vector<16xf32>, vector<16xi32> -> vector<16xf32>
              %add3A_776 = arith.addf %add3A_762, %gather3A_775 : vector<16xf32>
              %xor3A_777 = arith.constant 8 : i32
              %xor3A_778 = vector.broadcast %xor3A_777 : i32 to vector<16xi32>
              %xor3A_779 = arith.xori %iota3A, %xor3A_778 : vector<16xi32>
              %lt3A_780 = arith.constant 0 : i32
              %lt3A_781 = vector.broadcast %lt3A_780 : i32 to vector<16xi32>
              %lt3A_782 = arith.cmpi slt, %xor3A_779, %lt3A_781 : vector<16xi32>
              %add3A_783 = arith.constant 16 : i32
              %add3A_784 = vector.broadcast %add3A_783 : i32 to vector<16xi32>
              %add3A_785 = arith.addi %xor3A_779, %add3A_784 : vector<16xi32>
              %select_n3A_786 = arith.select %lt3A_782, %add3A_785, %xor3A_779 : vector<16xi1>, vector<16xi32>
              %broadcast_in_dim3A_787 = vector.shape_cast %select_n3A_786 : vector<16xi32> to vector<16x1xi32>
              %gather3A_788 = vector.shape_cast %broadcast_in_dim3A_787 : vector<16x1xi32> to vector<16xi32>
              %gather3A_789 = tpu.dynamic_gather %add3A_776[%gather3A_788] in [0] : vector<16xf32>, vector<16xi32> -> vector<16xf32>
              %add3A_790 = arith.addf %add3A_776, %gather3A_789 : vector<16xf32>
              %xor3A_791 = arith.constant 1 : i32
              %xor3A_792 = vector.broadcast %xor3A_791 : i32 to vector<16xi32>
              %xor3A_793 = arith.xori %iota3A, %xor3A_792 : vector<16xi32>
              %lt3A_794 = arith.constant 0 : i32
              %lt3A_795 = vector.broadcast %lt3A_794 : i32 to vector<16xi32>
              %lt3A_796 = arith.cmpi slt, %xor3A_793, %lt3A_795 : vector<16xi32>
              %add3A_797 = arith.constant 16 : i32
              %add3A_798 = vector.broadcast %add3A_797 : i32 to vector<16xi32>
              %add3A_799 = arith.addi %xor3A_793, %add3A_798 : vector<16xi32>
              %select_n3A_800 = arith.select %lt3A_796, %add3A_799, %xor3A_793 : vector<16xi1>, vector<16xi32>
              %broadcast_in_dim3A_801 = vector.shape_cast %select_n3A_800 : vector<16xi32> to vector<16x1xi32>
              %gather3A_802 = vector.shape_cast %broadcast_in_dim3A_801 : vector<16x1xi32> to vector<16xi32>
              %gather3A_803 = tpu.dynamic_gather %scan3A_560#4[%gather3A_802] in [0] : vector<16xi32>, vector<16xi32> -> vector<16xi32>
              %add3A_804 = arith.addi %scan3A_560#4, %gather3A_803 : vector<16xi32>
              %xor3A_805 = arith.constant 2 : i32
              %xor3A_806 = vector.broadcast %xor3A_805 : i32 to vector<16xi32>
              %xor3A_807 = arith.xori %iota3A, %xor3A_806 : vector<16xi32>
              %lt3A_808 = arith.constant 0 : i32
              %lt3A_809 = vector.broadcast %lt3A_808 : i32 to vector<16xi32>
              %lt3A_810 = arith.cmpi slt, %xor3A_807, %lt3A_809 : vector<16xi32>
              %add3A_811 = arith.constant 16 : i32
              %add3A_812 = vector.broadcast %add3A_811 : i32 to vector<16xi32>
              %add3A_813 = arith.addi %xor3A_807, %add3A_812 : vector<16xi32>
              %select_n3A_814 = arith.select %lt3A_810, %add3A_813, %xor3A_807 : vector<16xi1>, vector<16xi32>
              %broadcast_in_dim3A_815 = vector.shape_cast %select_n3A_814 : vector<16xi32> to vector<16x1xi32>
              %gather3A_816 = vector.shape_cast %broadcast_in_dim3A_815 : vector<16x1xi32> to vector<16xi32>
              %gather3A_817 = tpu.dynamic_gather %add3A_804[%gather3A_816] in [0] : vector<16xi32>, vector<16xi32> -> vector<16xi32>
              %add3A_818 = arith.addi %add3A_804, %gather3A_817 : vector<16xi32>
              %xor3A_819 = arith.constant 4 : i32
              %xor3A_820 = vector.broadcast %xor3A_819 : i32 to vector<16xi32>
              %xor3A_821 = arith.xori %iota3A, %xor3A_820 : vector<16xi32>
              %lt3A_822 = arith.constant 0 : i32
              %lt3A_823 = vector.broadcast %lt3A_822 : i32 to vector<16xi32>
              %lt3A_824 = arith.cmpi slt, %xor3A_821, %lt3A_823 : vector<16xi32>
              %add3A_825 = arith.constant 16 : i32
              %add3A_826 = vector.broadcast %add3A_825 : i32 to vector<16xi32>
              %add3A_827 = arith.addi %xor3A_821, %add3A_826 : vector<16xi32>
              %select_n3A_828 = arith.select %lt3A_824, %add3A_827, %xor3A_821 : vector<16xi1>, vector<16xi32>
              %broadcast_in_dim3A_829 = vector.shape_cast %select_n3A_828 : vector<16xi32> to vector<16x1xi32>
              %gather3A_830 = vector.shape_cast %broadcast_in_dim3A_829 : vector<16x1xi32> to vector<16xi32>
              %gather3A_831 = tpu.dynamic_gather %add3A_818[%gather3A_830] in [0] : vector<16xi32>, vector<16xi32> -> vector<16xi32>
              %add3A_832 = arith.addi %add3A_818, %gather3A_831 : vector<16xi32>
              %xor3A_833 = arith.constant 8 : i32
              %xor3A_834 = vector.broadcast %xor3A_833 : i32 to vector<16xi32>
              %xor3A_835 = arith.xori %iota3A, %xor3A_834 : vector<16xi32>
              %lt3A_836 = arith.constant 0 : i32
              %lt3A_837 = vector.broadcast %lt3A_836 : i32 to vector<16xi32>
              %lt3A_838 = arith.cmpi slt, %xor3A_835, %lt3A_837 : vector<16xi32>
              %add3A_839 = arith.constant 16 : i32
              %add3A_840 = vector.broadcast %add3A_839 : i32 to vector<16xi32>
              %add3A_841 = arith.addi %xor3A_835, %add3A_840 : vector<16xi32>
              %select_n3A_842 = arith.select %lt3A_838, %add3A_841, %xor3A_835 : vector<16xi1>, vector<16xi32>
              %broadcast_in_dim3A_843 = vector.shape_cast %select_n3A_842 : vector<16xi32> to vector<16x1xi32>
              %gather3A_844 = vector.shape_cast %broadcast_in_dim3A_843 : vector<16x1xi32> to vector<16xi32>
              %gather3A_845 = tpu.dynamic_gather %add3A_832[%gather3A_844] in [0] : vector<16xi32>, vector<16xi32> -> vector<16xi32>
              %add3A_846 = arith.addi %add3A_832, %gather3A_845 : vector<16xi32>
              %convert_element_type3A_847 = arith.sitofp %add3A_846 : vector<16xi32> to vector<16xf32>
              %eq3A_848 = vector.broadcast %arg1 : i32 to vector<16xi32>
              %eq3A_849 = arith.cmpi eq, %iota3A, %eq3A_848 : vector<16xi32>
              %jit3A_850 = arith.constant 0xFF800000 : f32
              %broadcast_in_dim3A_851 = vector.broadcast %jit3A_850 : f32 to vector<16xf32>
              %select_n3A_852 = arith.select %eq3A_849, %max3A_617, %broadcast_in_dim3A_851 : vector<16xi1>, vector<16xf32>
              %swap3A_853 = arith.constant 0 : index
              %swap3A_854 = tpu.vector_load %arg27[%swap3A_853] {strides = array<i32>} : memref<80xf32, #tpu.memory_space<vmem>>, vector<16xf32>,
              %swap3A_855 = vector.shape_cast %swap3A_854 : vector<16xf32> to vector<16xf32>
              %swap3A_856 = vector.shape_cast %select_n3A_852 : vector<16xf32> to vector<16xf32>
              tpu.vector_store %arg27[%swap3A_853], %swap3A_856 {strides = array<i32>} : memref<80xf32, #tpu.memory_space<vmem>>, vector<16xf32>,
              %convert_element_type3A_857 = arith.sitofp %max3A_677 : vector<16xi32> to vector<16xf32>
              %jit3A_858 = arith.constant -1.000000e+00 : f32
              %broadcast_in_dim3A_859 = vector.broadcast %jit3A_858 : f32 to vector<16xf32>
              %select_n3A_860 = arith.select %eq3A_849, %convert_element_type3A_857, %broadcast_in_dim3A_859 : vector<16xi1>, vector<16xf32>
              %swap3A_861 = arith.constant 16 : index
              %swap3A_862 = tpu.vector_load %arg27[%swap3A_861] {strides = array<i32>} : memref<80xf32, #tpu.memory_space<vmem>>, vector<16xf32>,
              %swap3A_863 = vector.shape_cast %swap3A_862 : vector<16xf32> to vector<16xf32>
              %swap3A_864 = vector.shape_cast %select_n3A_860 : vector<16xf32> to vector<16xf32>
              tpu.vector_store %arg27[%swap3A_861], %swap3A_864 {strides = array<i32>} : memref<80xf32, #tpu.memory_space<vmem>>, vector<16xf32>,
              %jit3A_865 = arith.constant 0.000000e+00 : f32
              %broadcast_in_dim3A_866 = vector.broadcast %jit3A_865 : f32 to vector<16xf32>
              %select_n3A_867 = arith.select %eq3A_849, %convert_element_type3A_734, %broadcast_in_dim3A_866 : vector<16xi1>, vector<16xf32>
              %swap3A_868 = arith.constant 32 : index
              %swap3A_869 = tpu.vector_load %arg27[%swap3A_868] {strides = array<i32>} : memref<80xf32, #tpu.memory_space<vmem>>, vector<16xf32>,
              %swap3A_870 = vector.shape_cast %swap3A_869 : vector<16xf32> to vector<16xf32>
              %swap3A_871 = vector.shape_cast %select_n3A_867 : vector<16xf32> to vector<16xf32>
              tpu.vector_store %arg27[%swap3A_868], %swap3A_871 {strides = array<i32>} : memref<80xf32, #tpu.memory_space<vmem>>, vector<16xf32>,
              %jit3A_872 = arith.constant 0.000000e+00 : f32
              %broadcast_in_dim3A_873 = vector.broadcast %jit3A_872 : f32 to vector<16xf32>
              %select_n3A_874 = arith.select %eq3A_849, %add3A_790, %broadcast_in_dim3A_873 : vector<16xi1>, vector<16xf32>
              %swap3A_875 = arith.constant 48 : index
              %swap3A_876 = tpu.vector_load %arg27[%swap3A_875] {strides = array<i32>} : memref<80xf32, #tpu.memory_space<vmem>>, vector<16xf32>,
              %swap3A_877 = vector.shape_cast %swap3A_876 : vector<16xf32> to vector<16xf32>
              %swap3A_878 = vector.shape_cast %select_n3A_874 : vector<16xf32> to vector<16xf32>
              tpu.vector_store %arg27[%swap3A_875], %swap3A_878 {strides = array<i32>} : memref<80xf32, #tpu.memory_space<vmem>>, vector<16xf32>,
              %jit3A_879 = arith.constant 0.000000e+00 : f32
              %broadcast_in_dim3A_880 = vector.broadcast %jit3A_879 : f32 to vector<16xf32>
              %select_n3A_881 = arith.select %eq3A_849, %convert_element_type3A_847, %broadcast_in_dim3A_880 : vector<16xi1>, vector<16xf32>
              %swap3A_882 = arith.constant 64 : index
              %swap3A_883 = tpu.vector_load %arg27[%swap3A_882] {strides = array<i32>} : memref<80xf32, #tpu.memory_space<vmem>>, vector<16xf32>,
              %swap3A_884 = vector.shape_cast %swap3A_883 : vector<16xf32> to vector<16xf32>
              %swap3A_885 = vector.shape_cast %select_n3A_881 : vector<16xf32> to vector<16xf32>
              tpu.vector_store %arg27[%swap3A_882], %swap3A_885 {strides = array<i32>} : memref<80xf32, #tpu.memory_space<vmem>>, vector<16xf32>,
              %get3A_886 = arith.constant 7 : i32
              %get3A_887 = arith.index_cast %get3A_886 : i32 to index
              %get3A_888 = memref.load %arg31[%get3A_887] : memref<8xi32, #tpu.memory_space<smem>>
              %mul3A_889 = arith.constant 1280 : i32
              %mul3A_890 = arith.muli %get3A_888, %mul3A_889 : i32
              %mul3A_891 = arith.constant 80 : i32
              %mul3A_892 = arith.muli %arg1, %mul3A_891 : i32
              %add3A_893 = arith.addi %mul3A_890, %mul3A_892 : i32
              "tpu.region"() ({
                %run_scoped3A = tpu.sem_alloc : memref<!tpu.dma_semaphore, #tpu.memory_space<semaphore_mem>>
                %dma_start3A_1428 = tpu.memref_slice %arg29[%add3A_893] : memref<2560xf32, #tpu.memory_space<vmem_shared>> -> memref<80xf32, #tpu.memory_space<vmem_shared>>
                %dma_start3A_1429 = tpu.memref_slice %arg29[%add3A_893] : memref<2560xf32, #tpu.memory_space<vmem_shared>> -> memref<80xf32, #tpu.memory_space<vmem_shared>>
                tpu.enqueue_dma source(%arg27 : memref<80xf32, #tpu.memory_space<vmem>>) target(%dma_start3A_1429 : memref<80xf32, #tpu.memory_space<vmem_shared>>) target_semaphore(%run_scoped3A : memref<!tpu.dma_semaphore, #tpu.memory_space<semaphore_mem>>)
                %dma_wait3A_1430 = tpu.memref_slice %arg29[%add3A_893] : memref<2560xf32, #tpu.memory_space<vmem_shared>> -> memref<80xf32, #tpu.memory_space<vmem_shared>>
                %dma_wait3A_1431 = tpu.memref_slice %arg29[%add3A_893] : memref<2560xf32, #tpu.memory_space<vmem_shared>> -> memref<80xf32, #tpu.memory_space<vmem_shared>>
                tpu.wait_dma2 semaphore(%run_scoped3A : memref<!tpu.dma_semaphore, #tpu.memory_space<semaphore_mem>>) src(%arg27 : memref<80xf32, #tpu.memory_space<vmem>>) dst(%dma_wait3A_1431 : memref<80xf32, #tpu.memory_space<vmem_shared>>)
                tpu.yield
              }) : () -> ()
              %barrier3A_894 = arith.constant 0 : index
              tpu.barrier barrier_id(%barrier3A_894)
              "tpu.region"() ({
                %run_scoped3A = tpu.sem_alloc : memref<!tpu.dma_semaphore, #tpu.memory_space<semaphore_mem>>
                %dma_start3A_1428 = tpu.memref_slice %arg29[%mul3A_890] : memref<2560xf32, #tpu.memory_space<vmem_shared>> -> memref<1280xf32, #tpu.memory_space<vmem_shared>>
                %dma_start3A_1429 = tpu.memref_slice %arg29[%mul3A_890] : memref<2560xf32, #tpu.memory_space<vmem_shared>> -> memref<1280xf32, #tpu.memory_space<vmem_shared>>
                tpu.enqueue_dma source(%dma_start3A_1429 : memref<1280xf32, #tpu.memory_space<vmem_shared>>) target(%arg26 : memref<1280xf32, #tpu.memory_space<vmem>>) target_semaphore(%run_scoped3A : memref<!tpu.dma_semaphore, #tpu.memory_space<semaphore_mem>>)
                %dma_wait3A_1430 = tpu.memref_slice %arg29[%mul3A_890] : memref<2560xf32, #tpu.memory_space<vmem_shared>> -> memref<1280xf32, #tpu.memory_space<vmem_shared>>
                %dma_wait3A_1431 = tpu.memref_slice %arg29[%mul3A_890] : memref<2560xf32, #tpu.memory_space<vmem_shared>> -> memref<1280xf32, #tpu.memory_space<vmem_shared>>
                tpu.wait_dma2 semaphore(%run_scoped3A : memref<!tpu.dma_semaphore, #tpu.memory_space<semaphore_mem>>) src(%dma_wait3A_1431 : memref<1280xf32, #tpu.memory_space<vmem_shared>>) dst(%arg26 : memref<1280xf32, #tpu.memory_space<vmem>>)
                tpu.yield
              }) : () -> ()
              %get3A_895 = arith.constant 7 : i32
              %get3A_896 = arith.index_cast %get3A_895 : i32 to index
              %get3A_897 = memref.load %arg31[%get3A_896] : memref<8xi32, #tpu.memory_space<smem>>
              %sub3A_898 = arith.constant 1 : i32
              %sub3A_899 = arith.subi %sub3A_898, %get3A_897 : i32
              %swap3A_900 = arith.constant 7 : i32
              %swap3A_901 = arith.index_cast %swap3A_900 : i32 to index
              %swap3A_902 = memref.load %arg31[%swap3A_901] : memref<8xi32, #tpu.memory_space<smem>>
              memref.store %sub3A_899, %arg31[%swap3A_901] : memref<8xi32, #tpu.memory_space<smem>>
              %get3A_903 = arith.constant 0 : index
              %get3A_904 = tpu.vector_load %arg26[%get3A_903] {strides = array<i32>} : memref<1280xf32, #tpu.memory_space<vmem>>, vector<16xf32>,
              %get3A_905 = vector.shape_cast %get3A_904 : vector<16xf32> to vector<16xf32>
              %get3A_906 = arith.constant 16 : index
              %get3A_907 = tpu.vector_load %arg26[%get3A_906] {strides = array<i32>} : memref<1280xf32, #tpu.memory_space<vmem>>, vector<16xf32>,
              %get3A_908 = vector.shape_cast %get3A_907 : vector<16xf32> to vector<16xf32>
              %get3A_909 = arith.constant 32 : index
              %get3A_910 = tpu.vector_load %arg26[%get3A_909] {strides = array<i32>} : memref<1280xf32, #tpu.memory_space<vmem>>, vector<16xf32>,
              %get3A_911 = vector.shape_cast %get3A_910 : vector<16xf32> to vector<16xf32>
              %get3A_912 = arith.constant 48 : index
              %get3A_913 = tpu.vector_load %arg26[%get3A_912] {strides = array<i32>} : memref<1280xf32, #tpu.memory_space<vmem>>, vector<16xf32>,
              %get3A_914 = vector.shape_cast %get3A_913 : vector<16xf32> to vector<16xf32>
              %get3A_915 = arith.constant 64 : index
              %get3A_916 = tpu.vector_load %arg26[%get3A_915] {strides = array<i32>} : memref<1280xf32, #tpu.memory_space<vmem>>, vector<16xf32>,
              %get3A_917 = vector.shape_cast %get3A_916 : vector<16xf32> to vector<16xf32>
              %get3A_918 = arith.constant 80 : index
              %get3A_919 = tpu.vector_load %arg26[%get3A_918] {strides = array<i32>} : memref<1280xf32, #tpu.memory_space<vmem>>, vector<16xf32>,
              %get3A_920 = vector.shape_cast %get3A_919 : vector<16xf32> to vector<16xf32>
              %max3A_921 = arith.maximumf %get3A_905, %get3A_920 : vector<16xf32>
              %get3A_922 = arith.constant 96 : index
              %get3A_923 = tpu.vector_load %arg26[%get3A_922] {strides = array<i32>} : memref<1280xf32, #tpu.memory_space<vmem>>, vector<16xf32>,
              %get3A_924 = vector.shape_cast %get3A_923 : vector<16xf32> to vector<16xf32>
              %max3A_925 = arith.maximumf %get3A_908, %get3A_924 : vector<16xf32>
              %get3A_926 = arith.constant 112 : index
              %get3A_927 = tpu.vector_load %arg26[%get3A_926] {strides = array<i32>} : memref<1280xf32, #tpu.memory_space<vmem>>, vector<16xf32>,
              %get3A_928 = vector.shape_cast %get3A_927 : vector<16xf32> to vector<16xf32>
              %add3A_929 = arith.addf %get3A_911, %get3A_928 : vector<16xf32>
              %get3A_930 = arith.constant 128 : index
              %get3A_931 = tpu.vector_load %arg26[%get3A_930] {strides = array<i32>} : memref<1280xf32, #tpu.memory_space<vmem>>, vector<16xf32>,
              %get3A_932 = vector.shape_cast %get3A_931 : vector<16xf32> to vector<16xf32>
              %add3A_933 = arith.addf %get3A_914, %get3A_932 : vector<16xf32>
              %get3A_934 = arith.constant 144 : index
              %get3A_935 = tpu.vector_load %arg26[%get3A_934] {strides = array<i32>} : memref<1280xf32, #tpu.memory_space<vmem>>, vector<16xf32>,
              %get3A_936 = vector.shape_cast %get3A_935 : vector<16xf32> to vector<16xf32>
              %add3A_937 = arith.addf %get3A_917, %get3A_936 : vector<16xf32>
              %get3A_938 = arith.constant 160 : index
              %get3A_939 = tpu.vector_load %arg26[%get3A_938] {strides = array<i32>} : memref<1280xf32, #tpu.memory_space<vmem>>, vector<16xf32>,
              %get3A_940 = vector.shape_cast %get3A_939 : vector<16xf32> to vector<16xf32>
              %max3A_941 = arith.maximumf %max3A_921, %get3A_940 : vector<16xf32>
              %get3A_942 = arith.constant 176 : index
              %get3A_943 = tpu.vector_load %arg26[%get3A_942] {strides = array<i32>} : memref<1280xf32, #tpu.memory_space<vmem>>, vector<16xf32>,
              %get3A_944 = vector.shape_cast %get3A_943 : vector<16xf32> to vector<16xf32>
              %max3A_945 = arith.maximumf %max3A_925, %get3A_944 : vector<16xf32>
              %get3A_946 = arith.constant 192 : index
              %get3A_947 = tpu.vector_load %arg26[%get3A_946] {strides = array<i32>} : memref<1280xf32, #tpu.memory_space<vmem>>, vector<16xf32>,
              %get3A_948 = vector.shape_cast %get3A_947 : vector<16xf32> to vector<16xf32>
              %add3A_949 = arith.addf %add3A_929, %get3A_948 : vector<16xf32>
              %get3A_950 = arith.constant 208 : index
              %get3A_951 = tpu.vector_load %arg26[%get3A_950] {strides = array<i32>} : memref<1280xf32, #tpu.memory_space<vmem>>, vector<16xf32>,
              %get3A_952 = vector.shape_cast %get3A_951 : vector<16xf32> to vector<16xf32>
              %add3A_953 = arith.addf %add3A_933, %get3A_952 : vector<16xf32>
              %get3A_954 = arith.constant 224 : index
              %get3A_955 = tpu.vector_load %arg26[%get3A_954] {strides = array<i32>} : memref<1280xf32, #tpu.memory_space<vmem>>, vector<16xf32>,
              %get3A_956 = vector.shape_cast %get3A_955 : vector<16xf32> to vector<16xf32>
              %add3A_957 = arith.addf %add3A_937, %get3A_956 : vector<16xf32>
              %get3A_958 = arith.constant 240 : index
              %get3A_959 = tpu.vector_load %arg26[%get3A_958] {strides = array<i32>} : memref<1280xf32, #tpu.memory_space<vmem>>, vector<16xf32>,
              %get3A_960 = vector.shape_cast %get3A_959 : vector<16xf32> to vector<16xf32>
              %max3A_961 = arith.maximumf %max3A_941, %get3A_960 : vector<16xf32>
              %get3A_962 = arith.constant 256 : index
              %get3A_963 = tpu.vector_load %arg26[%get3A_962] {strides = array<i32>} : memref<1280xf32, #tpu.memory_space<vmem>>, vector<16xf32>,
              %get3A_964 = vector.shape_cast %get3A_963 : vector<16xf32> to vector<16xf32>
              %max3A_965 = arith.maximumf %max3A_945, %get3A_964 : vector<16xf32>
              %get3A_966 = arith.constant 272 : index
              %get3A_967 = tpu.vector_load %arg26[%get3A_966] {strides = array<i32>} : memref<1280xf32, #tpu.memory_space<vmem>>, vector<16xf32>,
              %get3A_968 = vector.shape_cast %get3A_967 : vector<16xf32> to vector<16xf32>
              %add3A_969 = arith.addf %add3A_949, %get3A_968 : vector<16xf32>
              %get3A_970 = arith.constant 288 : index
              %get3A_971 = tpu.vector_load %arg26[%get3A_970] {strides = array<i32>} : memref<1280xf32, #tpu.memory_space<vmem>>, vector<16xf32>,
              %get3A_972 = vector.shape_cast %get3A_971 : vector<16xf32> to vector<16xf32>
              %add3A_973 = arith.addf %add3A_953, %get3A_972 : vector<16xf32>
              %get3A_974 = arith.constant 304 : index
              %get3A_975 = tpu.vector_load %arg26[%get3A_974] {strides = array<i32>} : memref<1280xf32, #tpu.memory_space<vmem>>, vector<16xf32>,
              %get3A_976 = vector.shape_cast %get3A_975 : vector<16xf32> to vector<16xf32>
              %add3A_977 = arith.addf %add3A_957, %get3A_976 : vector<16xf32>
              %get3A_978 = arith.constant 320 : index
              %get3A_979 = tpu.vector_load %arg26[%get3A_978] {strides = array<i32>} : memref<1280xf32, #tpu.memory_space<vmem>>, vector<16xf32>,
              %get3A_980 = vector.shape_cast %get3A_979 : vector<16xf32> to vector<16xf32>
              %max3A_981 = arith.maximumf %max3A_961, %get3A_980 : vector<16xf32>
              %get3A_982 = arith.constant 336 : index
              %get3A_983 = tpu.vector_load %arg26[%get3A_982] {strides = array<i32>} : memref<1280xf32, #tpu.memory_space<vmem>>, vector<16xf32>,
              %get3A_984 = vector.shape_cast %get3A_983 : vector<16xf32> to vector<16xf32>
              %max3A_985 = arith.maximumf %max3A_965, %get3A_984 : vector<16xf32>
              %get3A_986 = arith.constant 352 : index
              %get3A_987 = tpu.vector_load %arg26[%get3A_986] {strides = array<i32>} : memref<1280xf32, #tpu.memory_space<vmem>>, vector<16xf32>,
              %get3A_988 = vector.shape_cast %get3A_987 : vector<16xf32> to vector<16xf32>
              %add3A_989 = arith.addf %add3A_969, %get3A_988 : vector<16xf32>
              %get3A_990 = arith.constant 368 : index
              %get3A_991 = tpu.vector_load %arg26[%get3A_990] {strides = array<i32>} : memref<1280xf32, #tpu.memory_space<vmem>>, vector<16xf32>,
              %get3A_992 = vector.shape_cast %get3A_991 : vector<16xf32> to vector<16xf32>
              %add3A_993 = arith.addf %add3A_973, %get3A_992 : vector<16xf32>
              %get3A_994 = arith.constant 384 : index
              %get3A_995 = tpu.vector_load %arg26[%get3A_994] {strides = array<i32>} : memref<1280xf32, #tpu.memory_space<vmem>>, vector<16xf32>,
              %get3A_996 = vector.shape_cast %get3A_995 : vector<16xf32> to vector<16xf32>
              %add3A_997 = arith.addf %add3A_977, %get3A_996 : vector<16xf32>
              %get3A_998 = arith.constant 400 : index
              %get3A_999 = tpu.vector_load %arg26[%get3A_998] {strides = array<i32>} : memref<1280xf32, #tpu.memory_space<vmem>>, vector<16xf32>,
              %get3A_1000 = vector.shape_cast %get3A_999 : vector<16xf32> to vector<16xf32>
              %max3A_1001 = arith.maximumf %max3A_981, %get3A_1000 : vector<16xf32>
              %get3A_1002 = arith.constant 416 : index
              %get3A_1003 = tpu.vector_load %arg26[%get3A_1002] {strides = array<i32>} : memref<1280xf32, #tpu.memory_space<vmem>>, vector<16xf32>,
              %get3A_1004 = vector.shape_cast %get3A_1003 : vector<16xf32> to vector<16xf32>
              %max3A_1005 = arith.maximumf %max3A_985, %get3A_1004 : vector<16xf32>
              %get3A_1006 = arith.constant 432 : index
              %get3A_1007 = tpu.vector_load %arg26[%get3A_1006] {strides = array<i32>} : memref<1280xf32, #tpu.memory_space<vmem>>, vector<16xf32>,
              %get3A_1008 = vector.shape_cast %get3A_1007 : vector<16xf32> to vector<16xf32>
              %add3A_1009 = arith.addf %add3A_989, %get3A_1008 : vector<16xf32>
              %get3A_1010 = arith.constant 448 : index
              %get3A_1011 = tpu.vector_load %arg26[%get3A_1010] {strides = array<i32>} : memref<1280xf32, #tpu.memory_space<vmem>>, vector<16xf32>,
              %get3A_1012 = vector.shape_cast %get3A_1011 : vector<16xf32> to vector<16xf32>
              %add3A_1013 = arith.addf %add3A_993, %get3A_1012 : vector<16xf32>
              %get3A_1014 = arith.constant 464 : index
              %get3A_1015 = tpu.vector_load %arg26[%get3A_1014] {strides = array<i32>} : memref<1280xf32, #tpu.memory_space<vmem>>, vector<16xf32>,
              %get3A_1016 = vector.shape_cast %get3A_1015 : vector<16xf32> to vector<16xf32>
              %add3A_1017 = arith.addf %add3A_997, %get3A_1016 : vector<16xf32>
              %get3A_1018 = arith.constant 480 : index
              %get3A_1019 = tpu.vector_load %arg26[%get3A_1018] {strides = array<i32>} : memref<1280xf32, #tpu.memory_space<vmem>>, vector<16xf32>,
              %get3A_1020 = vector.shape_cast %get3A_1019 : vector<16xf32> to vector<16xf32>
              %max3A_1021 = arith.maximumf %max3A_1001, %get3A_1020 : vector<16xf32>
              %get3A_1022 = arith.constant 496 : index
              %get3A_1023 = tpu.vector_load %arg26[%get3A_1022] {strides = array<i32>} : memref<1280xf32, #tpu.memory_space<vmem>>, vector<16xf32>,
              %get3A_1024 = vector.shape_cast %get3A_1023 : vector<16xf32> to vector<16xf32>
              %max3A_1025 = arith.maximumf %max3A_1005, %get3A_1024 : vector<16xf32>
              %get3A_1026 = arith.constant 512 : index
              %get3A_1027 = tpu.vector_load %arg26[%get3A_1026] {strides = array<i32>} : memref<1280xf32, #tpu.memory_space<vmem>>, vector<16xf32>,
              %get3A_1028 = vector.shape_cast %get3A_1027 : vector<16xf32> to vector<16xf32>
              %add3A_1029 = arith.addf %add3A_1009, %get3A_1028 : vector<16xf32>
              %get3A_1030 = arith.constant 528 : index
              %get3A_1031 = tpu.vector_load %arg26[%get3A_1030] {strides = array<i32>} : memref<1280xf32, #tpu.memory_space<vmem>>, vector<16xf32>,
              %get3A_1032 = vector.shape_cast %get3A_1031 : vector<16xf32> to vector<16xf32>
              %add3A_1033 = arith.addf %add3A_1013, %get3A_1032 : vector<16xf32>
              %get3A_1034 = arith.constant 544 : index
              %get3A_1035 = tpu.vector_load %arg26[%get3A_1034] {strides = array<i32>} : memref<1280xf32, #tpu.memory_space<vmem>>, vector<16xf32>,
              %get3A_1036 = vector.shape_cast %get3A_1035 : vector<16xf32> to vector<16xf32>
              %add3A_1037 = arith.addf %add3A_1017, %get3A_1036 : vector<16xf32>
              %get3A_1038 = arith.constant 560 : index
              %get3A_1039 = tpu.vector_load %arg26[%get3A_1038] {strides = array<i32>} : memref<1280xf32, #tpu.memory_space<vmem>>, vector<16xf32>,
              %get3A_1040 = vector.shape_cast %get3A_1039 : vector<16xf32> to vector<16xf32>
              %max3A_1041 = arith.maximumf %max3A_1021, %get3A_1040 : vector<16xf32>
              %get3A_1042 = arith.constant 576 : index
              %get3A_1043 = tpu.vector_load %arg26[%get3A_1042] {strides = array<i32>} : memref<1280xf32, #tpu.memory_space<vmem>>, vector<16xf32>,
              %get3A_1044 = vector.shape_cast %get3A_1043 : vector<16xf32> to vector<16xf32>
              %max3A_1045 = arith.maximumf %max3A_1025, %get3A_1044 : vector<16xf32>
              %get3A_1046 = arith.constant 592 : index
              %get3A_1047 = tpu.vector_load %arg26[%get3A_1046] {strides = array<i32>} : memref<1280xf32, #tpu.memory_space<vmem>>, vector<16xf32>,
              %get3A_1048 = vector.shape_cast %get3A_1047 : vector<16xf32> to vector<16xf32>
              %add3A_1049 = arith.addf %add3A_1029, %get3A_1048 : vector<16xf32>
              %get3A_1050 = arith.constant 608 : index
              %get3A_1051 = tpu.vector_load %arg26[%get3A_1050] {strides = array<i32>} : memref<1280xf32, #tpu.memory_space<vmem>>, vector<16xf32>,
              %get3A_1052 = vector.shape_cast %get3A_1051 : vector<16xf32> to vector<16xf32>
              %add3A_1053 = arith.addf %add3A_1033, %get3A_1052 : vector<16xf32>
              %get3A_1054 = arith.constant 624 : index
              %get3A_1055 = tpu.vector_load %arg26[%get3A_1054] {strides = array<i32>} : memref<1280xf32, #tpu.memory_space<vmem>>, vector<16xf32>,
              %get3A_1056 = vector.shape_cast %get3A_1055 : vector<16xf32> to vector<16xf32>
              %add3A_1057 = arith.addf %add3A_1037, %get3A_1056 : vector<16xf32>
              %get3A_1058 = arith.constant 640 : index
              %get3A_1059 = tpu.vector_load %arg26[%get3A_1058] {strides = array<i32>} : memref<1280xf32, #tpu.memory_space<vmem>>, vector<16xf32>,
              %get3A_1060 = vector.shape_cast %get3A_1059 : vector<16xf32> to vector<16xf32>
              %max3A_1061 = arith.maximumf %max3A_1041, %get3A_1060 : vector<16xf32>
              %get3A_1062 = arith.constant 656 : index
              %get3A_1063 = tpu.vector_load %arg26[%get3A_1062] {strides = array<i32>} : memref<1280xf32, #tpu.memory_space<vmem>>, vector<16xf32>,
              %get3A_1064 = vector.shape_cast %get3A_1063 : vector<16xf32> to vector<16xf32>
              %max3A_1065 = arith.maximumf %max3A_1045, %get3A_1064 : vector<16xf32>
              %get3A_1066 = arith.constant 672 : index
              %get3A_1067 = tpu.vector_load %arg26[%get3A_1066] {strides = array<i32>} : memref<1280xf32, #tpu.memory_space<vmem>>, vector<16xf32>,
              %get3A_1068 = vector.shape_cast %get3A_1067 : vector<16xf32> to vector<16xf32>
              %add3A_1069 = arith.addf %add3A_1049, %get3A_1068 : vector<16xf32>
              %get3A_1070 = arith.constant 688 : index
              %get3A_1071 = tpu.vector_load %arg26[%get3A_1070] {strides = array<i32>} : memref<1280xf32, #tpu.memory_space<vmem>>, vector<16xf32>,
              %get3A_1072 = vector.shape_cast %get3A_1071 : vector<16xf32> to vector<16xf32>
              %add3A_1073 = arith.addf %add3A_1053, %get3A_1072 : vector<16xf32>
              %get3A_1074 = arith.constant 704 : index
              %get3A_1075 = tpu.vector_load %arg26[%get3A_1074] {strides = array<i32>} : memref<1280xf32, #tpu.memory_space<vmem>>, vector<16xf32>,
              %get3A_1076 = vector.shape_cast %get3A_1075 : vector<16xf32> to vector<16xf32>
              %add3A_1077 = arith.addf %add3A_1057, %get3A_1076 : vector<16xf32>
              %get3A_1078 = arith.constant 720 : index
              %get3A_1079 = tpu.vector_load %arg26[%get3A_1078] {strides = array<i32>} : memref<1280xf32, #tpu.memory_space<vmem>>, vector<16xf32>,
              %get3A_1080 = vector.shape_cast %get3A_1079 : vector<16xf32> to vector<16xf32>
              %max3A_1081 = arith.maximumf %max3A_1061, %get3A_1080 : vector<16xf32>
              %get3A_1082 = arith.constant 736 : index
              %get3A_1083 = tpu.vector_load %arg26[%get3A_1082] {strides = array<i32>} : memref<1280xf32, #tpu.memory_space<vmem>>, vector<16xf32>,
              %get3A_1084 = vector.shape_cast %get3A_1083 : vector<16xf32> to vector<16xf32>
              %max3A_1085 = arith.maximumf %max3A_1065, %get3A_1084 : vector<16xf32>
              %get3A_1086 = arith.constant 752 : index
              %get3A_1087 = tpu.vector_load %arg26[%get3A_1086] {strides = array<i32>} : memref<1280xf32, #tpu.memory_space<vmem>>, vector<16xf32>,
              %get3A_1088 = vector.shape_cast %get3A_1087 : vector<16xf32> to vector<16xf32>
              %add3A_1089 = arith.addf %add3A_1069, %get3A_1088 : vector<16xf32>
              %get3A_1090 = arith.constant 768 : index
              %get3A_1091 = tpu.vector_load %arg26[%get3A_1090] {strides = array<i32>} : memref<1280xf32, #tpu.memory_space<vmem>>, vector<16xf32>,
              %get3A_1092 = vector.shape_cast %get3A_1091 : vector<16xf32> to vector<16xf32>
              %add3A_1093 = arith.addf %add3A_1073, %get3A_1092 : vector<16xf32>
              %get3A_1094 = arith.constant 784 : index
              %get3A_1095 = tpu.vector_load %arg26[%get3A_1094] {strides = array<i32>} : memref<1280xf32, #tpu.memory_space<vmem>>, vector<16xf32>,
              %get3A_1096 = vector.shape_cast %get3A_1095 : vector<16xf32> to vector<16xf32>
              %add3A_1097 = arith.addf %add3A_1077, %get3A_1096 : vector<16xf32>
              %get3A_1098 = arith.constant 800 : index
              %get3A_1099 = tpu.vector_load %arg26[%get3A_1098] {strides = array<i32>} : memref<1280xf32, #tpu.memory_space<vmem>>, vector<16xf32>,
              %get3A_1100 = vector.shape_cast %get3A_1099 : vector<16xf32> to vector<16xf32>
              %max3A_1101 = arith.maximumf %max3A_1081, %get3A_1100 : vector<16xf32>
              %get3A_1102 = arith.constant 816 : index
              %get3A_1103 = tpu.vector_load %arg26[%get3A_1102] {strides = array<i32>} : memref<1280xf32, #tpu.memory_space<vmem>>, vector<16xf32>,
              %get3A_1104 = vector.shape_cast %get3A_1103 : vector<16xf32> to vector<16xf32>
              %max3A_1105 = arith.maximumf %max3A_1085, %get3A_1104 : vector<16xf32>
              %get3A_1106 = arith.constant 832 : index
              %get3A_1107 = tpu.vector_load %arg26[%get3A_1106] {strides = array<i32>} : memref<1280xf32, #tpu.memory_space<vmem>>, vector<16xf32>,
              %get3A_1108 = vector.shape_cast %get3A_1107 : vector<16xf32> to vector<16xf32>
              %add3A_1109 = arith.addf %add3A_1089, %get3A_1108 : vector<16xf32>
              %get3A_1110 = arith.constant 848 : index
              %get3A_1111 = tpu.vector_load %arg26[%get3A_1110] {strides = array<i32>} : memref<1280xf32, #tpu.memory_space<vmem>>, vector<16xf32>,
              %get3A_1112 = vector.shape_cast %get3A_1111 : vector<16xf32> to vector<16xf32>
              %add3A_1113 = arith.addf %add3A_1093, %get3A_1112 : vector<16xf32>
              %get3A_1114 = arith.constant 864 : index
              %get3A_1115 = tpu.vector_load %arg26[%get3A_1114] {strides = array<i32>} : memref<1280xf32, #tpu.memory_space<vmem>>, vector<16xf32>,
              %get3A_1116 = vector.shape_cast %get3A_1115 : vector<16xf32> to vector<16xf32>
              %add3A_1117 = arith.addf %add3A_1097, %get3A_1116 : vector<16xf32>
              %get3A_1118 = arith.constant 880 : index
              %get3A_1119 = tpu.vector_load %arg26[%get3A_1118] {strides = array<i32>} : memref<1280xf32, #tpu.memory_space<vmem>>, vector<16xf32>,
              %get3A_1120 = vector.shape_cast %get3A_1119 : vector<16xf32> to vector<16xf32>
              %max3A_1121 = arith.maximumf %max3A_1101, %get3A_1120 : vector<16xf32>
              %get3A_1122 = arith.constant 896 : index
              %get3A_1123 = tpu.vector_load %arg26[%get3A_1122] {strides = array<i32>} : memref<1280xf32, #tpu.memory_space<vmem>>, vector<16xf32>,
              %get3A_1124 = vector.shape_cast %get3A_1123 : vector<16xf32> to vector<16xf32>
              %max3A_1125 = arith.maximumf %max3A_1105, %get3A_1124 : vector<16xf32>
              %get3A_1126 = arith.constant 912 : index
              %get3A_1127 = tpu.vector_load %arg26[%get3A_1126] {strides = array<i32>} : memref<1280xf32, #tpu.memory_space<vmem>>, vector<16xf32>,
              %get3A_1128 = vector.shape_cast %get3A_1127 : vector<16xf32> to vector<16xf32>
              %add3A_1129 = arith.addf %add3A_1109, %get3A_1128 : vector<16xf32>
              %get3A_1130 = arith.constant 928 : index
              %get3A_1131 = tpu.vector_load %arg26[%get3A_1130] {strides = array<i32>} : memref<1280xf32, #tpu.memory_space<vmem>>, vector<16xf32>,
              %get3A_1132 = vector.shape_cast %get3A_1131 : vector<16xf32> to vector<16xf32>
              %add3A_1133 = arith.addf %add3A_1113, %get3A_1132 : vector<16xf32>
              %get3A_1134 = arith.constant 944 : index
              %get3A_1135 = tpu.vector_load %arg26[%get3A_1134] {strides = array<i32>} : memref<1280xf32, #tpu.memory_space<vmem>>, vector<16xf32>,
              %get3A_1136 = vector.shape_cast %get3A_1135 : vector<16xf32> to vector<16xf32>
              %add3A_1137 = arith.addf %add3A_1117, %get3A_1136 : vector<16xf32>
              %get3A_1138 = arith.constant 960 : index
              %get3A_1139 = tpu.vector_load %arg26[%get3A_1138] {strides = array<i32>} : memref<1280xf32, #tpu.memory_space<vmem>>, vector<16xf32>,
              %get3A_1140 = vector.shape_cast %get3A_1139 : vector<16xf32> to vector<16xf32>
              %max3A_1141 = arith.maximumf %max3A_1121, %get3A_1140 : vector<16xf32>
              %get3A_1142 = arith.constant 976 : index
              %get3A_1143 = tpu.vector_load %arg26[%get3A_1142] {strides = array<i32>} : memref<1280xf32, #tpu.memory_space<vmem>>, vector<16xf32>,
              %get3A_1144 = vector.shape_cast %get3A_1143 : vector<16xf32> to vector<16xf32>
              %max3A_1145 = arith.maximumf %max3A_1125, %get3A_1144 : vector<16xf32>
              %get3A_1146 = arith.constant 992 : index
              %get3A_1147 = tpu.vector_load %arg26[%get3A_1146] {strides = array<i32>} : memref<1280xf32, #tpu.memory_space<vmem>>, vector<16xf32>,
              %get3A_1148 = vector.shape_cast %get3A_1147 : vector<16xf32> to vector<16xf32>
              %add3A_1149 = arith.addf %add3A_1129, %get3A_1148 : vector<16xf32>
              %get3A_1150 = arith.constant 1008 : index
              %get3A_1151 = tpu.vector_load %arg26[%get3A_1150] {strides = array<i32>} : memref<1280xf32, #tpu.memory_space<vmem>>, vector<16xf32>,
              %get3A_1152 = vector.shape_cast %get3A_1151 : vector<16xf32> to vector<16xf32>
              %add3A_1153 = arith.addf %add3A_1133, %get3A_1152 : vector<16xf32>
              %get3A_1154 = arith.constant 1024 : index
              %get3A_1155 = tpu.vector_load %arg26[%get3A_1154] {strides = array<i32>} : memref<1280xf32, #tpu.memory_space<vmem>>, vector<16xf32>,
              %get3A_1156 = vector.shape_cast %get3A_1155 : vector<16xf32> to vector<16xf32>
              %add3A_1157 = arith.addf %add3A_1137, %get3A_1156 : vector<16xf32>
              %get3A_1158 = arith.constant 1040 : index
              %get3A_1159 = tpu.vector_load %arg26[%get3A_1158] {strides = array<i32>} : memref<1280xf32, #tpu.memory_space<vmem>>, vector<16xf32>,
              %get3A_1160 = vector.shape_cast %get3A_1159 : vector<16xf32> to vector<16xf32>
              %max3A_1161 = arith.maximumf %max3A_1141, %get3A_1160 : vector<16xf32>
              %get3A_1162 = arith.constant 1056 : index
              %get3A_1163 = tpu.vector_load %arg26[%get3A_1162] {strides = array<i32>} : memref<1280xf32, #tpu.memory_space<vmem>>, vector<16xf32>,
              %get3A_1164 = vector.shape_cast %get3A_1163 : vector<16xf32> to vector<16xf32>
              %max3A_1165 = arith.maximumf %max3A_1145, %get3A_1164 : vector<16xf32>
              %get3A_1166 = arith.constant 1072 : index
              %get3A_1167 = tpu.vector_load %arg26[%get3A_1166] {strides = array<i32>} : memref<1280xf32, #tpu.memory_space<vmem>>, vector<16xf32>,
              %get3A_1168 = vector.shape_cast %get3A_1167 : vector<16xf32> to vector<16xf32>
              %add3A_1169 = arith.addf %add3A_1149, %get3A_1168 : vector<16xf32>
              %get3A_1170 = arith.constant 1088 : index
              %get3A_1171 = tpu.vector_load %arg26[%get3A_1170] {strides = array<i32>} : memref<1280xf32, #tpu.memory_space<vmem>>, vector<16xf32>,
              %get3A_1172 = vector.shape_cast %get3A_1171 : vector<16xf32> to vector<16xf32>
              %add3A_1173 = arith.addf %add3A_1153, %get3A_1172 : vector<16xf32>
              %get3A_1174 = arith.constant 1104 : index
              %get3A_1175 = tpu.vector_load %arg26[%get3A_1174] {strides = array<i32>} : memref<1280xf32, #tpu.memory_space<vmem>>, vector<16xf32>,
              %get3A_1176 = vector.shape_cast %get3A_1175 : vector<16xf32> to vector<16xf32>
              %add3A_1177 = arith.addf %add3A_1157, %get3A_1176 : vector<16xf32>
              %get3A_1178 = arith.constant 1120 : index
              %get3A_1179 = tpu.vector_load %arg26[%get3A_1178] {strides = array<i32>} : memref<1280xf32, #tpu.memory_space<vmem>>, vector<16xf32>,
              %get3A_1180 = vector.shape_cast %get3A_1179 : vector<16xf32> to vector<16xf32>
              %max3A_1181 = arith.maximumf %max3A_1161, %get3A_1180 : vector<16xf32>
              %get3A_1182 = arith.constant 1136 : index
              %get3A_1183 = tpu.vector_load %arg26[%get3A_1182] {strides = array<i32>} : memref<1280xf32, #tpu.memory_space<vmem>>, vector<16xf32>,
              %get3A_1184 = vector.shape_cast %get3A_1183 : vector<16xf32> to vector<16xf32>
              %max3A_1185 = arith.maximumf %max3A_1165, %get3A_1184 : vector<16xf32>
              %get3A_1186 = arith.constant 1152 : index
              %get3A_1187 = tpu.vector_load %arg26[%get3A_1186] {strides = array<i32>} : memref<1280xf32, #tpu.memory_space<vmem>>, vector<16xf32>,
              %get3A_1188 = vector.shape_cast %get3A_1187 : vector<16xf32> to vector<16xf32>
              %add3A_1189 = arith.addf %add3A_1169, %get3A_1188 : vector<16xf32>
              %get3A_1190 = arith.constant 1168 : index
              %get3A_1191 = tpu.vector_load %arg26[%get3A_1190] {strides = array<i32>} : memref<1280xf32, #tpu.memory_space<vmem>>, vector<16xf32>,
              %get3A_1192 = vector.shape_cast %get3A_1191 : vector<16xf32> to vector<16xf32>
              %add3A_1193 = arith.addf %add3A_1173, %get3A_1192 : vector<16xf32>
              %get3A_1194 = arith.constant 1184 : index
              %get3A_1195 = tpu.vector_load %arg26[%get3A_1194] {strides = array<i32>} : memref<1280xf32, #tpu.memory_space<vmem>>, vector<16xf32>,
              %get3A_1196 = vector.shape_cast %get3A_1195 : vector<16xf32> to vector<16xf32>
              %add3A_1197 = arith.addf %add3A_1177, %get3A_1196 : vector<16xf32>
              %get3A_1198 = arith.constant 1200 : index
              %get3A_1199 = tpu.vector_load %arg26[%get3A_1198] {strides = array<i32>} : memref<1280xf32, #tpu.memory_space<vmem>>, vector<16xf32>,
              %get3A_1200 = vector.shape_cast %get3A_1199 : vector<16xf32> to vector<16xf32>
              %max3A_1201 = arith.maximumf %max3A_1181, %get3A_1200 : vector<16xf32>
              %get3A_1202 = arith.constant 1216 : index
              %get3A_1203 = tpu.vector_load %arg26[%get3A_1202] {strides = array<i32>} : memref<1280xf32, #tpu.memory_space<vmem>>, vector<16xf32>,
              %get3A_1204 = vector.shape_cast %get3A_1203 : vector<16xf32> to vector<16xf32>
              %max3A_1205 = arith.maximumf %max3A_1185, %get3A_1204 : vector<16xf32>
              %get3A_1206 = arith.constant 1232 : index
              %get3A_1207 = tpu.vector_load %arg26[%get3A_1206] {strides = array<i32>} : memref<1280xf32, #tpu.memory_space<vmem>>, vector<16xf32>,
              %get3A_1208 = vector.shape_cast %get3A_1207 : vector<16xf32> to vector<16xf32>
              %add3A_1209 = arith.addf %add3A_1189, %get3A_1208 : vector<16xf32>
              %get3A_1210 = arith.constant 1248 : index
              %get3A_1211 = tpu.vector_load %arg26[%get3A_1210] {strides = array<i32>} : memref<1280xf32, #tpu.memory_space<vmem>>, vector<16xf32>,
              %get3A_1212 = vector.shape_cast %get3A_1211 : vector<16xf32> to vector<16xf32>
              %add3A_1213 = arith.addf %add3A_1193, %get3A_1212 : vector<16xf32>
              %get3A_1214 = arith.constant 1264 : index
              %get3A_1215 = tpu.vector_load %arg26[%get3A_1214] {strides = array<i32>} : memref<1280xf32, #tpu.memory_space<vmem>>, vector<16xf32>,
              %get3A_1216 = vector.shape_cast %get3A_1215 : vector<16xf32> to vector<16xf32>
              %add3A_1217 = arith.addf %add3A_1197, %get3A_1216 : vector<16xf32>
              %xor3A_1218 = arith.constant 1 : i32
              %xor3A_1219 = vector.broadcast %xor3A_1218 : i32 to vector<16xi32>
              %xor3A_1220 = arith.xori %iota3A, %xor3A_1219 : vector<16xi32>
              %lt3A_1221 = arith.constant 0 : i32
              %lt3A_1222 = vector.broadcast %lt3A_1221 : i32 to vector<16xi32>
              %lt3A_1223 = arith.cmpi slt, %xor3A_1220, %lt3A_1222 : vector<16xi32>
              %add3A_1224 = arith.constant 16 : i32
              %add3A_1225 = vector.broadcast %add3A_1224 : i32 to vector<16xi32>
              %add3A_1226 = arith.addi %xor3A_1220, %add3A_1225 : vector<16xi32>
              %select_n3A_1227 = arith.select %lt3A_1223, %add3A_1226, %xor3A_1220 : vector<16xi1>, vector<16xi32>
              %broadcast_in_dim3A_1228 = vector.shape_cast %select_n3A_1227 : vector<16xi32> to vector<16x1xi32>
              %gather3A_1229 = vector.shape_cast %broadcast_in_dim3A_1228 : vector<16x1xi32> to vector<16xi32>
              %gather3A_1230 = tpu.dynamic_gather %max3A_1201[%gather3A_1229] in [0] : vector<16xf32>, vector<16xi32> -> vector<16xf32>
              %max3A_1231 = arith.maximumf %max3A_1201, %gather3A_1230 : vector<16xf32>
              %xor3A_1232 = arith.constant 2 : i32
              %xor3A_1233 = vector.broadcast %xor3A_1232 : i32 to vector<16xi32>
              %xor3A_1234 = arith.xori %iota3A, %xor3A_1233 : vector<16xi32>
              %lt3A_1235 = arith.constant 0 : i32
              %lt3A_1236 = vector.broadcast %lt3A_1235 : i32 to vector<16xi32>
              %lt3A_1237 = arith.cmpi slt, %xor3A_1234, %lt3A_1236 : vector<16xi32>
              %add3A_1238 = arith.constant 16 : i32
              %add3A_1239 = vector.broadcast %add3A_1238 : i32 to vector<16xi32>
              %add3A_1240 = arith.addi %xor3A_1234, %add3A_1239 : vector<16xi32>
              %select_n3A_1241 = arith.select %lt3A_1237, %add3A_1240, %xor3A_1234 : vector<16xi1>, vector<16xi32>
              %broadcast_in_dim3A_1242 = vector.shape_cast %select_n3A_1241 : vector<16xi32> to vector<16x1xi32>
              %gather3A_1243 = vector.shape_cast %broadcast_in_dim3A_1242 : vector<16x1xi32> to vector<16xi32>
              %gather3A_1244 = tpu.dynamic_gather %max3A_1231[%gather3A_1243] in [0] : vector<16xf32>, vector<16xi32> -> vector<16xf32>
              %max3A_1245 = arith.maximumf %max3A_1231, %gather3A_1244 : vector<16xf32>
              %xor3A_1246 = arith.constant 4 : i32
              %xor3A_1247 = vector.broadcast %xor3A_1246 : i32 to vector<16xi32>
              %xor3A_1248 = arith.xori %iota3A, %xor3A_1247 : vector<16xi32>
              %lt3A_1249 = arith.constant 0 : i32
              %lt3A_1250 = vector.broadcast %lt3A_1249 : i32 to vector<16xi32>
              %lt3A_1251 = arith.cmpi slt, %xor3A_1248, %lt3A_1250 : vector<16xi32>
              %add3A_1252 = arith.constant 16 : i32
              %add3A_1253 = vector.broadcast %add3A_1252 : i32 to vector<16xi32>
              %add3A_1254 = arith.addi %xor3A_1248, %add3A_1253 : vector<16xi32>
              %select_n3A_1255 = arith.select %lt3A_1251, %add3A_1254, %xor3A_1248 : vector<16xi1>, vector<16xi32>
              %broadcast_in_dim3A_1256 = vector.shape_cast %select_n3A_1255 : vector<16xi32> to vector<16x1xi32>
              %gather3A_1257 = vector.shape_cast %broadcast_in_dim3A_1256 : vector<16x1xi32> to vector<16xi32>
              %gather3A_1258 = tpu.dynamic_gather %max3A_1245[%gather3A_1257] in [0] : vector<16xf32>, vector<16xi32> -> vector<16xf32>
              %max3A_1259 = arith.maximumf %max3A_1245, %gather3A_1258 : vector<16xf32>
              %xor3A_1260 = arith.constant 8 : i32
              %xor3A_1261 = vector.broadcast %xor3A_1260 : i32 to vector<16xi32>
              %xor3A_1262 = arith.xori %iota3A, %xor3A_1261 : vector<16xi32>
              %lt3A_1263 = arith.constant 0 : i32
              %lt3A_1264 = vector.broadcast %lt3A_1263 : i32 to vector<16xi32>
              %lt3A_1265 = arith.cmpi slt, %xor3A_1262, %lt3A_1264 : vector<16xi32>
              %add3A_1266 = arith.constant 16 : i32
              %add3A_1267 = vector.broadcast %add3A_1266 : i32 to vector<16xi32>
              %add3A_1268 = arith.addi %xor3A_1262, %add3A_1267 : vector<16xi32>
              %select_n3A_1269 = arith.select %lt3A_1265, %add3A_1268, %xor3A_1262 : vector<16xi1>, vector<16xi32>
              %broadcast_in_dim3A_1270 = vector.shape_cast %select_n3A_1269 : vector<16xi32> to vector<16x1xi32>
              %gather3A_1271 = vector.shape_cast %broadcast_in_dim3A_1270 : vector<16x1xi32> to vector<16xi32>
              %gather3A_1272 = tpu.dynamic_gather %max3A_1259[%gather3A_1271] in [0] : vector<16xf32>, vector<16xi32> -> vector<16xf32>
              %max3A_1273 = arith.maximumf %max3A_1259, %gather3A_1272 : vector<16xf32>
              %eq3A_1274 = arith.cmpf oeq, %max3A_1201, %max3A_1273 : vector<16xf32>
              %jit3A_1275 = arith.constant -1 : i32
              %convert_element_type3A_1276 = arith.sitofp %jit3A_1275 : i32 to f32
              %broadcast_in_dim3A_1277 = vector.broadcast %convert_element_type3A_1276 : f32 to vector<16xf32>
              %select_n3A_1278 = arith.select %eq3A_1274, %max3A_1205, %broadcast_in_dim3A_1277 : vector<16xi1>, vector<16xf32>
              %xor3A_1279 = arith.constant 1 : i32
              %xor3A_1280 = vector.broadcast %xor3A_1279 : i32 to vector<16xi32>
              %xor3A_1281 = arith.xori %iota3A, %xor3A_1280 : vector<16xi32>
              %lt3A_1282 = arith.constant 0 : i32
              %lt3A_1283 = vector.broadcast %lt3A_1282 : i32 to vector<16xi32>
              %lt3A_1284 = arith.cmpi slt, %xor3A_1281, %lt3A_1283 : vector<16xi32>
              %add3A_1285 = arith.constant 16 : i32
              %add3A_1286 = vector.broadcast %add3A_1285 : i32 to vector<16xi32>
              %add3A_1287 = arith.addi %xor3A_1281, %add3A_1286 : vector<16xi32>
              %select_n3A_1288 = arith.select %lt3A_1284, %add3A_1287, %xor3A_1281 : vector<16xi1>, vector<16xi32>
              %broadcast_in_dim3A_1289 = vector.shape_cast %select_n3A_1288 : vector<16xi32> to vector<16x1xi32>
              %gather3A_1290 = vector.shape_cast %broadcast_in_dim3A_1289 : vector<16x1xi32> to vector<16xi32>
              %gather3A_1291 = tpu.dynamic_gather %select_n3A_1278[%gather3A_1290] in [0] : vector<16xf32>, vector<16xi32> -> vector<16xf32>
              %max3A_1292 = arith.maximumf %select_n3A_1278, %gather3A_1291 : vector<16xf32>
              %xor3A_1293 = arith.constant 2 : i32
              %xor3A_1294 = vector.broadcast %xor3A_1293 : i32 to vector<16xi32>
              %xor3A_1295 = arith.xori %iota3A, %xor3A_1294 : vector<16xi32>
              %lt3A_1296 = arith.constant 0 : i32
              %lt3A_1297 = vector.broadcast %lt3A_1296 : i32 to vector<16xi32>
              %lt3A_1298 = arith.cmpi slt, %xor3A_1295, %lt3A_1297 : vector<16xi32>
              %add3A_1299 = arith.constant 16 : i32
              %add3A_1300 = vector.broadcast %add3A_1299 : i32 to vector<16xi32>
              %add3A_1301 = arith.addi %xor3A_1295, %add3A_1300 : vector<16xi32>
              %select_n3A_1302 = arith.select %lt3A_1298, %add3A_1301, %xor3A_1295 : vector<16xi1>, vector<16xi32>
              %broadcast_in_dim3A_1303 = vector.shape_cast %select_n3A_1302 : vector<16xi32> to vector<16x1xi32>
              %gather3A_1304 = vector.shape_cast %broadcast_in_dim3A_1303 : vector<16x1xi32> to vector<16xi32>
              %gather3A_1305 = tpu.dynamic_gather %max3A_1292[%gather3A_1304] in [0] : vector<16xf32>, vector<16xi32> -> vector<16xf32>
              %max3A_1306 = arith.maximumf %max3A_1292, %gather3A_1305 : vector<16xf32>
              %xor3A_1307 = arith.constant 4 : i32
              %xor3A_1308 = vector.broadcast %xor3A_1307 : i32 to vector<16xi32>
              %xor3A_1309 = arith.xori %iota3A, %xor3A_1308 : vector<16xi32>
              %lt3A_1310 = arith.constant 0 : i32
              %lt3A_1311 = vector.broadcast %lt3A_1310 : i32 to vector<16xi32>
              %lt3A_1312 = arith.cmpi slt, %xor3A_1309, %lt3A_1311 : vector<16xi32>
              %add3A_1313 = arith.constant 16 : i32
              %add3A_1314 = vector.broadcast %add3A_1313 : i32 to vector<16xi32>
              %add3A_1315 = arith.addi %xor3A_1309, %add3A_1314 : vector<16xi32>
              %select_n3A_1316 = arith.select %lt3A_1312, %add3A_1315, %xor3A_1309 : vector<16xi1>, vector<16xi32>
              %broadcast_in_dim3A_1317 = vector.shape_cast %select_n3A_1316 : vector<16xi32> to vector<16x1xi32>
              %gather3A_1318 = vector.shape_cast %broadcast_in_dim3A_1317 : vector<16x1xi32> to vector<16xi32>
              %gather3A_1319 = tpu.dynamic_gather %max3A_1306[%gather3A_1318] in [0] : vector<16xf32>, vector<16xi32> -> vector<16xf32>
              %max3A_1320 = arith.maximumf %max3A_1306, %gather3A_1319 : vector<16xf32>
              %xor3A_1321 = arith.constant 8 : i32
              %xor3A_1322 = vector.broadcast %xor3A_1321 : i32 to vector<16xi32>
              %xor3A_1323 = arith.xori %iota3A, %xor3A_1322 : vector<16xi32>
              %lt3A_1324 = arith.constant 0 : i32
              %lt3A_1325 = vector.broadcast %lt3A_1324 : i32 to vector<16xi32>
              %lt3A_1326 = arith.cmpi slt, %xor3A_1323, %lt3A_1325 : vector<16xi32>
              %add3A_1327 = arith.constant 16 : i32
              %add3A_1328 = vector.broadcast %add3A_1327 : i32 to vector<16xi32>
              %add3A_1329 = arith.addi %xor3A_1323, %add3A_1328 : vector<16xi32>
              %select_n3A_1330 = arith.select %lt3A_1326, %add3A_1329, %xor3A_1323 : vector<16xi1>, vector<16xi32>
              %broadcast_in_dim3A_1331 = vector.shape_cast %select_n3A_1330 : vector<16xi32> to vector<16x1xi32>
              %gather3A_1332 = vector.shape_cast %broadcast_in_dim3A_1331 : vector<16x1xi32> to vector<16xi32>
              %gather3A_1333 = tpu.dynamic_gather %max3A_1320[%gather3A_1332] in [0] : vector<16xf32>, vector<16xi32> -> vector<16xf32>
              %max3A_1334 = arith.maximumf %max3A_1320, %gather3A_1333 : vector<16xf32>
              %xor3A_1335 = arith.constant 1 : i32
              %xor3A_1336 = vector.broadcast %xor3A_1335 : i32 to vector<16xi32>
              %xor3A_1337 = arith.xori %iota3A, %xor3A_1336 : vector<16xi32>
              %lt3A_1338 = arith.constant 0 : i32
              %lt3A_1339 = vector.broadcast %lt3A_1338 : i32 to vector<16xi32>
              %lt3A_1340 = arith.cmpi slt, %xor3A_1337, %lt3A_1339 : vector<16xi32>
              %add3A_1341 = arith.constant 16 : i32
              %add3A_1342 = vector.broadcast %add3A_1341 : i32 to vector<16xi32>
              %add3A_1343 = arith.addi %xor3A_1337, %add3A_1342 : vector<16xi32>
              %select_n3A_1344 = arith.select %lt3A_1340, %add3A_1343, %xor3A_1337 : vector<16xi1>, vector<16xi32>
              %broadcast_in_dim3A_1345 = vector.shape_cast %select_n3A_1344 : vector<16xi32> to vector<16x1xi32>
              %gather3A_1346 = vector.shape_cast %broadcast_in_dim3A_1345 : vector<16x1xi32> to vector<16xi32>
              %gather3A_1347 = tpu.dynamic_gather %add3A_1209[%gather3A_1346] in [0] : vector<16xf32>, vector<16xi32> -> vector<16xf32>
              %add3A_1348 = arith.addf %add3A_1209, %gather3A_1347 : vector<16xf32>
              %xor3A_1349 = arith.constant 2 : i32
              %xor3A_1350 = vector.broadcast %xor3A_1349 : i32 to vector<16xi32>
              %xor3A_1351 = arith.xori %iota3A, %xor3A_1350 : vector<16xi32>
              %lt3A_1352 = arith.constant 0 : i32
              %lt3A_1353 = vector.broadcast %lt3A_1352 : i32 to vector<16xi32>
              %lt3A_1354 = arith.cmpi slt, %xor3A_1351, %lt3A_1353 : vector<16xi32>
              %add3A_1355 = arith.constant 16 : i32
              %add3A_1356 = vector.broadcast %add3A_1355 : i32 to vector<16xi32>
              %add3A_1357 = arith.addi %xor3A_1351, %add3A_1356 : vector<16xi32>
              %select_n3A_1358 = arith.select %lt3A_1354, %add3A_1357, %xor3A_1351 : vector<16xi1>, vector<16xi32>
              %broadcast_in_dim3A_1359 = vector.shape_cast %select_n3A_1358 : vector<16xi32> to vector<16x1xi32>
              %gather3A_1360 = vector.shape_cast %broadcast_in_dim3A_1359 : vector<16x1xi32> to vector<16xi32>
              %gather3A_1361 = tpu.dynamic_gather %add3A_1348[%gather3A_1360] in [0] : vector<16xf32>, vector<16xi32> -> vector<16xf32>
              %add3A_1362 = arith.addf %add3A_1348, %gather3A_1361 : vector<16xf32>
              %xor3A_1363 = arith.constant 4 : i32
              %xor3A_1364 = vector.broadcast %xor3A_1363 : i32 to vector<16xi32>
              %xor3A_1365 = arith.xori %iota3A, %xor3A_1364 : vector<16xi32>
              %lt3A_1366 = arith.constant 0 : i32
              %lt3A_1367 = vector.broadcast %lt3A_1366 : i32 to vector<16xi32>
              %lt3A_1368 = arith.cmpi slt, %xor3A_1365, %lt3A_1367 : vector<16xi32>
              %add3A_1369 = arith.constant 16 : i32
              %add3A_1370 = vector.broadcast %add3A_1369 : i32 to vector<16xi32>
              %add3A_1371 = arith.addi %xor3A_1365, %add3A_1370 : vector<16xi32>
              %select_n3A_1372 = arith.select %lt3A_1368, %add3A_1371, %xor3A_1365 : vector<16xi1>, vector<16xi32>
              %broadcast_in_dim3A_1373 = vector.shape_cast %select_n3A_1372 : vector<16xi32> to vector<16x1xi32>
              %gather3A_1374 = vector.shape_cast %broadcast_in_dim3A_1373 : vector<16x1xi32> to vector<16xi32>
              %gather3A_1375 = tpu.dynamic_gather %add3A_1362[%gather3A_1374] in [0] : vector<16xf32>, vector<16xi32> -> vector<16xf32>
              %add3A_1376 = arith.addf %add3A_1362, %gather3A_1375 : vector<16xf32>
              %xor3A_1377 = arith.constant 8 : i32
              %xor3A_1378 = vector.broadcast %xor3A_1377 : i32 to vector<16xi32>
              %xor3A_1379 = arith.xori %iota3A, %xor3A_1378 : vector<16xi32>
              %lt3A_1380 = arith.constant 0 : i32
              %lt3A_1381 = vector.broadcast %lt3A_1380 : i32 to vector<16xi32>
              %lt3A_1382 = arith.cmpi slt, %xor3A_1379, %lt3A_1381 : vector<16xi32>
              %add3A_1383 = arith.constant 16 : i32
              %add3A_1384 = vector.broadcast %add3A_1383 : i32 to vector<16xi32>
              %add3A_1385 = arith.addi %xor3A_1379, %add3A_1384 : vector<16xi32>
              %select_n3A_1386 = arith.select %lt3A_1382, %add3A_1385, %xor3A_1379 : vector<16xi1>, vector<16xi32>
              %broadcast_in_dim3A_1387 = vector.shape_cast %select_n3A_1386 : vector<16xi32> to vector<16x1xi32>
              %gather3A_1388 = vector.shape_cast %broadcast_in_dim3A_1387 : vector<16x1xi32> to vector<16xi32>
              %gather3A_1389 = tpu.dynamic_gather %add3A_1376[%gather3A_1388] in [0] : vector<16xf32>, vector<16xi32> -> vector<16xf32>
              %add3A_1390 = arith.addf %add3A_1376, %gather3A_1389 : vector<16xf32>
              %eq3A_1391 = arith.constant 0 : i32
              %eq3A_1392 = vector.broadcast %eq3A_1391 : i32 to vector<16xi32>
              %eq3A_1393 = arith.cmpi eq, %iota3A, %eq3A_1392 : vector<16xi32>
              %eq3A_1394 = arith.constant 1 : i32
              %eq3A_1395 = vector.broadcast %eq3A_1394 : i32 to vector<16xi32>
              %eq3A_1396 = arith.cmpi eq, %iota3A, %eq3A_1395 : vector<16xi32>
              %select_n3A_1397 = arith.select %eq3A_1396, %max3A_1273, %add3A_1390 : vector<16xi1>, vector<16xf32>
              %select_n3A_1398 = arith.select %eq3A_1393, %max3A_1334, %select_n3A_1397 : vector<16xi1>, vector<16xf32>
              %swap3A_1399 = arith.constant 0 : index
              %swap3A_1400 = tpu.vector_load %arg25[%swap3A_1399] {strides = array<i32>} : memref<16xf32, #tpu.memory_space<vmem>>, vector<16xf32>,
              %swap3A_1401 = vector.shape_cast %swap3A_1400 : vector<16xf32> to vector<16xf32>
              %swap3A_1402 = vector.shape_cast %select_n3A_1398 : vector<16xf32> to vector<16xf32>
              tpu.vector_store %arg25[%swap3A_1399], %swap3A_1402 {strides = array<i32>} : memref<16xf32, #tpu.memory_space<vmem>>, vector<16xf32>,
              %get3A_1403 = arith.constant 0 : index
              %get3A_1404 = tpu.vector_load %arg25[%get3A_1403] {strides = array<i32>} : memref<16xf32, #tpu.memory_space<vmem>>, vector<16xf32>,
              %get3A_1405 = vector.shape_cast %get3A_1404 : vector<16xf32> to vector<16xf32>
              %slice3A_1406 = vector.extract_strided_slice %get3A_1405 {offsets = [0], sizes = [1], strides = [1]} : vector<16xf32> to vector<1xf32>
              %squeeze3A_1407 = vector.extract %slice3A_1406[0] : f32 from vector<1xf32>
              %convert_element_type3A_1408 = arith.fptosi %squeeze3A_1407 : f32 to i32
              %swap3A_1409 = arith.constant 0 : i32
              %swap3A_1410 = arith.index_cast %swap3A_1409 : i32 to index
              %swap3A_1411 = memref.load %arg31[%swap3A_1410] : memref<8xi32, #tpu.memory_space<smem>>
              memref.store %convert_element_type3A_1408, %arg31[%swap3A_1410] : memref<8xi32, #tpu.memory_space<smem>>
              %slice3A_1412 = vector.extract_strided_slice %get3A_1405 {offsets = [1], sizes = [1], strides = [1]} : vector<16xf32> to vector<1xf32>
              %squeeze3A_1413 = vector.extract %slice3A_1412[0] : f32 from vector<1xf32>
              %swap3A_1414 = arith.constant 0 : i32
              %swap3A_1415 = arith.index_cast %swap3A_1414 : i32 to index
              %swap3A_1416 = memref.load %arg32[%swap3A_1415] : memref<8xf32, #tpu.memory_space<smem>>
              memref.store %squeeze3A_1413, %arg32[%swap3A_1415] : memref<8xf32, #tpu.memory_space<smem>>
              %slice3A_1417 = vector.extract_strided_slice %get3A_1405 {offsets = [2], sizes = [1], strides = [1]} : vector<16xf32> to vector<1xf32>
              %squeeze3A_1418 = vector.extract %slice3A_1417[0] : f32 from vector<1xf32>
              %convert_element_type3A_1419 = arith.fptosi %squeeze3A_1418 : f32 to i32
              %swap3A_1420 = arith.constant 1 : i32
              %swap3A_1421 = arith.index_cast %swap3A_1420 : i32 to index
              %swap3A_1422 = memref.load %arg31[%swap3A_1421] : memref<8xi32, #tpu.memory_space<smem>>
              memref.store %convert_element_type3A_1419, %arg31[%swap3A_1421] : memref<8xi32, #tpu.memory_space<smem>>
              %eq3A_1423 = arith.constant 0 : i32
              %eq3A_1424 = arith.cmpi eq, %arg1, %eq3A_1423 : i32
              %convert_element_type3A_1425 = arith.extui %eq3A_1424 : i1 to i32
              %cond3A_1426 = arith.constant 0 : i32
              %cond3A_1427 = arith.cmpi ne, %convert_element_type3A_1425, %cond3A_1426 : i32
              scf.if %cond3A_1427 {
                %xor3A_1428 = arith.constant 1 : i32
                %xor3A_1429 = vector.broadcast %xor3A_1428 : i32 to vector<16xi32>
                %xor3A_1430 = arith.xori %iota3A, %xor3A_1429 : vector<16xi32>
                %lt3A_1431 = arith.constant 0 : i32
                %lt3A_1432 = vector.broadcast %lt3A_1431 : i32 to vector<16xi32>
                %lt3A_1433 = arith.cmpi slt, %xor3A_1430, %lt3A_1432 : vector<16xi32>
                %add3A_1434 = arith.constant 16 : i32
                %add3A_1435 = vector.broadcast %add3A_1434 : i32 to vector<16xi32>
                %add3A_1436 = arith.addi %xor3A_1430, %add3A_1435 : vector<16xi32>
                %select_n3A_1437 = arith.select %lt3A_1433, %add3A_1436, %xor3A_1430 : vector<16xi1>, vector<16xi32>
                %broadcast_in_dim3A_1438 = vector.shape_cast %select_n3A_1437 : vector<16xi32> to vector<16x1xi32>
                %gather3A_1439 = vector.shape_cast %broadcast_in_dim3A_1438 : vector<16x1xi32> to vector<16xi32>
                %gather3A_1440 = tpu.dynamic_gather %add3A_1217[%gather3A_1439] in [0] : vector<16xf32>, vector<16xi32> -> vector<16xf32>
                %add3A_1441 = arith.addf %add3A_1217, %gather3A_1440 : vector<16xf32>
                %xor3A_1442 = arith.constant 2 : i32
                %xor3A_1443 = vector.broadcast %xor3A_1442 : i32 to vector<16xi32>
                %xor3A_1444 = arith.xori %iota3A, %xor3A_1443 : vector<16xi32>
                %lt3A_1445 = arith.constant 0 : i32
                %lt3A_1446 = vector.broadcast %lt3A_1445 : i32 to vector<16xi32>
                %lt3A_1447 = arith.cmpi slt, %xor3A_1444, %lt3A_1446 : vector<16xi32>
                %add3A_1448 = arith.constant 16 : i32
                %add3A_1449 = vector.broadcast %add3A_1448 : i32 to vector<16xi32>
                %add3A_1450 = arith.addi %xor3A_1444, %add3A_1449 : vector<16xi32>
                %select_n3A_1451 = arith.select %lt3A_1447, %add3A_1450, %xor3A_1444 : vector<16xi1>, vector<16xi32>
                %broadcast_in_dim3A_1452 = vector.shape_cast %select_n3A_1451 : vector<16xi32> to vector<16x1xi32>
                %gather3A_1453 = vector.shape_cast %broadcast_in_dim3A_1452 : vector<16x1xi32> to vector<16xi32>
                %gather3A_1454 = tpu.dynamic_gather %add3A_1441[%gather3A_1453] in [0] : vector<16xf32>, vector<16xi32> -> vector<16xf32>
                %add3A_1455 = arith.addf %add3A_1441, %gather3A_1454 : vector<16xf32>
                %xor3A_1456 = arith.constant 4 : i32
                %xor3A_1457 = vector.broadcast %xor3A_1456 : i32 to vector<16xi32>
                %xor3A_1458 = arith.xori %iota3A, %xor3A_1457 : vector<16xi32>
                %lt3A_1459 = arith.constant 0 : i32
                %lt3A_1460 = vector.broadcast %lt3A_1459 : i32 to vector<16xi32>
                %lt3A_1461 = arith.cmpi slt, %xor3A_1458, %lt3A_1460 : vector<16xi32>
                %add3A_1462 = arith.constant 16 : i32
                %add3A_1463 = vector.broadcast %add3A_1462 : i32 to vector<16xi32>
                %add3A_1464 = arith.addi %xor3A_1458, %add3A_1463 : vector<16xi32>
                %select_n3A_1465 = arith.select %lt3A_1461, %add3A_1464, %xor3A_1458 : vector<16xi1>, vector<16xi32>
                %broadcast_in_dim3A_1466 = vector.shape_cast %select_n3A_1465 : vector<16xi32> to vector<16x1xi32>
                %gather3A_1467 = vector.shape_cast %broadcast_in_dim3A_1466 : vector<16x1xi32> to vector<16xi32>
                %gather3A_1468 = tpu.dynamic_gather %add3A_1455[%gather3A_1467] in [0] : vector<16xf32>, vector<16xi32> -> vector<16xf32>
                %add3A_1469 = arith.addf %add3A_1455, %gather3A_1468 : vector<16xf32>
                %xor3A_1470 = arith.constant 8 : i32
                %xor3A_1471 = vector.broadcast %xor3A_1470 : i32 to vector<16xi32>
                %xor3A_1472 = arith.xori %iota3A, %xor3A_1471 : vector<16xi32>
                %lt3A_1473 = arith.constant 0 : i32
                %lt3A_1474 = vector.broadcast %lt3A_1473 : i32 to vector<16xi32>
                %lt3A_1475 = arith.cmpi slt, %xor3A_1472, %lt3A_1474 : vector<16xi32>
                %add3A_1476 = arith.constant 16 : i32
                %add3A_1477 = vector.broadcast %add3A_1476 : i32 to vector<16xi32>
                %add3A_1478 = arith.addi %xor3A_1472, %add3A_1477 : vector<16xi32>
                %select_n3A_1479 = arith.select %lt3A_1475, %add3A_1478, %xor3A_1472 : vector<16xi1>, vector<16xi32>
                %broadcast_in_dim3A_1480 = vector.shape_cast %select_n3A_1479 : vector<16xi32> to vector<16x1xi32>
                %gather3A_1481 = vector.shape_cast %broadcast_in_dim3A_1480 : vector<16x1xi32> to vector<16xi32>
                %gather3A_1482 = tpu.dynamic_gather %add3A_1469[%gather3A_1481] in [0] : vector<16xf32>, vector<16xi32> -> vector<16xf32>
                %add3A_1483 = arith.addf %add3A_1469, %gather3A_1482 : vector<16xf32>
                %slice3A_1484 = vector.extract_strided_slice %add3A_1483 {offsets = [0], sizes = [1], strides = [1]} : vector<16xf32> to vector<1xf32>
                %squeeze3A_1485 = vector.extract %slice3A_1484[0] : f32 from vector<1xf32>
                %xor3A_1486 = arith.constant 1 : i32
                %xor3A_1487 = vector.broadcast %xor3A_1486 : i32 to vector<16xi32>
                %xor3A_1488 = arith.xori %iota3A, %xor3A_1487 : vector<16xi32>
                %lt3A_1489 = arith.constant 0 : i32
                %lt3A_1490 = vector.broadcast %lt3A_1489 : i32 to vector<16xi32>
                %lt3A_1491 = arith.cmpi slt, %xor3A_1488, %lt3A_1490 : vector<16xi32>
                %add3A_1492 = arith.constant 16 : i32
                %add3A_1493 = vector.broadcast %add3A_1492 : i32 to vector<16xi32>
                %add3A_1494 = arith.addi %xor3A_1488, %add3A_1493 : vector<16xi32>
                %select_n3A_1495 = arith.select %lt3A_1491, %add3A_1494, %xor3A_1488 : vector<16xi1>, vector<16xi32>
                %broadcast_in_dim3A_1496 = vector.shape_cast %select_n3A_1495 : vector<16xi32> to vector<16x1xi32>
                %gather3A_1497 = vector.shape_cast %broadcast_in_dim3A_1496 : vector<16x1xi32> to vector<16xi32>
                %gather3A_1498 = tpu.dynamic_gather %add3A_1213[%gather3A_1497] in [0] : vector<16xf32>, vector<16xi32> -> vector<16xf32>
                %add3A_1499 = arith.addf %add3A_1213, %gather3A_1498 : vector<16xf32>
                %xor3A_1500 = arith.constant 2 : i32
                %xor3A_1501 = vector.broadcast %xor3A_1500 : i32 to vector<16xi32>
                %xor3A_1502 = arith.xori %iota3A, %xor3A_1501 : vector<16xi32>
                %lt3A_1503 = arith.constant 0 : i32
                %lt3A_1504 = vector.broadcast %lt3A_1503 : i32 to vector<16xi32>
                %lt3A_1505 = arith.cmpi slt, %xor3A_1502, %lt3A_1504 : vector<16xi32>
                %add3A_1506 = arith.constant 16 : i32
                %add3A_1507 = vector.broadcast %add3A_1506 : i32 to vector<16xi32>
                %add3A_1508 = arith.addi %xor3A_1502, %add3A_1507 : vector<16xi32>
                %select_n3A_1509 = arith.select %lt3A_1505, %add3A_1508, %xor3A_1502 : vector<16xi1>, vector<16xi32>
                %broadcast_in_dim3A_1510 = vector.shape_cast %select_n3A_1509 : vector<16xi32> to vector<16x1xi32>
                %gather3A_1511 = vector.shape_cast %broadcast_in_dim3A_1510 : vector<16x1xi32> to vector<16xi32>
                %gather3A_1512 = tpu.dynamic_gather %add3A_1499[%gather3A_1511] in [0] : vector<16xf32>, vector<16xi32> -> vector<16xf32>
                %add3A_1513 = arith.addf %add3A_1499, %gather3A_1512 : vector<16xf32>
                %xor3A_1514 = arith.constant 4 : i32
                %xor3A_1515 = vector.broadcast %xor3A_1514 : i32 to vector<16xi32>
                %xor3A_1516 = arith.xori %iota3A, %xor3A_1515 : vector<16xi32>
                %lt3A_1517 = arith.constant 0 : i32
                %lt3A_1518 = vector.broadcast %lt3A_1517 : i32 to vector<16xi32>
                %lt3A_1519 = arith.cmpi slt, %xor3A_1516, %lt3A_1518 : vector<16xi32>
                %add3A_1520 = arith.constant 16 : i32
                %add3A_1521 = vector.broadcast %add3A_1520 : i32 to vector<16xi32>
                %add3A_1522 = arith.addi %xor3A_1516, %add3A_1521 : vector<16xi32>
                %select_n3A_1523 = arith.select %lt3A_1519, %add3A_1522, %xor3A_1516 : vector<16xi1>, vector<16xi32>
                %broadcast_in_dim3A_1524 = vector.shape_cast %select_n3A_1523 : vector<16xi32> to vector<16x1xi32>
                %gather3A_1525 = vector.shape_cast %broadcast_in_dim3A_1524 : vector<16x1xi32> to vector<16xi32>
                %gather3A_1526 = tpu.dynamic_gather %add3A_1513[%gather3A_1525] in [0] : vector<16xf32>, vector<16xi32> -> vector<16xf32>
                %add3A_1527 = arith.addf %add3A_1513, %gather3A_1526 : vector<16xf32>
                %xor3A_1528 = arith.constant 8 : i32
                %xor3A_1529 = vector.broadcast %xor3A_1528 : i32 to vector<16xi32>
                %xor3A_1530 = arith.xori %iota3A, %xor3A_1529 : vector<16xi32>
                %lt3A_1531 = arith.constant 0 : i32
                %lt3A_1532 = vector.broadcast %lt3A_1531 : i32 to vector<16xi32>
                %lt3A_1533 = arith.cmpi slt, %xor3A_1530, %lt3A_1532 : vector<16xi32>
                %add3A_1534 = arith.constant 16 : i32
                %add3A_1535 = vector.broadcast %add3A_1534 : i32 to vector<16xi32>
                %add3A_1536 = arith.addi %xor3A_1530, %add3A_1535 : vector<16xi32>
                %select_n3A_1537 = arith.select %lt3A_1533, %add3A_1536, %xor3A_1530 : vector<16xi1>, vector<16xi32>
                %broadcast_in_dim3A_1538 = vector.shape_cast %select_n3A_1537 : vector<16xi32> to vector<16x1xi32>
                %gather3A_1539 = vector.shape_cast %broadcast_in_dim3A_1538 : vector<16x1xi32> to vector<16xi32>
                %gather3A_1540 = tpu.dynamic_gather %add3A_1527[%gather3A_1539] in [0] : vector<16xf32>, vector<16xi32> -> vector<16xf32>
                %add3A_1541 = arith.addf %add3A_1527, %gather3A_1540 : vector<16xf32>
                %slice3A_1542 = vector.extract_strided_slice %add3A_1541 {offsets = [0], sizes = [1], strides = [1]} : vector<16xf32> to vector<1xf32>
                %squeeze3A_1543 = vector.extract %slice3A_1542[0] : f32 from vector<1xf32>
                %gt3A_1544 = arith.constant 5.000000e-01 : f32
                %gt3A_1545 = arith.cmpf ogt, %squeeze3A_1485, %gt3A_1544 : f32
                %jit3A_1546 = arith.constant 1 : i32
                %jit3A_1547 = arith.constant 0 : i32
                %select_n3A_1548 = arith.select %gt3A_1545, %jit3A_1546, %jit3A_1547 : i32
                %jit3A_1549 = arith.constant 0 : i32
                %jit3A_1550 = arith.constant 1 : i32
                %select_n3A_1551 = arith.select %eq3A_456, %jit3A_1549, %jit3A_1550 : i32
                %mul3A_1552 = arith.muli %select_n3A_1548, %select_n3A_1551 : i32
                %max3A_1553 = arith.constant 1.000000e+00 : f32
                %max3A_1554 = arith.maximumf %squeeze3A_1485, %max3A_1553 : f32
                %broadcast_in_dim3A_1555 = vector.broadcast %squeeze3A_1543 : f32 to vector<16xf32>
                %broadcast_in_dim3A_1556 = vector.broadcast %max3A_1554 : f32 to vector<16xf32>
                %div3A = arith.divf %broadcast_in_dim3A_1555, %broadcast_in_dim3A_1556 : vector<16xf32>
                %swap3A_1557 = arith.constant 0 : index
                %swap3A_1558 = tpu.vector_load %arg25[%swap3A_1557] {strides = array<i32>} : memref<16xf32, #tpu.memory_space<vmem>>, vector<16xf32>,
                %swap3A_1559 = vector.shape_cast %swap3A_1558 : vector<16xf32> to vector<16xf32>
                %swap3A_1560 = vector.shape_cast %div3A : vector<16xf32> to vector<16xf32>
                tpu.vector_store %arg25[%swap3A_1557], %swap3A_1560 {strides = array<i32>} : memref<16xf32, #tpu.memory_space<vmem>>, vector<16xf32>,
                %get3A_1561 = arith.constant 2 : i32
                %get3A_1562 = arith.index_cast %get3A_1561 : i32 to index
                %get3A_1563 = memref.load %arg32[%get3A_1562] : memref<8xf32, #tpu.memory_space<smem>>
                %ne3A = arith.constant 0 : i32
                %ne3A_1564 = arith.cmpi ne, %mul3A_1552, %ne3A : i32
                %get3A_1565 = arith.constant 0 : index
                %get3A_1566 = tpu.vector_load %arg25[%get3A_1565] {strides = array<i32>} : memref<16xf32, #tpu.memory_space<vmem>>, vector<16xf32>,
                %get3A_1567 = vector.shape_cast %get3A_1566 : vector<16xf32> to vector<16xf32>
                %slice3A_1568 = vector.extract_strided_slice %get3A_1567 {offsets = [0], sizes = [1], strides = [1]} : vector<16xf32> to vector<1xf32>
                %squeeze3A_1569 = vector.extract %slice3A_1568[0] : f32 from vector<1xf32>
                %jit3A_1570 = arith.constant 0.000000e+00 : f32
                %select_n3A_1571 = arith.select %ne3A_1564, %squeeze3A_1569, %jit3A_1570 : f32
                %add3A_1572 = arith.addf %get3A_1563, %select_n3A_1571 : f32
                %swap3A_1573 = arith.constant 2 : i32
                %swap3A_1574 = arith.index_cast %swap3A_1573 : i32 to index
                %swap3A_1575 = memref.load %arg32[%swap3A_1574] : memref<8xf32, #tpu.memory_space<smem>>
                memref.store %add3A_1572, %arg32[%swap3A_1574] : memref<8xf32, #tpu.memory_space<smem>>
                %get3A_1576 = arith.constant 3 : i32
                %get3A_1577 = arith.index_cast %get3A_1576 : i32 to index
                %get3A_1578 = memref.load %arg31[%get3A_1577] : memref<8xi32, #tpu.memory_space<smem>>
                %convert_element_type3A_1579 = arith.fptosi %squeeze3A_1485 : f32 to i32
                %add3A_1580 = arith.addi %get3A_1578, %convert_element_type3A_1579 : i32
                %swap3A_1581 = arith.constant 3 : i32
                %swap3A_1582 = arith.index_cast %swap3A_1581 : i32 to index
                %swap3A_1583 = memref.load %arg31[%swap3A_1582] : memref<8xi32, #tpu.memory_space<smem>>
                memref.store %add3A_1580, %arg31[%swap3A_1582] : memref<8xi32, #tpu.memory_space<smem>>
              } else {
              }
            } else {
            }
          }
          %scan3A_439 = arith.constant 16 : i32
        } else {
        }
      }
      %scan3A_415 = arith.constant 64 : i32
      %eq3A_416 = arith.constant 15 : i32
      %eq3A_417 = arith.cmpi eq, %arg1, %eq3A_416 : i32
      %convert_element_type3A_418 = arith.extui %eq3A_417 : i1 to i32
      %cond3A_419 = arith.constant 0 : i32
      %cond3A_420 = arith.cmpi ne, %convert_element_type3A_418, %cond3A_419 : i32
      scf.if %cond3A_420 {
        %eq3A_426 = arith.constant 0 : i32
        %eq3A_427 = vector.broadcast %eq3A_426 : i32 to vector<16xi32>
        %eq3A_428 = arith.cmpi eq, %iota3A, %eq3A_427 : vector<16xi32>
        %get3A_429 = arith.constant 1 : i32
        %get3A_430 = arith.index_cast %get3A_429 : i32 to index
        %get3A_431 = memref.load %arg32[%get3A_430] : memref<8xf32, #tpu.memory_space<smem>>
        %broadcast_in_dim3A_432 = vector.broadcast %get3A_431 : f32 to vector<16xf32>
        %get3A_433 = arith.constant 2 : i32
        %get3A_434 = arith.index_cast %get3A_433 : i32 to index
        %get3A_435 = memref.load %arg31[%get3A_434] : memref<8xi32, #tpu.memory_space<smem>>
        %convert_element_type3A_436 = arith.sitofp %get3A_435 : i32 to f32
        %broadcast_in_dim3A_437 = vector.broadcast %convert_element_type3A_436 : f32 to vector<16xf32>
        %select_n3A_438 = arith.select %eq3A_428, %broadcast_in_dim3A_432, %broadcast_in_dim3A_437 : vector<16xi1>, vector<16xf32>
        %swap3A_439 = arith.constant 0 : index
        %swap3A_440 = tpu.vector_load %arg25[%swap3A_439] {strides = array<i32>} : memref<16xf32, #tpu.memory_space<vmem>>, vector<16xf32>,
        %swap3A_441 = vector.shape_cast %swap3A_440 : vector<16xf32> to vector<16xf32>
        %swap3A_442 = vector.shape_cast %select_n3A_438 : vector<16xf32> to vector<16xf32>
        tpu.vector_store %arg25[%swap3A_439], %swap3A_442 {strides = array<i32>} : memref<16xf32, #tpu.memory_space<vmem>>, vector<16xf32>,
        "tpu.region"() ({
          %run_scoped3A = tpu.sem_alloc : memref<!tpu.dma_semaphore, #tpu.memory_space<semaphore_mem>>
          tpu.enqueue_dma source(%arg25 : memref<16xf32, #tpu.memory_space<vmem>>) target(%arg30 : memref<16xf32, #tpu.memory_space<vmem_shared>>) target_semaphore(%run_scoped3A : memref<!tpu.dma_semaphore, #tpu.memory_space<semaphore_mem>>)
          tpu.wait_dma2 semaphore(%run_scoped3A : memref<!tpu.dma_semaphore, #tpu.memory_space<semaphore_mem>>) src(%arg25 : memref<16xf32, #tpu.memory_space<vmem>>) dst(%arg30 : memref<16xf32, #tpu.memory_space<vmem_shared>>)
          tpu.yield
        }) : () -> ()
      } else {
      }
      %barrier3A = arith.constant 0 : index
      tpu.barrier barrier_id(%barrier3A)
      %eq3A_421 = arith.constant 0 : i32
      %eq3A_422 = arith.cmpi eq, %arg1, %eq3A_421 : i32
      %convert_element_type3A_423 = arith.extui %eq3A_422 : i1 to i32
      %cond3A_424 = arith.constant 0 : i32
      %cond3A_425 = arith.cmpi ne, %convert_element_type3A_423, %cond3A_424 : i32
      scf.if %cond3A_425 {
        "tpu.region"() ({
          %run_scoped3A = tpu.sem_alloc : memref<!tpu.dma_semaphore, #tpu.memory_space<semaphore_mem>>
          tpu.enqueue_dma source(%arg30 : memref<16xf32, #tpu.memory_space<vmem_shared>>) target(%arg28 : memref<16xf32, #tpu.memory_space<vmem>>) target_semaphore(%run_scoped3A : memref<!tpu.dma_semaphore, #tpu.memory_space<semaphore_mem>>)
          tpu.wait_dma2 semaphore(%run_scoped3A : memref<!tpu.dma_semaphore, #tpu.memory_space<semaphore_mem>>) src(%arg30 : memref<16xf32, #tpu.memory_space<vmem_shared>>) dst(%arg28 : memref<16xf32, #tpu.memory_space<vmem>>)
          tpu.yield
        }) : () -> ()
        %get3A_426 = arith.constant 0 : index
        %get3A_427 = tpu.vector_load %arg28[%get3A_426] {strides = array<i32>} : memref<16xf32, #tpu.memory_space<vmem>>, vector<16xf32>,
        %get3A_428 = vector.shape_cast %get3A_427 : vector<16xf32> to vector<16xf32>
        %slice3A_429 = vector.extract_strided_slice %get3A_428 {offsets = [0], sizes = [1], strides = [1]} : vector<16xf32> to vector<1xf32>
        %squeeze3A_430 = vector.extract %slice3A_429[0] : f32 from vector<1xf32>
        %broadcast_in_dim3A_431 = vector.broadcast %squeeze3A_430 : f32 to vector<16xf32>
        %slice3A_432 = vector.extract_strided_slice %get3A_428 {offsets = [1], sizes = [1], strides = [1]} : vector<16xf32> to vector<1xf32>
        %squeeze3A_433 = vector.extract %slice3A_432[0] : f32 from vector<1xf32>
        %add3A_434 = arith.constant 9.99999997E-7 : f32
        %add3A_435 = arith.addf %squeeze3A_433, %add3A_434 : f32
        %broadcast_in_dim3A_436 = vector.broadcast %add3A_435 : f32 to vector<16xf32>
        %div3A = arith.divf %broadcast_in_dim3A_431, %broadcast_in_dim3A_436 : vector<16xf32>
        %get3A_437 = arith.constant 2 : i32
        %get3A_438 = arith.index_cast %get3A_437 : i32 to index
        %get3A_439 = memref.load %arg32[%get3A_438] : memref<8xf32, #tpu.memory_space<smem>>
        %broadcast_in_dim3A_440 = vector.broadcast %get3A_439 : f32 to vector<16xf32>
        %get3A_441 = arith.constant 3 : i32
        %get3A_442 = arith.index_cast %get3A_441 : i32 to index
        %get3A_443 = memref.load %arg31[%get3A_442] : memref<8xi32, #tpu.memory_space<smem>>
        %convert_element_type3A_444 = arith.sitofp %get3A_443 : i32 to f32
        %add3A_445 = arith.constant 9.99999997E-7 : f32
        %add3A_446 = arith.addf %convert_element_type3A_444, %add3A_445 : f32
        %broadcast_in_dim3A_447 = vector.broadcast %add3A_446 : f32 to vector<16xf32>
        %div3A_448 = arith.divf %broadcast_in_dim3A_440, %broadcast_in_dim3A_447 : vector<16xf32>
        %eq3A_449 = arith.constant 1 : i32
        %eq3A_450 = vector.broadcast %eq3A_449 : i32 to vector<16xi32>
        %eq3A_451 = arith.cmpi eq, %iota3A, %eq3A_450 : vector<16xi32>
        %jit3A_452 = arith.constant 0.000000e+00 : f32
        %broadcast_in_dim3A_453 = vector.broadcast %jit3A_452 : f32 to vector<16xf32>
        %select_n3A_454 = arith.select %eq3A_451, %div3A, %broadcast_in_dim3A_453 : vector<16xi1>, vector<16xf32>
        %select_n3A_455 = arith.select %eq3A_4, %div3A_448, %select_n3A_454 : vector<16xi1>, vector<16xf32>
        %swap3A_456 = arith.constant 0 : index
        %swap3A_457 = tpu.vector_load %arg24[%swap3A_456] {strides = array<i32>} : memref<16xf32, #tpu.memory_space<vmem>>, vector<16xf32>,
        %swap3A_458 = vector.shape_cast %swap3A_457 : vector<16xf32> to vector<16xf32>
        %swap3A_459 = vector.shape_cast %select_n3A_455 : vector<16xf32> to vector<16xf32>
        tpu.vector_store %arg24[%swap3A_456], %swap3A_459 {strides = array<i32>} : memref<16xf32, #tpu.memory_space<vmem>>, vector<16xf32>,
        "tpu.region"() ({
          %run_scoped3A = tpu.sem_alloc : memref<!tpu.dma_semaphore, #tpu.memory_space<semaphore_mem>>
          tpu.enqueue_dma source(%arg24 : memref<16xf32, #tpu.memory_space<vmem>>) target(%arg5 : memref<16xf32, #tpu.memory_space<hbm>>) target_semaphore(%run_scoped3A : memref<!tpu.dma_semaphore, #tpu.memory_space<semaphore_mem>>)
          tpu.wait_dma2 semaphore(%run_scoped3A : memref<!tpu.dma_semaphore, #tpu.memory_space<semaphore_mem>>) src(%arg24 : memref<16xf32, #tpu.memory_space<vmem>>) dst(%arg5 : memref<16xf32, #tpu.memory_space<hbm>>)
          tpu.yield
        }) : () -> ()
      } else {
      }
    } else {
    }
    return
  }
}

</mosaic_0001>

<sc_bundles>
// kernel: _nms_sc.3.cloned.1.call-start
scs
__scs_entry_jumppad:
0x0: {  	(pc) =	sbr.rel $0x88, $3  }
0x1: {  	(tag) =	ssettag $0x0;
	lr =	simm.s32 $0x1  }
0x2: {  	[smem:$0x3F9E] =	sst lr;
	_ =	strace $0xD0000000  }
0x3: {  	_ = 	snop  }
0x4: {  	_ = 	snop  }
0x5: {  	_ = 	snop  }
0x6: {  	_ = 	snop  }
0x7: {  	_ = 	snop  }
__scs_overlays_trampoline_lowered:
0x8: {  	[smem:$0x3FAD] =	sst s0  }
0x9: {  	[smem:$0x3FAE] =	sst s1  }
0xa: {  	[smem:$0x3FAF] =	sst s2  }
0xb: {  	[smem:$0x3FB0] =	sst s3  }
0xc: {  	[smem:$0x3FB1] =	sst s4  }
0xd: {  	[smem:$0x3FB2] =	sst s5  }
0xe: {  	[smem:$0x3FB3] =	sst s6  }
0xf: {  	[smem:$0x3FB4] =	sst s7  }
0x10: {  	[smem:$0x3FB5] =	sst s8  }
0x11: {  	[smem:$0x3FB6] =	sst s9;
	s0 =	simm.s32 @!p0 $0x0  }
0x12: {  	s1 =	sld [smem:$0x3F9C];
	s0 =	simm.s32 @p0 $0x1  }
0x13: {  	[smem:$0x3FB7] =	sst s0;
	s0 =	simm.s32 @!p1 $0x0  }
0x14: {  	s2 =	sld [smem:$0x3F9B];
	s0 =	simm.s32 @p1 $0x1  }
0x15: {  	[smem:$0x3FB8] =	sst s0;
	s0 =	simm.s32 @!p2 $0x0  }
0x16: {  	s3 =	sld [smem:$0x3FDB];
	s0 =	simm.s32 @p2 $0x1  }
0x17: {  	s4 =	simm.s32 $0x1BF5;
	[smem:$0x3FBA] =	sst s0  }
0x18: {  	s0 =	sld [smem:$0x3F9D];
	_ =	swait.ge [sflag:s4], $0x0  }
0x19: {  	s7 =	sld [smem:$0x3F9E]  }
0x1a: {  	s8 =	sadd.s32 $0xFFFFE003, lr  }
0x1b: {  	s9 =	sadd.s32 $0xFFFFFEF7, lr;
	s5 =	simm.s32 $0xFFFFFFFF;
	p2 =	slt.u32 s8, $0xFFFFF086  }
0x1c: {  	p1 =	slt.u32 s9, $0xF7A;
	s5 =	simm.s32 @!p2 $0x0  }
0x1d: {  	s5 =	simm.s32 @p1 $0x1;
	p0 =	seq.s32 s7, s2  }
0x1e: {  	s7 =	smul.u32 @!p0 $0xF7A, s2;
	p2 =	seq.s32 @!p0 s5, $0x0  }
0x1f: {  	s9 =	smul.u32 $0xF7A, s1;
	s8 =	simm.s32 @!p0 $0x1BF5;
	p2 =	por !p2, p0  }
0x20: {  	[sflag:s8] =	ssyncset.s32 @!p0 $0xFFFFF086;
	s6 =	sadd.s32 @!p0 s3, s7;
	s7 =	simm.s32 @!p0 $0x108  }
0x21: {  	s3 =	sadd.s32 s3, s9;
	s6 =	sadd.s32 @!p0 $0x88, s6;
	s7 =	simm.s32 @p2 $0x1082  }
0x22: {  	[simem:s7], [sflag:s8] =	dma.local @!p0 [hbm:s6], $0xF7A  }
0x23: {  	s9 =	sor.u32 $0xD0000000, s2;
	s6 =	simm.s32 $0x108;
	_ =	swait.ge @!p0 [sflag:s8], $0x0  }
0x24: {  	s3 =	sadd.s32 $0x88, s3;
	s6 =	simm.s32 @!p1 $0x1082;
	[sflag:s4] =	ssyncset.s32 $0xFFFFF086  }
0x25: {  	[simem:s6], [sflag:s4] =	dma.local [hbm:s3], $0xF7A  }
0x26: {  	[smem:$0x3F9E] =	sst s1;
	(tag) =	ssettag s2;
	_ =	strace s9  }
0x27: {  	s1 =	sld [smem:$0x3FAE]  }
0x28: {  	s2 =	sld [smem:$0x3FAF]  }
0x29: {  	s4 =	sld [smem:$0x3FB1]  }
0x2a: {  	p0 =	seq.s32 s5, $0x0;
	s5 =	sld [smem:$0x3FB2]  }
0x2b: {  	s6 =	sld [smem:$0x3FB3]  }
0x2c: {  	s7 =	sld [smem:$0x3FB4]  }
0x2d: {  	s3 =	simm.s32 $0x108;
	s8 =	sld [smem:$0x3FB5]  }
0x2e: {  	s3 =	simm.s32 @!p0 $0x1082;
	s9 =	sld [smem:$0x3FB6]  }
0x2f: {  	lr =	sadd.s32 s0, s3;
	s0 =	sld [smem:$0x3FAD]  }
0x30: {  	s3 =	sld [smem:$0x3FB0]  }
0x31: {  	[smem:$0x3FB9] =	sst s10  }
0x32: {  	s10 =	sld [smem:$0x3FB7];
	_ =	sdelay $0x3  }
0x33: {  	p0 =	seq.s32 s10, $0x1;
	s10 =	sld [smem:$0x3FB9];
	_ =	sdelay $0x3  }
0x34: {  	[smem:$0x3FB9] =	sst s10  }
0x35: {  	s10 =	sld [smem:$0x3FB8];
	_ =	sdelay $0x3  }
0x36: {  	p1 =	seq.s32 s10, $0x1;
	s10 =	sld [smem:$0x3FB9];
	_ =	sdelay $0x3  }
0x37: {  	[smem:$0x3FB9] =	sst s10  }
0x38: {  	s10 =	sld [smem:$0x3FBA]  }
0x39: {  	_ = 	snop;
	(pc) =	sbr.ind lr, $3  }
0x3a: {  	_ = 	snop  }
0x3b: {  	_ = 	snop  }
0x3c: {  	p2 =	seq.s32 s10, $0x1;
	s10 =	sld [smem:$0x3FB9]  }
0x3d: {  	_ =	shalt  }
0x3e: {  	_ =	shalt  }
0x3f: {  	_ =	shalt  }
0x40: {  	_ =	shalt  }
0x41: {  	_ =	shalt  }
0x42: {  	_ =	shalt  }
0x43: {  	_ =	shalt  }
0x44: {  	_ =	shalt  }
0x45: {  	_ =	shalt  }
0x46: {  	_ =	shalt  }
0x47: {  	_ =	shalt  }
0x48: {  	_ =	shalt  }
0x49: {  	_ =	shalt  }
0x4a: {  	_ =	shalt  }
0x4b: {  	_ =	shalt  }
0x4c: {  	_ =	shalt  }
0x4d: {  	_ =	shalt  }
0x4e: {  	_ =	shalt  }
0x4f: {  	_ =	shalt  }
0x50: {  	_ =	shalt  }
0x51: {  	_ =	shalt  }
0x52: {  	_ =	shalt  }
0x53: {  	_ =	shalt  }
0x54: {  	_ =	shalt  }
0x55: {  	_ =	shalt  }
0x56: {  	_ =	shalt  }
0x57: {  	_ =	shalt  }
0x58: {  	_ =	shalt  }
0x59: {  	_ =	shalt  }
0x5a: {  	_ =	shalt  }
0x5b: {  	_ =	shalt  }
0x5c: {  	_ =	shalt  }
0x5d: {  	_ =	shalt  }
0x5e: {  	_ =	shalt  }
0x5f: {  	_ =	shalt  }
0x60: {  	_ =	shalt  }
0x61: {  	_ =	shalt  }
0x62: {  	_ =	shalt  }
0x63: {  	_ =	shalt  }
0x64: {  	_ =	shalt  }
0x65: {  	_ =	shalt  }
0x66: {  	_ =	shalt  }
0x67: {  	_ =	shalt  }
0x68: {  	_ =	shalt  }
0x69: {  	_ =	shalt  }
0x6a: {  	_ =	shalt  }
0x6b: {  	_ =	shalt  }
0x6c: {  	_ =	shalt  }
0x6d: {  	_ =	shalt  }
0x6e: {  	_ =	shalt  }
0x6f: {  	_ =	shalt  }
0x70: {  	_ =	shalt  }
0x71: {  	_ =	shalt  }
0x72: {  	_ =	shalt  }
0x73: {  	_ =	shalt  }
0x74: {  	_ =	shalt  }
0x75: {  	_ =	shalt  }
0x76: {  	_ =	shalt  }
0x77: {  	_ =	shalt  }
0x78: {  	_ =	shalt  }
0x79: {  	_ =	shalt  }
0x7a: {  	_ =	shalt  }
0x7b: {  	_ =	shalt  }
0x7c: {  	_ =	shalt  }
0x7d: {  	_ =	shalt  }
0x7e: {  	_ =	shalt  }
0x7f: {  	_ =	shalt  }
0x80: {  	_ =	shalt  }
0x81: {  	_ =	shalt  }
0x82: {  	_ =	shalt  }
0x83: {  	_ =	shalt  }
0x84: {  	_ =	shalt  }
0x85: {  	_ =	shalt  }
0x86: {  	_ =	shalt  }
0x87: {  	_ =	shalt  }
.Lfunc_end0:
.L_simem_size_0:
called_computation_lowered:
.L_overlay_start_0:
0x88: {  	s2 =	sld [smem:$0x3FD9]  }
0x89: {  	s3 =	sld [smem:$0x3FFE];
	_ =	sdelay $0x1  }
0x8a: {  	s1 =	srdreg.scid  }
0x8b: {  	s0 =	sand.u32 $0x1, s1  }
0x8c: {  	s18 =	sshll.u32 s0, $0xA;
	s2 =	sadd.s32 s3, s2  }
0x8d: {  	s2 =	sadd.s32 s2, s18  }
0x8e: {  	[smem:$0x3FC5] =	sst s2  }
0x8f: {  	_ = 	snop  }
0x90: {  	s2 =	sld [smem:$0x3FC9]  }
0x91: {  	s19 =	sld [smem:$0x3FC8]  }
0x92: {  	s4 =	sld [smem:$0x3FC7]  }
0x93: {  	s5 =	sld [smem:$0x3FD0];
	(tm) =	ssettm $0x1  }
0x94: {  	s6 =	sld [smem:$0x3FFB];
	_ =	sdelay $0x3  }
0x95: {  	_ =	strace s6  }
0x96: {  	s6 =	sld [smem:$0x3FFC];
	_ =	sdelay $0x3  }
0x97: {  	_ =	strace s6  }
0x98: {  	s6 =	sld [smem:$0x3FFD];
	_ =	sdelay $0x3  }
0x99: {  	_ =	strace s6  }
0x9a: {  	_ =	strace $0x8FFFFFFF  }
0x9b: {  	s20 =	sld [smem:$0x3FDB];
	_ =	sdelay $0x1  }
0x9c: {  	s7 =	simm.s32 $_scs_section_size  }
0x9d: {  	s8 =	simm.s32 $_size__tile_overlayer_lowered;
	s9 =	simm.s32 $_tile_overlayer_lowered  }
0x9e: {  	s23 =	simm.s32 $0x1BFF;
	s22 =	sshll.u32 s9, $0x1;
	s6 =	sadd.s32 s7, s20  }
0x9f: {  	s10 =	simm.s32 $0x0;
	s21 =	sshll.u32 s8, $0x1;
	s8 =	sadd.s32 s22, s6  }
0xa0: {  	[timem:s10], [sflag:s23] =	dma.local [hbm:s8], s21  }
0xa1: {  	_ =	swait.ge [sflag:s23], s21  }
0xa2: {  	s7 =	ssub.s32 $0x0, s21;
	[sflag:s23] =	ssyncset.done $0x0  }
0xa3: {  	[sflag:s23] =	ssyncadd.s32 s7;
	_ =	sdelay $0x1  }
0xa4: {  	s24 =	simm.s32 $0x1B8B  }
0xa5: {  	_ =	swait.ge [sflag:s24], $0x1  }
0xa6: {  	[sflag:s24] =	ssyncset.done $0x0  }
0xa7: {  	s25 =	simm.s32 $0x1B8E;
	[sflag:s24] =	ssyncadd.s32 $0xFFFFFFFF  }
0xa8: {  	s26 =	simm.s32 $execute0_lowered;
	[smem:$0x3FD2] =	sst s25  }
0xa9: {  	s7 =	sshll.u32 s26, $0x1;
	_ =	strace $0x80000046;
	[dreg:$0x1] =	wrdreg $0xFFFFFFFF  }
0xaa: {  	s28 =	simm.s32 $_size_execute0_lowered;
	s6 =	sadd.s32 s6, s7;
	[dreg:$0x0] =	wrdreg $0x0  }
0xab: {  	s7 =	sshll.u32 s28, $0x1;
	[dreg:$0x2] =	wrdreg s6  }
0xac: {  	[dreg:$0x3] =	wrdreg s7  }
0xad: {  	[dreg:$0x4] =	wrdreg $0xC0  }
0xae: {  	_ =	task [dreg:s10], $0x5FFFF  }
0xaf: {  	[dreg:$0x1] =	wrdreg $0xFFFFFFFF  }
0xb0: {  	[dreg:$0x0] =	wrdreg $0x60  }
0xb1: {  	[dreg:$0x2] =	wrdreg s2  }
0xb2: {  	[dreg:$0x3] =	wrdreg s19  }
0xb3: {  	[dreg:$0x4] =	wrdreg s4  }
0xb4: {  	[dreg:$0x5] =	wrdreg s5  }
0xb5: {  	[dreg:$0x6] =	wrdreg $0x47000  }
0xb6: {  	[dreg:$0x7] =	wrdreg $0x47A00  }
0xb7: {  	[dreg:$0x8] =	wrdreg $0x9  }
0xb8: {  	_ =	task.clear_ibuf [dreg:s10], $0x9FFFF;
	_ =	strace $0x90000046  }
0xb9: {  	s29 =	simm.s32 $0x9;
	_ =	strace $0x80000048  }
0xba: {  	_ =	swait.ge [sflag:s29], $0x1  }
0xbb: {  	[sflag:s29] =	ssyncadd.s32 $0xFFFFFFFF  }
0xbc: {  	_ =	strace $0x90000048  }
0xbd: {  	_ =	sfence  }
0xbe: {  	s30 =	sld [smem:$0x0];
	_ =	sdelay $0x2  }
0xbf: {  	s31 =	sshll.u32 s1, $0xD;
	s1 =	sshrl.u32 s1, $0x2  }
0xc0: {  	s3 =	sand.u32 $0x4000, s31;
	s1 =	sadd.s32 s1, s30  }
0xc1: {  	s0 =	sor.u32 s3, s0;
	s1 =	sshll.u32 s1, $0x11  }
0xc2: {  	s0 =	sor.u32 s1, s0  }
0xc3: {  	s0 =	sadd.s32 $0x8F2B, s0  }
0xc4: {  	[sflag:s0] =	ssyncadd.remote.s32 $0x1  }
0xc5: {  	_ =	sfence.sel $0xFFFF  }
0xc6: {  	[dreg:$0x0] =	wrdreg $0xFFFFFFFF;
	(pc) =	sbr.abs _section_cstart, $3  }
0xc7: {  	[dreg:$0x1] =	wrdreg $0xFFFFFFFF  }
0xc8: {  	_ =	task.clear_ibuf [dreg:s10], $0x2FFFF;
	_ =	strace $0x9FFFFFFF  }
0xc9: {  	(tm) =	ssettm $0x7FFFFFFF  }
tec
execute0_lowered:
.L_overlay_start_1:
0x0: {  	(tag) =	ssettag $0x1  }
0x1: {  	s8 =	rddreg [dreg:$0x0];
	s1 =	srdreg.scid  }
0x2: {  	s7 =	rddreg [dreg:$0x1];
	s1 =	sand.u32 $0x1, s1  }
0x3: {  	s5 =	rddreg [dreg:$0x2];
	p0 =	seq.s32 s1, $0x1  }
.Ltmp0:
0x4: {  	s3 =	rddreg [dreg:$0x3];
	(pc) =	sbr.rel @p0 .LBB2_18-.Ltmp0, $4  }
0x5: {  	s4 =	rddreg [dreg:$0x4]  }
0x6: {  	s2 =	rddreg [dreg:$0x5];
	s6 =	simm.s32 $0x0  }
0x7: {  	[smem:$0x7FF] =	sst s6  }
0x8: {  	s0 =	rddreg [dreg:$0x6];
	_ =	strace $0x80000047;
	s1 =	stileid.u32  }
0x9: {  	[tilespmem:s6], [sflag:$0x1] =	stream.linear.gather [hbm4b:s8+s6], $0x410, $0x38;
	[tilespmem:$0x47A8] =	vst v63  }
0xa: {  	s9 =	sadd.s32 $0x82, s8;
	s10 =	simm.s32 $0x480  }
0xb: {  	[tilespmem:s10], [sflag:$0x1] =	stream.linear.gather [hbm4b:s9+s6], $0x410, $0x38;
	[tilespmem:$0x47A8] =	vst v63  }
0xc: {  	s15 =	sadd.s32 $0x104, s8;
	s16 =	simm.s32 $0x900  }
0xd: {  	[tilespmem:s16], [sflag:$0x1] =	stream.linear.gather [hbm4b:s15+s6], $0x410, $0x38;
	[tilespmem:$0x47A8] =	vst v63  }
0xe: {  	s17 =	sadd.s32 $0x186, s8;
	s18 =	simm.s32 $0xD80  }
0xf: {  	[tilespmem:s18], [sflag:$0x1] =	stream.linear.gather [hbm4b:s17+s6], $0x410, $0x38;
	[tilespmem:$0x47A8] =	vst v63  }
0x10: {  	s19 =	sadd.s32 $0x208, s8;
	s20 =	simm.s32 $0x1200  }
0x11: {  	[tilespmem:s20], [sflag:$0x1] =	stream.linear.gather [hbm4b:s19+s6], $0x410, $0x38;
	[tilespmem:$0x47A8] =	vst v63  }
0x12: {  	s21 =	simm.s32 $0x1680  }
0x13: {  	[tilespmem:s21], [sflag:$0x1] =	stream.linear.gather [hbm4b:s7+s6], $0x480, $0x38;
	[tilespmem:$0x47A8] =	vst v63  }
0x14: {  	s22 =	simm.s32 $0x3000  }
0x15: {  	[tilespmem:s22], [sflag:$0x1] =	stream.linear.gather [hbm4b:s5+s6], $0x50, $0x38;
	[tilespmem:$0x47A8] =	vst v63  }
0x16: {  	s23 =	sadd.s32 $0xA, s5;
	s24 =	simm.s32 $0x3080  }
0x17: {  	[tilespmem:s24], [sflag:$0x1] =	stream.linear.gather [hbm4b:s23+s6], $0x50, $0x38;
	[tilespmem:$0x47A8] =	vst v63  }
0x18: {  	s25 =	sadd.s32 $0x14, s5;
	s26 =	simm.s32 $0x3100  }
0x19: {  	[tilespmem:s26], [sflag:$0x1] =	stream.linear.gather [hbm4b:s25+s6], $0x50, $0x38;
	[tilespmem:$0x47A8] =	vst v63  }
0x1a: {  	s28 =	sadd.s32 $0x1E, s5;
	s29 =	simm.s32 $0x3180;
	s30 =	simm.s32 $0x1  }
0x1b: {  	[tilespmem:s29], [sflag:$0x1] =	stream.linear.gather [hbm4b:s28+s6], $0x50, $0x38;
	[tilespmem:$0x47A8] =	vst v63  }
0x1c: {  	_ =	swait.ge [sflag:s30], $0x410  }
0x1d: {  	[sflag:s30] =	ssyncset.done $0x0  }
0x1e: {  	[sflag:s30] =	ssyncadd.s32 $0xFFFFFBF0  }
0x1f: {  	_ =	swait.ge [sflag:s30], $0x410  }
0x20: {  	[sflag:s30] =	ssyncset.done $0x0  }
0x21: {  	[sflag:s30] =	ssyncadd.s32 $0xFFFFFBF0  }
0x22: {  	_ =	swait.ge [sflag:s30], $0x410  }
0x23: {  	[sflag:s30] =	ssyncset.done $0x0  }
0x24: {  	[sflag:s30] =	ssyncadd.s32 $0xFFFFFBF0  }
0x25: {  	_ =	swait.ge [sflag:s30], $0x410  }
0x26: {  	[sflag:s30] =	ssyncset.done $0x0  }
0x27: {  	[sflag:s30] =	ssyncadd.s32 $0xFFFFFBF0  }
0x28: {  	_ =	swait.ge [sflag:s30], $0x410  }
0x29: {  	[sflag:s30] =	ssyncset.done $0x0  }
0x2a: {  	[sflag:s30] =	ssyncadd.s32 $0xFFFFFBF0  }
0x2b: {  	_ =	swait.ge [sflag:s30], $0x480  }
0x2c: {  	[sflag:s30] =	ssyncset.done $0x0  }
0x2d: {  	[sflag:s30] =	ssyncadd.s32 $0xFFFFFB80  }
0x2e: {  	_ =	swait.ge [sflag:s30], $0x50  }
0x2f: {  	[sflag:s30] =	ssyncset.done $0x0  }
0x30: {  	[sflag:s30] =	ssyncadd.s32 $0xFFFFFFB0  }
0x31: {  	_ =	swait.ge [sflag:s30], $0x50  }
0x32: {  	[sflag:s30] =	ssyncset.done $0x0  }
0x33: {  	[sflag:s30] =	ssyncadd.s32 $0xFFFFFFB0  }
0x34: {  	_ =	swait.ge [sflag:s30], $0x50  }
0x35: {  	[sflag:s30] =	ssyncset.done $0x0  }
0x36: {  	[sflag:s30] =	ssyncadd.s32 $0xFFFFFFB0  }
0x37: {  	_ =	swait.ge [sflag:s30], $0x50  }
0x38: {  	[sflag:s30] =	ssyncset.done $0x0  }
0x39: {  	[sflag:s30] =	ssyncadd.s32 $0xFFFFFFB0  }
0x3a: {  	v0 =	vld [tilespmem:$0x3100]  }
0x3b: {  	v1 =	vld [tilespmem:$0x3000]  }
0x3c: {  	v2 =	vld [tilespmem:$0x3180]  }
0x3d: {  	v3 =	vld [tilespmem:$0x3080]  }
0x3e: {  	v4 =	vld [tilespmem:$0x3110]  }
0x3f: {  	v5 =	vld [tilespmem:$0x3010]  }
0x40: {  	v6 =	vld [tilespmem:$0x3190]  }
0x41: {  	v7 =	vld [tilespmem:$0x3090]  }
0x42: {  	v8 =	vld [tilespmem:$0x3120]  }
0x43: {  	v9 =	vld [tilespmem:$0x3020]  }
0x44: {  	v10 =	vld [tilespmem:$0x31A0]  }
0x45: {  	v11 =	vld [tilespmem:$0x30A0]  }
0x46: {  	v12 =	vld [tilespmem:$0x3130]  }
0x47: {  	v13 =	vld [tilespmem:$0x3030]  }
0x48: {  	v14 =	vld [tilespmem:$0x31B0]  }
0x49: {  	v15 =	vld [tilespmem:$0x30B0]  }
0x4a: {  	v16 =	vld [tilespmem:$0x3140]  }
0x4b: {  	v17 =	vld [tilespmem:$0x3040]  }
0x4c: {  	v18 =	vld [tilespmem:$0x31C0]  }
0x4d: {  	v19 =	vld [tilespmem:$0x30C0]  }
0x4e: {  	v0 =	vsub.f32 v0, v1;
	v1 =	vsub.f32 v2, v3  }
0x4f: {  	v2 =	vsub.f32 v4, v5;
	v3 =	vsub.f32 v6, v7  }
0x50: {  	v4 =	vsub.f32 v10, v11;
	v0 =	vmul.f32 v1, v0;
	v1 =	vsub.f32 v8, v9  }
0x51: {  	v5 =	vsub.f32 v14, v15;
	v2 =	vmul.f32 v3, v2;
	v3 =	vsub.f32 v12, v13  }
0x52: {  	[tilespmem:$0x3200] =	vst v0;
	v0 =	vmul.f32 v4, v1;
	v1 =	vsub.f32 v16, v17;
	v4 =	vsub.f32 v18, v19  }
0x53: {  	[tilespmem:$0x3210] =	vst v2;
	v2 =	vmul.f32 v5, v3  }
0x54: {  	[tilespmem:$0x3220] =	vst v0;
	v0 =	vmul.f32 v4, v1  }
0x55: {  	[tilespmem:$0x3230] =	vst v2  }
0x56: {  	[tilespmem:$0x3240] =	vst v0;
	v0 =	vimm.s32 $0xFFFFFFFF  }
0x57: {  	[tilespmem:$0x3F80] =	vst v0  }
0x58: {  	v55 =	vld [tilespmem:$0x3000];
	[tilespmem:$0x3F90] =	vst v0  }
0x59: {  	v3 =	vld [tilespmem:$0x3180];
	[tilespmem:$0x3FA0] =	vst v0  }
0x5a: {  	v1 =	vld [tilespmem:$0x3080];
	[tilespmem:$0x3FB0] =	vst v0  }
0x5b: {  	s31 =	simm.s32 $0x0;
	v2 =	vld [tilespmem:$0x3100];
	[tilespmem:$0x3FC0] =	vst v0  }
0x5c: {  	v4 =	vld.msk [tilespmem:s31+$0x3180 ss:$0x0], $0xffff  }
0x5d: {  	v5 =	vld.msk [tilespmem:s31+$0x3100 ss:$0x0], $0xffff  }
0x5e: {  	v6 =	vld.msk [tilespmem:s31+$0x3080 ss:$0x0], $0xffff  }
0x5f: {  	v7 =	vld.msk [tilespmem:s31+$0x3000 ss:$0x0], $0xffff;
	_ =	sdelay $0x2  }
0x60: {  	v57 =	vld [tilespmem:$0x3200]  }
0x61: {  	v56 =	vld.msk [tilespmem:s31+$0x3200 ss:$0x0], $0xffff;
	v3 =	vmin.f32 v4, v3  }
0x62: {  	v2 =	vmin.f32 v5, v2;
	v1 =	vmax.f32 v6, v1;
	v8 =	vmax.f32 v7, v55  }
0x63: {  	v1 =	vsub.f32 v3, v1;
	v2 =	vsub.f32 v2, v8;
	_ =	sdelay $0x1  }
0x64: {  	v1 =	vmax.f32 v1, $0.0e+00;
	v2 =	vmax.f32 v2, $0.0e+00  }
0x65: {  	v1 =	vmul.f32 v1, v2;
	v2 =	vadd.f32 v57, v56;
	_ =	sdelay $0x1  }
0x66: {  	v2 =	vsub.f32 v2, v1;
	_ =	sdelay $0x1  }
0x67: {  	v2 =	vmax.f32 v2, $9.999999970e-07  }
0x68: {  	(erf) = vrcp.f32 v2;
	_ =	sdelay $0x8  }
0x69: {  	v2 =	vpop (erf)  }
0x6a: {  	v1 =	vmul.f32 v2, v1  }
0x6b: {  	s6 =	simm.s32 $0x32A0  }
0x6c: {  	[tilespmem:s6+$0xFFFFFFE0] =	vst v1  }
0x6d: {  	v1 =	vld [tilespmem:$0x3110]  }
0x6e: {  	v2 =	vld [tilespmem:$0x3010]  }
0x6f: {  	v3 =	vld [tilespmem:$0x3090]  }
0x70: {  	v58 =	vld [tilespmem:$0x3190];
	_ =	sdelay $0x3  }
0x71: {  	v59 =	vld [tilespmem:$0x3210];
	v2 =	vmax.f32 v7, v2  }
0x72: {  	v3 =	vmax.f32 v6, v3;
	v1 =	vmin.f32 v5, v1;
	v8 =	vmin.f32 v4, v58  }
0x73: {  	v1 =	vsub.f32 v1, v2;
	v2 =	vsub.f32 v8, v3;
	_ =	sdelay $0x1  }
0x74: {  	v1 =	vmax.f32 v1, $0.0e+00;
	v2 =	vmax.f32 v2, $0.0e+00  }
0x75: {  	v1 =	vmul.f32 v2, v1;
	v2 =	vadd.f32 v59, v56;
	_ =	sdelay $0x1  }
0x76: {  	v2 =	vsub.f32 v2, v1;
	_ =	sdelay $0x1  }
0x77: {  	v2 =	vmax.f32 v2, $9.999999970e-07  }
0x78: {  	(erf) = vrcp.f32 v2;
	_ =	sdelay $0x8  }
0x79: {  	v2 =	vpop (erf)  }
0x7a: {  	v1 =	vmul.f32 v2, v1;
	_ =	sdelay $0x1  }
0x7b: {  	[tilespmem:s6+$0xFFFFFFF0] =	vst v1  }
0x7c: {  	v1 =	vld [tilespmem:$0x3020]  }
0x7d: {  	v2 =	vld [tilespmem:$0x31A0]  }
0x7e: {  	v3 =	vld [tilespmem:$0x30A0]  }
0x7f: {  	v60 =	vld [tilespmem:$0x3120];
	_ =	sdelay $0x3  }
0x80: {  	v61 =	vld [tilespmem:$0x3220];
	v1 =	vmax.f32 v7, v1  }
0x81: {  	v2 =	vmin.f32 v4, v2;
	v3 =	vmax.f32 v6, v3;
	v8 =	vmin.f32 v5, v60  }
0x82: {  	v2 =	vsub.f32 v2, v3;
	v1 =	vsub.f32 v8, v1;
	_ =	sdelay $0x1  }
0x83: {  	v1 =	vmax.f32 v1, $0.0e+00;
	v2 =	vmax.f32 v2, $0.0e+00  }
0x84: {  	v1 =	vmul.f32 v2, v1;
	v2 =	vadd.f32 v61, v56;
	_ =	sdelay $0x1  }
0x85: {  	v2 =	vsub.f32 v2, v1;
	_ =	sdelay $0x1  }
0x86: {  	v2 =	vmax.f32 v2, $9.999999970e-07  }
0x87: {  	(erf) = vrcp.f32 v2;
	_ =	sdelay $0x8  }
0x88: {  	v2 =	vpop (erf)  }
0x89: {  	v1 =	vmul.f32 v2, v1;
	_ =	sdelay $0x1  }
0x8a: {  	[tilespmem:s6+$0x0] =	vst v1  }
0x8b: {  	v1 =	vld [tilespmem:$0x3030]  }
0x8c: {  	v2 =	vld [tilespmem:$0x31B0]  }
0x8d: {  	v3 =	vld [tilespmem:$0x30B0]  }
0x8e: {  	v62 =	vld [tilespmem:$0x3130];
	_ =	sdelay $0x3  }
0x8f: {  	v63 =	vld [tilespmem:$0x3230];
	v1 =	vmax.f32 v7, v1  }
0x90: {  	v2 =	vmin.f32 v4, v2;
	v3 =	vmax.f32 v6, v3;
	v4 =	vmin.f32 v5, v62  }
0x91: {  	v2 =	vsub.f32 v2, v3;
	v1 =	vsub.f32 v4, v1;
	_ =	sdelay $0x1  }
0x92: {  	v2 =	vmax.f32 v2, $0.0e+00;
	v1 =	vmax.f32 v1, $0.0e+00  }
0x93: {  	v3 =	vadd.f32 v63, v56;
	v1 =	vmul.f32 v2, v1;
	_ =	sdelay $0x1  }
0x94: {  	v2 =	vsub.f32 v3, v1  }
0x95: {  	s8 =	simm.s32 $0x32A0  }
0x96: {  	s9 =	simm.s32 $0x4;
	s7 =	smul.u32 $0x140, s1;
	s5 =	sshll.u32 s1, $0x6;
	v5 =	vmov s1;
	v2 =	vmax.f32 v2, $9.999999970e-07  }
.LBB2_2:
0x97: {  	p0 =	sne.s32 s9, $0xC4  }
0x98: {  	s6 =	sadd.s32 $0x40, s6;
	(erf) = vrcp.f32 v2;
	s10 =	smov.u32 s9;
	s9 =	sadd.s32 $0x4, s9  }
0x99: {  	_ =	sdelay $0x7  }
0x9a: {  	v2 =	vpop (erf)  }
0x9b: {  	v1 =	vmul.f32 v2, v1;
	_ =	sdelay $0x1  }
0x9c: {  	[tilespmem:s8+$0x10] =	vst v1;
	s8 =	smov.u32 s6  }
0x9d: {  	v7 =	vld [tilespmem:$0x3080]  }
0x9e: {  	v8 =	vld [tilespmem:$0x3100]  }
0x9f: {  	s10 =	sshra.s32 s10, $0x2;
	v3 =	vld [tilespmem:$0x3180]  }
0xa0: {  	v2 =	vld.msk [tilespmem:s10+$0x3180 ss:$0x0], $0xffff  }
0xa1: {  	v1 =	vld.msk [tilespmem:s10+$0x3100 ss:$0x0], $0xffff  }
0xa2: {  	v4 =	vld.msk [tilespmem:s10+$0x3080 ss:$0x0], $0xffff  }
0xa3: {  	v6 =	vld.msk [tilespmem:s10+$0x3000 ss:$0x0], $0xffff  }
0xa4: {  	v9 =	vld [tilespmem:$0x3000];
	_ =	sdelay $0x1  }
0xa5: {  	v10 =	vmin.f32 v2, v3  }
0xa6: {  	v8 =	vmin.f32 v1, v8;
	v3 =	vld.msk [tilespmem:s10+$0x3200 ss:$0x0], $0xffff  }
0xa7: {  	v7 =	vmax.f32 v4, v7;
	v11 =	vld [tilespmem:$0x3200]  }
0xa8: {  	v7 =	vsub.f32 v10, v7;
	v9 =	vmax.f32 v6, v9  }
0xa9: {  	v8 =	vsub.f32 v8, v9  }
0xaa: {  	v7 =	vmax.f32 v7, $0.0e+00  }
0xab: {  	v8 =	vmax.f32 v8, $0.0e+00  }
0xac: {  	v7 =	vmul.f32 v7, v8;
	v8 =	vadd.f32 v11, v3;
	_ =	sdelay $0x1  }
0xad: {  	v8 =	vsub.f32 v8, v7;
	_ =	sdelay $0x1  }
0xae: {  	v8 =	vmax.f32 v8, $9.999999970e-07  }
0xaf: {  	(erf) = vrcp.f32 v8;
	_ =	sdelay $0x8  }
0xb0: {  	v8 =	vpop (erf)  }
0xb1: {  	v7 =	vmul.f32 v8, v7;
	_ =	sdelay $0x1  }
0xb2: {  	[tilespmem:s6+$0xFFFFFFE0] =	vst v7  }
0xb3: {  	v7 =	vld [tilespmem:$0x3110]  }
0xb4: {  	v8 =	vld [tilespmem:$0x3010]  }
0xb5: {  	v9 =	vld [tilespmem:$0x3090]  }
0xb6: {  	v10 =	vld [tilespmem:$0x3190];
	_ =	sdelay $0x2  }
0xb7: {  	v8 =	vmax.f32 v6, v8  }
0xb8: {  	v7 =	vmin.f32 v1, v7;
	v11 =	vld [tilespmem:$0x3210];
	v9 =	vmax.f32 v4, v9  }
0xb9: {  	v7 =	vsub.f32 v7, v8;
	v10 =	vmin.f32 v2, v10  }
0xba: {  	v8 =	vsub.f32 v10, v9  }
0xbb: {  	v7 =	vmax.f32 v7, $0.0e+00  }
0xbc: {  	v8 =	vmax.f32 v8, $0.0e+00  }
0xbd: {  	v7 =	vmul.f32 v8, v7;
	v8 =	vadd.f32 v11, v3;
	_ =	sdelay $0x1  }
0xbe: {  	v8 =	vsub.f32 v8, v7;
	_ =	sdelay $0x1  }
0xbf: {  	v8 =	vmax.f32 v8, $9.999999970e-07  }
0xc0: {  	(erf) = vrcp.f32 v8;
	_ =	sdelay $0x8  }
0xc1: {  	v8 =	vpop (erf)  }
0xc2: {  	v7 =	vmul.f32 v8, v7;
	_ =	sdelay $0x1  }
0xc3: {  	[tilespmem:s6+$0xFFFFFFF0] =	vst v7  }
0xc4: {  	v7 =	vld [tilespmem:$0x3020]  }
0xc5: {  	v8 =	vld [tilespmem:$0x31A0]  }
0xc6: {  	v9 =	vld [tilespmem:$0x30A0]  }
0xc7: {  	v10 =	vld [tilespmem:$0x3120];
	_ =	sdelay $0x1  }
0xc8: {  	v7 =	vmax.f32 v6, v7  }
0xc9: {  	v8 =	vmin.f32 v2, v8  }
0xca: {  	v11 =	vld [tilespmem:$0x3220];
	v9 =	vmax.f32 v4, v9  }
0xcb: {  	v10 =	vmin.f32 v1, v10;
	v8 =	vsub.f32 v8, v9  }
0xcc: {  	v7 =	vsub.f32 v10, v7;
	_ =	sdelay $0x1  }
0xcd: {  	v8 =	vmax.f32 v8, $0.0e+00;
	v7 =	vmax.f32 v7, $0.0e+00  }
0xce: {  	v7 =	vmul.f32 v8, v7;
	v8 =	vadd.f32 v11, v3;
	_ =	sdelay $0x1  }
0xcf: {  	v8 =	vsub.f32 v8, v7;
	_ =	sdelay $0x1  }
0xd0: {  	v8 =	vmax.f32 v8, $9.999999970e-07  }
0xd1: {  	(erf) = vrcp.f32 v8;
	_ =	sdelay $0x8  }
0xd2: {  	v8 =	vpop (erf)  }
0xd3: {  	v7 =	vmul.f32 v8, v7;
	_ =	sdelay $0x1  }
0xd4: {  	[tilespmem:s6+$0x0] =	vst v7  }
0xd5: {  	v7 =	vld [tilespmem:$0x3030]  }
0xd6: {  	v8 =	vld [tilespmem:$0x31B0]  }
0xd7: {  	v9 =	vld [tilespmem:$0x30B0]  }
0xd8: {  	v10 =	vld [tilespmem:$0x3130]  }
0xd9: {  	v11 =	vld [tilespmem:$0x3230]  }
0xda: {  	v6 =	vmax.f32 v6, v7  }
0xdb: {  	v2 =	vmin.f32 v2, v8  }
0xdc: {  	v4 =	vmax.f32 v4, v9  }
0xdd: {  	v1 =	vmin.f32 v1, v10;
	v2 =	vsub.f32 v2, v4  }
0xde: {  	v1 =	vsub.f32 v1, v6  }
0xdf: {  	v2 =	vmax.f32 v2, $0.0e+00  }
0xe0: {  	v3 =	vadd.f32 v11, v3;
	v1 =	vmax.f32 v1, $0.0e+00  }
.Ltmp1:
0xe1: {  	v1 =	vmul.f32 v2, v1;
	(pc) =	sbr.rel @p0 .LBB2_2-.Ltmp1, $3  }
0xe2: {  	_ = 	snop  }
0xe3: {  	v2 =	vsub.f32 v3, v1;
	_ =	sdelay $0x1  }
0xe4: {  	v2 =	vmax.f32 v2, $9.999999970e-07  }
0xe5: {  	(erf) = vrcp.f32 v2;
	_ =	sdelay $0x8  }
0xe6: {  	v2 =	vpop (erf)  }
0xe7: {  	v1 =	vmul.f32 v2, v1;
	_ =	sdelay $0x1  }
0xe8: {  	s9 =	simm.s32 $0x0;
	[tilespmem:s8+$0x10] =	vst v1  }
0xe9: {  	v1 =	vld [tilespmem:s9+$0x1680]  }
0xea: {  	v2 =	vld [tilespmem:s9+$0x1200]  }
0xeb: {  	v3 =	vld [tilespmem:s9+$0x900]  }
0xec: {  	v10 =	vld [tilespmem:s9+$0x0];
	_ =	sdelay $0x1  }
0xed: {  	v13 =	vimm.f32 $-Inf;
	s6 =	simm.s32 $0x0;
	v16 =	vlaneseq.u32;
	v6 =	vld [tilespmem:s9+$0xD80]  }
0xee: {  	v14 =	vimm.s32 $0x0;
	v15 =	vimm.s32 $0x0;
	v18 =	vor.u32 s6, v16;
	s8 =	simm.s32 $0x10;
	v9 =	vld [tilespmem:s9+$0x480]  }
0xef: {  	v7 =	vld [tilespmem:s8+$0x1680];
	vm0 =	vgt.s32 v1, $0x0;
	vm1 =	vgt.s32 v1, $0xFFFFFFFF;
	v11 =	vsub.f32 $0.0e+00, v2  }
0xf0: {  	v4 =	vld [tilespmem:s8+$0x1200];
	v12 =	vsub.f32 v3, v10;
	v1 =	vnsel vm0, $0x0, v1;
	v19 =	vnsel vm1, $0xFF800000, v2  }
0xf1: {  	v8 =	vld [tilespmem:s8+$0x900];
	v20 =	vand.u32 $0xF, v1;
	vm15 =	vge.f32 v19, v13;
	v17 =	vshrl.u32 v1, $0x4  }
0xf2: {  	s10 =	simm.s32 $0x80;
	v10 =	vld [tilespmem:s8+$0x0];
	v1 =	vsel vm15, v19, v13;
	[tilespmem:s9+$0x2400] =	vst v20;
	v13 =	vsel vm1, $0x1, v15;
	v18 =	vsel vm15, v18, v0  }
.LBB2_4:
0xf3: {  	p0 =	sne.s32 s10, $0xFC0  }
0xf4: {  	v0 =	vsub.f32 v6, v9;
	v6 =	vld [tilespmem:s8+$0xD80];
	[tilespmem:s9+$0x2800] =	vst v17;
	v14 =	vadd.s32 v13, v14;
	s6 =	sadd.s32 $0x10, s6;
	s11 =	smov.u32 s10;
	s10 =	sadd.s32 $0x40, s10  }
.Ltmp2:
0xf5: {  	s11 =	sshra.s32 s11, $0x2;
	v9 =	vld [tilespmem:s8+$0x480];
	vm0 =	vgt.s32 v7, $0x0;
	vm1 =	vgt.s32 v7, $0xFFFFFFFF;
	v2 =	vor.u32 s6, v16;
	[tilespmem:s9+$0x2C00] =	vst v11;
	(pc) =	sbr.rel @p0 .LBB2_4-.Ltmp2, $4  }
0xf6: {  	v3 =	vnsel vm0, $0x0, v7;
	v7 =	vld [tilespmem:s11+$0x1680];
	v19 =	vnsel vm1, $0xFF800000, v4;
	v0 =	vmul.f32 v0, v12;
	[tilespmem:s9+$0x1F80] =	vst v13  }
0xf7: {  	v11 =	vsub.f32 $0.0e+00, v4;
	v13 =	vand.u32 $0xF, v3;
	v4 =	vld [tilespmem:s11+$0x1200];
	vm0 =	vge.f32 v19, v1  }
0xf8: {  	v17 =	vshrl.u32 v3, $0x4;
	v12 =	vsub.f32 v8, v10;
	v8 =	vld [tilespmem:s11+$0x900];
	v1 =	vsel vm0, v19, v1;
	[tilespmem:s9+$0x1B00] =	vst v0;
	s9 =	smov.u32 s8;
	s8 =	smov.u32 s11  }
0xf9: {  	v18 =	vsel vm0, v2, v18;
	v10 =	vld [tilespmem:s8+$0x0];
	[tilespmem:s9+$0x2400] =	vst v13;
	v13 =	vsel vm1, $0x1, v15  }
0xfa: {  	v0 =	vimm.s32 $0xEFCDAB89;
	v2 =	vimm.s32 $0x67452301  }
0xfb: {  	v0 =	vunpack.c.l.s4.s8 v0;
	v2 =	vunpack.c.l.s4.s8 v2;
	_ =	sdelay $0x1  }
0xfc: {  	vm0 =	vgt.s32 v7, $0xFFFFFFFF;
	v0 =	vunpack.c.0.s8.s32 v0;
	v2 =	vunpack.c.0.s8.s32 v2  }
0xfd: {  	v19 =	vimm.s32 $0x54761032;
	v3 =	vnsel vm0, $0xFF800000, v4  }
0xfe: {  	vm1 =	vge.f32 v3, v1;
	v0 =	vcombine.low v2, v0;
	v2 =	vimm.s32 $0xDCFE98BA  }
0xff: {  	v20 =	vsel vm1, v3, v1;
	v1 =	vunpack.c.l.s4.s8 v19;
	v2 =	vunpack.c.l.s4.s8 v2  }
0x100: {  	v55 =	vimm.s32 $0xBA98FEDC  }
0x101: {  	v21 =	vimm.s32 $0x32107654;
	v1 =	vunpack.c.0.s8.s32 v1;
	v2 =	vunpack.c.0.s8.s32 v2  }
0x102: {  	v21 =	vunpack.c.l.s4.s8 v21;
	v19 =	vunpack.c.l.s4.s8 v55;
	v0 =	vand.u32 $0xF, v0  }
0x103: {  	v57 =	vimm.s32 $0xFEDCBA98;
	v3 =	vperm.xlane v20, v0;
	v1 =	vcombine.low v1, v2  }
0x104: {  	v22 =	vimm.s32 $0x76543210;
	v56 =	vunpack.c.0.s8.s32 v21;
	v2 =	vunpack.c.0.s8.s32 v19  }
0x105: {  	v21 =	vunpack.c.l.s4.s8 v57;
	v3 =	vmax.f32 v20, v3;
	v1 =	vand.u32 $0xF, v1  }
0x106: {  	v22 =	vunpack.c.l.s4.s8 v22;
	v2 =	vcombine.low v56, v2;
	v58 =	vperm.xlane v3, v1  }
0x107: {  	v21 =	vunpack.c.0.s8.s32 v21  }
0x108: {  	v2 =	vand.u32 $0xF, v2;
	v19 =	vmax.f32 v3, v58;
	v3 =	vunpack.c.0.s8.s32 v22  }
0x109: {  	v21 =	vand.u32 $0xF, v21;
	v59 =	vperm.xlane v19, v2  }
0x10a: {  	v3 =	vcombine.low v21, v3  }
0x10b: {  	v19 =	vmax.f32 v19, v59  }
0x10c: {  	v21 =	vperm.xlane v19, v3  }
0x10d: {  	s6 =	sadd.s32 $0x10, s6  }
0x10e: {  	v16 =	vor.u32 s6, v16;
	v19 =	vmax.f32 v19, v21  }
0x10f: {  	v16 =	vsel vm1, v16, v18;
	vm1 =	veq.f32 v20, v19  }
0x110: {  	v16 =	vnsel vm1, $0xFFFFFFFF, v16  }
0x111: {  	v60 =	vperm.xlane v16, v0;
	_ =	sdelay $0x1  }
0x112: {  	vm1 =	vgt.s32 v16, v60  }
0x113: {  	v14 =	vadd.s32 v13, v14;
	v15 =	vsel vm0, $0x1, v15;
	v16 =	vsel vm1, v16, v60  }
0x114: {  	v14 =	vadd.s32 v15, v14;
	v18 =	vperm.xlane v16, v1  }
0x115: {  	v61 =	vperm.xlane v14, v0  }
0x116: {  	vm0 =	vgt.s32 v16, v18  }
0x117: {  	v14 =	vadd.s32 v14, v61;
	v16 =	vsel vm0, v16, v18  }
0x118: {  	v20 =	vperm.xlane v14, v1;
	v18 =	vperm.xlane v16, v2;
	_ =	sdelay $0x1  }
0x119: {  	v14 =	vadd.s32 v20, v14;
	vm0 =	vgt.s32 v16, v18  }
0x11a: {  	v62 =	vperm.xlane v14, v2;
	v16 =	vsel vm0, v16, v18  }
0x11b: {  	v63 =	vperm.xlane v16, v3  }
0x11c: {  	v14 =	vadd.s32 v62, v14  }
0x11d: {  	v18 =	vperm.xlane v14, v3;
	vm0 =	vgt.s32 v16, v63  }
0x11e: {  	v16 =	vsel vm0, v16, v63  }
0x11f: {  	v14 =	vadd.s32 v18, v14;
	(v2sf) =	vpush v16, $0x0  }
0x120: {  	(v2sf) =	vpush v14, $0x0;
	_ =	sdelay $0x2  }
0x121: {  	(v2sf) =	vpush v19, $0x0;
	_ =	sdelay $0x7  }
0x122: {  	v14 =	vld [tilespmem:s8+$0xD80];
	[tilespmem:s9+$0x2800] =	vst v17  }
0x123: {  	v6 =	vsub.f32 v6, v9;
	s28 =	sshll.u32 s1, $0x6;
	p0 =	sne.s32 s1, $0xF;
	p1 =	sne.s32 s1, $0x0;
	v16 =	vld [tilespmem:s8+$0x480]  }
0x124: {  	s7 =	sshrl.u32 s7, $0x2;
	s6 =	simm.s32 $0x0;
	s29 =	sadd.s32 $0x1200, s28  }
0x125: {  	vm2 =	vmmov $0x1;
	s16 =	sadd.s32 $0x1B00, s28;
	[smem:$0x7] =	sst s6;
	v6 =	vmul.f32 v6, v12;
	vm0 =	vgt.s32 v7, $0x0;
	[tilespmem:s9+$0x2C00] =	vst v11;
	s10 =	spop (v2sf)  }
0x126: {  	s30 =	sadd.s32 $0x1680, s28;
	v12 =	vmov s16;
	v8 =	vsub.f32 v8, v10;
	v7 =	vnsel vm0, $0x0, v7;
	[tilespmem:s9+$0x1F80] =	vst v13;
	s11 =	spop (v2sf);
	[smem:$0x0] =	sst s10  }
0x127: {  	s12 =	sadd.s32 $0x1F80, s28;
	s13 =	sadd.s32 $0x480, s28;
	vm1 =	vcmask $0x3F08;
	v9 =	vand.u32 $0xF, v7;
	v7 =	vshrl.u32 v7, $0x4;
	[tilespmem:s9+$0x1B00] =	vst v6;
	[smem:$0x1] =	sst s11  }
.Ltmp3:
0x128: {  	s14 =	sadd.s32 $0x900, s28;
	v11 =	vsub.f32 $0.0e+00, v4;
	v4 =	vlaneseq.u32;
	[tilespmem:s8+$0x2400] =	vst v9;
	v10 =	vsub.f32 v14, v16;
	[smem:$0x2] =	sst s6;
	(pc) =	sbr.rel .LBB2_6-.Ltmp3, $4  }
0x129: {  	s15 =	sadd.s32 $0xD80, s28;
	v6 =	vmov s30;
	vm0 =	veq.s32 v5, v4;
	[tilespmem:s8+$0x2800] =	vst v7;
	v5 =	vmov s29;
	s26 =	spop (v2sf);
	[smem:$0x3] =	sst s6  }
0x12a: {  	s17 =	sor.u32 $0x2800, s28;
	s18 =	sor.u32 $0x2C00, s28;
	v7 =	vmov s12;
	v9 =	vmov s13;
	[tilespmem:s8+$0x1F80] =	vst v15;
	v13 =	vmul.f32 v10, v8;
	[smem:$0x80] =	sst s26  }
0x12b: {  	s31 =	sor.u32 $0x2400, s28;
	s9 =	simm.s32 $0x2;
	v15 =	vmov s18;
	[tilespmem:s8+$0x2C00] =	vst v11;
	v11 =	vmov s15;
	v14 =	vmov s17;
	[smem:$0x81] =	sst s6  }
0x12c: {  	v8 =	vmov s28;
	v10 =	vmov s14;
	[tilespmem:s8+$0x1B00] =	vst v13;
	s8 =	simm.s32 $0x4600;
	v13 =	vmov s31;
	s10 =	simm.s32 $0x4100;
	[smem:$0x82] =	sst s6  }
.LBB2_16:
0x12d: {  	s6 =	sadd.s32 $0x1, s6  }
0x12e: {  	p2 =	sne.s32 s6, $0x40  }
.Ltmp4:
0x12f: {  	_ = 	snop;
	(pc) =	sbr.rel @!p2 .LBB2_17-.Ltmp4, $1  }
0x130: {  	_ =	sdelay $0x3  }
.LBB2_6:
0x131: {  	s12 =	sld [smem:$0x1];
	_ =	sdelay $0x2  }
0x132: {  	p2 =	sgt.s32 s12, $0x0  }
.Ltmp5:
0x133: {  	_ = 	snop;
	(pc) =	sbr.rel @!p2 .LBB2_16-.Ltmp5, $2  }
0x134: {  	_ =	sdelay $0x2  }
0x135: {  	s11 =	simm.s32 $0x0  }
.LBB2_8:
0x136: {  	p2 =	slt.s32 s12, $0x1  }
.Ltmp6:
0x137: {  	_ = 	snop;
	(pc) =	sbr.rel @p2 .LBB2_15-.Ltmp6, $1  }
0x138: {  	_ =	sdelay $0x3  }
0x139: {  	s15 =	sld [smem:$0x0];
	_ =	sdelay $0x2  }
0x13a: {  	v19 =	vld [tilespmem:s15+$0x1680];
	_ =	sdelay $0x4  }
0x13b: {  	(v2sf) =	vpush v19, $0x0;
	_ =	sdelay $0x9  }
0x13c: {  	v20 =	vld [tilespmem:s15+$0x1F80];
	_ =	sdelay $0x1  }
.Ltmp7:
0x13d: {  	v16 =	vld [tilespmem:s15+$0x0];
	(pc) =	sbr.rel @p0 .LBB2_11-.Ltmp7, $4  }
0x13e: {  	v17 =	vld [tilespmem:s15+$0x480]  }
0x13f: {  	vm3 =	veq.s32 v4, $0x0;
	v18 =	vld [tilespmem:s15+$0x900]  }
0x140: {  	s14 =	sld [smem:$0x80];
	v21 =	vsel vm3, $0x0, v20;
	v20 =	vld [tilespmem:s15+$0xD80];
	s13 =	spop (v2sf)  }
0x141: {  	[tilespmem:s15+$0x1F80] =	vst v21;
	v21 =	vld [tilespmem:s15+$0x1B00];
	[smem:$0x4] =	sst s13  }
0x142: {  	v22 =	vld [tilespmem:s13+$0x3F80];
	_ =	sdelay $0x4  }
0x143: {  	(v2sf) =	vpush v22, $0x0;
	_ =	sdelay $0xe  }
0x144: {  	s16 =	spop (v2sf)  }
0x145: {  	p2 =	slt.s32 s16, $0x0;
	s17 =	smov.u32 s16  }
0x146: {  	s17 =	smov.u32 @p2 s15  }
0x147: {  	v22 =	vsel vm3, s17, v22  }
0x148: {  	[tilespmem:s13+$0x3F80] =	vst v22  }
0x149: {  	v22 =	vld @!p2 [tilespmem:s16+$0x0]  }
0x14a: {  	v23 =	vld @!p2 [tilespmem:s16+$0x480]  }
0x14b: {  	v24 =	vld @!p2 [tilespmem:s16+$0x900]  }
0x14c: {  	v25 =	vld @!p2 [tilespmem:s16+$0xD80];
	_ =	sdelay $0x3  }
0x14d: {  	v26 =	vld @!p2 [tilespmem:s16+$0x1B00];
	v22 =	vmax.f32 @!p2 v16, v22  }
0x14e: {  	v23 =	vmax.f32 @!p2 v17, v23;
	v24 =	vmin.f32 @!p2 v18, v24;
	v25 =	vmin.f32 @!p2 v20, v25  }
0x14f: {  	v22 =	vsub.f32 @!p2 v24, v22;
	v23 =	vsub.f32 @!p2 v25, v23;
	_ =	sdelay $0x1  }
0x150: {  	v22 =	vmax.f32 @!p2 v22, $0.0e+00;
	v23 =	vmax.f32 @!p2 v23, $0.0e+00  }
0x151: {  	v22 =	vmul.f32 @!p2 v23, v22;
	v23 =	vadd.f32 @!p2 v26, v21;
	_ =	sdelay $0x1  }
0x152: {  	v23 =	vsub.f32 @!p2 v23, v22;
	_ =	sdelay $0x1  }
0x153: {  	v23 =	vmax.f32 @!p2 v23, $9.999999970e-07  }
0x154: {  	v23 =	vbroadcast @!p2 v23, $0x0;
	_ =	sdelay $0x1  }
0x155: {  	(erf) = vrcp.f32 @!p2 v23;
	_ =	sdelay $0x7  }
0x156: {  	v22 =	vbroadcast @!p2 v22, $0x0  }
0x157: {  	v23 =	vpop @!p2 (erf)  }
0x158: {  	v22 =	vmul.f32 @!p2 v23, v22;
	_ =	sdelay $0x1  }
0x159: {  	v22 =	vmax.f32 @!p2 v22, $9.999999970e-07  }
0x15a: {  	v22 =	vadd.f32 @!p2 $5.000000000e-01, v22;
	_ =	sdelay $0x1  }
0x15b: {  	v23 =	vand.u32 @!p2 $0x7FFFFF, v22  }
0x15c: {  	v23 =	vor.u32 @!p2 $0x3F800000, v23  }
0x15d: {  	v24 =	vadd.f32 @!p2 $1.000000000e+00, v23;
	_ =	sdelay $0x1  }
0x15e: {  	(erf) = vrcp.f32 @!p2 v24;
	_ =	sdelay $0x7  }
0x15f: {  	v23 =	vadd.f32 @!p2 $-1.000000000e+00, v23  }
0x160: {  	v24 =	vpop @!p2 (erf)  }
0x161: {  	v23 =	vmul.f32 @!p2 v24, v23;
	_ =	sdelay $0x1  }
0x162: {  	v24 =	vmul.f32 @!p2 v23, v23;
	_ =	sdelay $0x1  }
0x163: {  	v25 =	vmul.f32 @!p2 $2.857142980e-01, v24;
	_ =	sdelay $0x1  }
0x164: {  	v25 =	vadd.f32 @!p2 $4.000000060e-01, v25;
	_ =	sdelay $0x1  }
0x165: {  	v25 =	vmul.f32 @!p2 v25, v24;
	_ =	sdelay $0x1  }
0x166: {  	v25 =	vadd.f32 @!p2 $6.666666860e-01, v25  }
0x167: {  	v22 =	vshrl.u32 @!p2 v22, $0x17  }
0x168: {  	v22 =	vand.u32 @!p2 $0xFF, v22;
	v24 =	vmul.f32 @!p2 v25, v24  }
0x169: {  	v22 =	vadd.s32 @!p2 $0xFFFFFF81, v22  }
0x16a: {  	v22 =	vcvt.s32.f32 @!p2 v22;
	v24 =	vadd.f32 @!p2 $2.000000000e+00, v24;
	_ =	sdelay $0x1  }
0x16b: {  	v22 =	vmul.f32 @!p2 $6.931471820e-01, v22;
	v23 =	vmul.f32 @!p2 v24, v23;
	_ =	sdelay $0x1  }
0x16c: {  	v22 =	vadd.f32 @!p2 v23, v22;
	_ =	sdelay $0x1  }
0x16d: {  	v22 =	vsub.f32 @!p2 $0.0e+00, v22;
	_ =	sdelay $0x1  }
0x16e: {  	v22 =	vmul.f32 @!p2 s14, v22;
	_ =	sdelay $0x1  }
0x16f: {  	(v2sf) =	vpush @!p2 v22, $0x0;
	_ =	sdelay $0xc  }
0x170: {  	[smem:$0x5] =	sst s16  }
0x171: {  	p3 =	seq.s32 @!p2 s12, $0x1;
	s14 =	sld @!p2 [smem:$0x81]  }
0x172: {  	p3 =	por !p3, p2;
	s15 =	spop @!p2 (v2sf)  }
0x173: {  	s15 =	simm.s32 @!p3 $0x0  }
0x174: {  	s14 =	sadd.f32 @!p2 s15, s14;
	_ =	sdelay $0x1  }
0x175: {  	[smem:$0x81] =	sst @!p2 s14  }
0x176: {  	s14 =	sld @!p2 [smem:$0x2];
	_ =	sdelay $0x2  }
0x177: {  	s14 =	sadd.s32 @!p2 $0x1, s14  }
0x178: {  	[tilespmem:$0x4080] =	vst @!p2 v22;
	[smem:$0x2] =	sst @!p2 s14  }
.LBB2_11:
0x179: {  	_ =	sdelay $0x2  }
0x17a: {  	s14 =	simm.s32 $0x0  }
0x17b: {  	v22 =	vld.idx.msk [tilespmem:v11+s14+$0x0 ss:$0x1], $0xffff  }
0x17c: {  	v23 =	vld.idx.msk [tilespmem:v8+s14+$0x0 ss:$0x1], $0xffff  }
0x17d: {  	v24 =	vld.idx.msk [tilespmem:v10+s14+$0x0 ss:$0x1], $0xffff  }
0x17e: {  	v25 =	vld.idx.msk [tilespmem:v9+s14+$0x0 ss:$0x1], $0xffff;
	_ =	sdelay $0x1  }
0x17f: {  	v16 =	vbroadcast v16, $0x0;
	v17 =	vbroadcast v17, $0x0  }
0x180: {  	v18 =	vbroadcast v18, $0x0;
	v20 =	vbroadcast v20, $0x0  }
0x181: {  	v26 =	vld.idx.msk [tilespmem:v12+s14+$0x0 ss:$0x1], $0xffff;
	v23 =	vmax.f32 v16, v23  }
0x182: {  	v24 =	vmin.f32 v18, v24;
	v22 =	vmin.f32 v20, v22;
	v25 =	vmax.f32 v17, v25  }
0x183: {  	v23 =	vsub.f32 v24, v23;
	v24 =	vsub.f32 v22, v25  }
0x184: {  	v22 =	vbroadcast v21, $0x0  }
0x185: {  	v21 =	vmax.f32 v23, $0.0e+00;
	v23 =	vmax.f32 v24, $0.0e+00  }
0x186: {  	v24 =	vadd.f32 v26, v22;
	v21 =	vmul.f32 v23, v21;
	_ =	sdelay $0x1  }
0x187: {  	v23 =	vsub.f32 v24, v21;
	_ =	sdelay $0x1  }
0x188: {  	v23 =	vmax.f32 v23, $9.999999970e-07  }
0x189: {  	(erf) = vrcp.f32 v23;
	_ =	sdelay $0x7  }
0x18a: {  	v23 =	vld.idx.msk [tilespmem:v7+s14+$0x0 ss:$0x1], $0xffff  }
0x18b: {  	v25 =	vpop (erf)  }
0x18c: {  	s13 =	sshll.u32 s13, $0x8;
	v29 =	vld.idx.msk [tilespmem:v5+s14+$0x0 ss:$0x1], $0xffff;
	v28 =	vmul.f32 v25, v21  }
0x18d: {  	s13 =	sshra.s32 s13, $0x2;
	v31 =	vld.idx.msk [tilespmem:v6+s14+$0x0 ss:$0x1], $0xffff  }
0x18e: {  	v27 =	vld [tilespmem:s13+$0x32B0];
	vm3 =	vgt.f32 v28, $5.000000000e-01  }
0x18f: {  	v26 =	vld [tilespmem:s13+$0x3290];
	v33 =	vand.u32 $0x1, v23;
	v30 =	vsub.f32 $1.000000000e+00, v28;
	vm3 =	vmneg vm3  }
0x190: {  	v24 =	vld [tilespmem:s13+$0x3280];
	v32 =	vnsel vm3, $0x0, v33  }
0x191: {  	v21 =	vld [tilespmem:s13+$0x32A0];
	s13 =	simm.s32 $0x10;
	v23 =	vand.u32 $0x7FFFFF, v30;
	[tilespmem:v7+s14+$0x0 ss:$0x1] =	vst.idx.msk $0xffff, v32  }
0x192: {  	v23 =	vor.u32 $0x3F800000, v23;
	v25 =	vld.idx.msk [tilespmem:v11+s13+$0x0 ss:$0x1], $0xffff  }
0x193: {  	v34 =	vadd.f32 $1.000000000e+00, v23;
	v35 =	vld.idx.msk [tilespmem:v8+s13+$0x0 ss:$0x1], $0xffff  }
0x194: {  	v36 =	vld.idx.msk [tilespmem:v10+s13+$0x0 ss:$0x1], $0xffff  }
0x195: {  	v54 =	vld.idx.msk [tilespmem:v9+s13+$0x0 ss:$0x1], $0xffff;
	(erf) = vrcp.f32 v34;
	_ =	sdelay $0x3  }
0x196: {  	v37 =	vld.idx.msk [tilespmem:v12+s13+$0x0 ss:$0x1], $0xffff;
	v35 =	vmax.f32 v16, v35  }
0x197: {  	v36 =	vmin.f32 v18, v36;
	v25 =	vmin.f32 v20, v25;
	v34 =	vmax.f32 v17, v54  }
0x198: {  	v35 =	vsub.f32 v36, v35;
	v25 =	vsub.f32 v25, v34;
	_ =	sdelay $0x1  }
0x199: {  	v55 =	vadd.f32 $-1.000000000e+00, v23;
	v23 =	vmax.f32 v35, $0.0e+00;
	v25 =	vmax.f32 v25, $0.0e+00  }
0x19a: {  	v60 =	vimm.f32 $-Inf;
	v39 =	vld.idx.msk [tilespmem:v14+s14+$0x0 ss:$0x1], $0xffff;
	v57 =	vadd.f32 v37, v22;
	v58 =	vmul.f32 v25, v23;
	v56 =	vpop (erf)  }
0x19b: {  	v30 =	vshrl.u32 v30, $0x17;
	v23 =	vmax.f32 v26, $5.000000000e-01;
	v26 =	vld.idx.msk [tilespmem:v13+s14+$0x0 ss:$0x1], $0xffff;
	v34 =	vmul.f32 v56, v55  }
0x19c: {  	v38 =	vimm.s32 $0xFFFFFFFF;
	v30 =	vand.u32 $0xFF, v30;
	v59 =	vsub.f32 v57, v58  }
0x19d: {  	v61 =	vimm.s32 $0x0;
	v30 =	vadd.s32 $0xFFFFFF81, v30;
	v40 =	vmul.f32 v34, v34  }
0x19e: {  	v27 =	vmax.f32 v27, $5.000000000e-01;
	v62 =	vcvt.s32.f32 v30;
	v35 =	vmax.f32 v59, $9.999999970e-07  }
0x19f: {  	v24 =	vmax.f32 v24, $5.000000000e-01;
	(erf) = vrcp.f32 v35;
	v41 =	vmul.f32 $2.857142980e-01, v40  }
0x1a0: {  	vm3 =	veq.s32 v39, $0x2;
	v25 =	vmax.f32 v21, $5.000000000e-01;
	v26 =	vand.u32 $0xF, v26  }
0x1a1: {  	v42 =	vperm.xlane v25, v26;
	v43 =	vperm.xlane v27, v26;
	v41 =	vadd.f32 $4.000000060e-01, v41  }
0x1a2: {  	vm4 =	veq.s32 v39, $0x0;
	v44 =	vperm.xlane v24, v26;
	v26 =	vperm.xlane v23, v26  }
0x1a3: {  	v42 =	vsel vm3, v42, v43;
	vm3 =	veq.s32 v39, $0x1;
	v41 =	vmul.f32 v41, v40  }
0x1a4: {  	v21 =	vbroadcast v19, $0x0;
	v26 =	vsel vm3, v26, v42;
	vm3 =	veq.s32 v32, $0x0  }
0x1a5: {  	v26 =	vsel vm4, v44, v26;
	v29 =	vsel vm3, $0xFF800000, v29;
	v30 =	vadd.f32 $6.666666860e-01, v41  }
0x1a6: {  	v63 =	vor.u32 s5, v4;
	vm3 =	vne.s32 v31, v21;
	vm4 =	vgt.f32 v28, v26  }
0x1a7: {  	vm3 =	vmand vm4, vm3;
	vm4 =	vge.f32 v29, v60;
	v28 =	vmul.f32 v30, v40  }
0x1a8: {  	v37 =	vmul.f32 $6.931471820e-01, v62;
	v36 =	vld.idx.msk [tilespmem:v7+s13+$0x0 ss:$0x1], $0xffff;
	v19 =	vimm.f32 $0.0e+00;
	v31 =	vsel vm4, v29, v60;
	v29 =	vpop (erf)  }
0x1a9: {  	v33 =	vnsel vm3, $0x0, v33;
	v30 =	vmul.f32 v29, v58;
	v40 =	vadd.f32 $2.000000000e+00, v28  }
0x1aa: {  	v26 =	vadd.s32 v61, v32;
	v32 =	vld.idx.msk [tilespmem:v15+s14+$0x0 ss:$0x1], $0xffff;
	v29 =	vsel vm4, v63, v38;
	v28 =	vadd.s32 v61, v33  }
0x1ab: {  	s15 =	simm.s32 $0x80;
	s14 =	smov.u32 s5;
	vm3 =	vgt.f32 v30, $5.000000000e-01;
	v35 =	vsub.f32 $1.000000000e+00, v30;
	v38 =	vmul.f32 v40, v34;
	v34 =	vld.idx.msk [tilespmem:v5+s13+$0x0 ss:$0x1], $0xffff  }
.LBB2_12:
0x1ac: {  	p2 =	sne.s32 s15, $0xC0  }
0x1ad: {  	vm3 =	vmneg vm3;
	v36 =	vand.u32 $0x1, v36;
	v37 =	vadd.f32 v38, v37;
	s14 =	sadd.s32 $0x10, s14;
	s16 =	smov.u32 s15;
	s15 =	sadd.s32 $0x40, s15  }
0x1ae: {  	s16 =	sshra.s32 s16, $0x2;
	v38 =	vld.idx.msk [tilespmem:v6+s13+$0x0 ss:$0x1], $0xffff;
	v39 =	vnsel vm3, $0x0, v36;
	v40 =	vshrl.u32 v35, $0x17;
	v35 =	vand.u32 $0x7FFFFF, v35  }
0x1af: {  	[tilespmem:v7+s13+$0x0 ss:$0x1] =	vst.idx.msk $0xffff, v39;
	v40 =	vand.u32 $0xFF, v40;
	v35 =	vor.u32 $0x3F800000, v35;
	v32 =	vmul.f32 v37, v32  }
0x1b0: {  	vm3 =	veq.s32 v33, $0x0;
	v37 =	vld.idx.msk [tilespmem:v11+s16+$0x0 ss:$0x1], $0xffff;
	v40 =	vadd.s32 $0xFFFFFF81, v40;
	v41 =	vadd.f32 $1.000000000e+00, v35  }
0x1b1: {  	vm4 =	veq.s32 v39, $0x0;
	v33 =	vld.idx.msk [tilespmem:v8+s16+$0x0 ss:$0x1], $0xffff;
	v40 =	vcvt.s32.f32 v40;
	v32 =	vsel vm3, $0x0, v32  }
0x1b2: {  	v34 =	vsel vm4, $0xFF800000, v34;
	v42 =	vld.idx.msk [tilespmem:v10+s16+$0x0 ss:$0x1], $0xffff;
	(erf) = vrcp.f32 v41;
	v19 =	vadd.f32 v32, v19  }
0x1b3: {  	v26 =	vadd.s32 v26, v39;
	v32 =	vor.u32 s14, v4;
	vm3 =	vge.f32 v34, v31;
	v41 =	vld.idx.msk [tilespmem:v9+s16+$0x0 ss:$0x1], $0xffff  }
0x1b4: {  	v31 =	vsel vm3, v34, v31;
	v29 =	vsel vm3, v32, v29;
	v39 =	vld.idx.msk [tilespmem:v13+s13+$0x0 ss:$0x1], $0xffff  }
0x1b5: {  	v34 =	vld.idx.msk [tilespmem:v12+s16+$0x0 ss:$0x1], $0xffff  }
0x1b6: {  	v43 =	vld.idx.msk [tilespmem:v14+s13+$0x0 ss:$0x1], $0xffff  }
0x1b7: {  	v32 =	vld.idx.msk [tilespmem:v15+s13+$0x0 ss:$0x1], $0xffff;
	s13 =	smov.u32 s16  }
0x1b8: {  	v37 =	vmin.f32 v20, v37;
	v33 =	vmax.f32 v16, v33;
	v42 =	vmin.f32 v18, v42  }
0x1b9: {  	v35 =	vadd.f32 $-1.000000000e+00, v35;
	v41 =	vmax.f32 v17, v41;
	v33 =	vsub.f32 v42, v33  }
0x1ba: {  	v37 =	vsub.f32 v37, v41;
	v39 =	vand.u32 $0xF, v39  }
0x1bb: {  	v33 =	vmax.f32 v33, $0.0e+00;
	v41 =	vperm.xlane v25, v39;
	v42 =	vperm.xlane v27, v39;
	v44 =	vpop (erf)  }
0x1bc: {  	v34 =	vadd.f32 v34, v22;
	v45 =	vperm.xlane v24, v39;
	v37 =	vmax.f32 v37, $0.0e+00  }
0x1bd: {  	vm3 =	veq.s32 v43, $0x2;
	v37 =	vmul.f32 v37, v33;
	v35 =	vmul.f32 v44, v35  }
0x1be: {  	vm4 =	veq.s32 v43, $0x1;
	v33 =	vperm.xlane v23, v39;
	v39 =	vsel vm3, v41, v42  }
0x1bf: {  	v34 =	vsub.f32 v34, v37;
	v41 =	vmul.f32 v35, v35  }
0x1c0: {  	vm3 =	veq.s32 v43, $0x0;
	v33 =	vsel vm4, v33, v39  }
0x1c1: {  	v33 =	vsel vm3, v45, v33;
	v34 =	vmax.f32 v34, $9.999999970e-07;
	v39 =	vmul.f32 $2.857142980e-01, v41  }
0x1c2: {  	vm3 =	vne.s32 v38, v21;
	vm4 =	vgt.f32 v30, v33;
	(erf) = vrcp.f32 v34  }
0x1c3: {  	vm3 =	vmand vm4, vm3;
	v30 =	vadd.f32 $4.000000060e-01, v39  }
0x1c4: {  	v33 =	vnsel vm3, $0x0, v36  }
0x1c5: {  	v28 =	vadd.s32 v28, v33;
	v30 =	vmul.f32 v30, v41;
	_ =	sdelay $0x1  }
0x1c6: {  	v30 =	vadd.f32 $6.666666860e-01, v30;
	_ =	sdelay $0x1  }
0x1c7: {  	v30 =	vmul.f32 v30, v41;
	v36 =	vld.idx.msk [tilespmem:v7+s13+$0x0 ss:$0x1], $0xffff  }
.Ltmp8:
0x1c8: {  	(pc) =	sbr.rel @p2 .LBB2_12-.Ltmp8, $4  }
0x1c9: {  	v38 =	vadd.f32 $2.000000000e+00, v30;
	v34 =	vpop (erf)  }
0x1ca: {  	v30 =	vmul.f32 v34, v37;
	v37 =	vmul.f32 $6.931471820e-01, v40  }
0x1cb: {  	v38 =	vmul.f32 v38, v35  }
0x1cc: {  	v34 =	vld.idx.msk [tilespmem:v5+s13+$0x0 ss:$0x1], $0xffff;
	vm3 =	vgt.f32 v30, $5.000000000e-01;
	v35 =	vsub.f32 $1.000000000e+00, v30  }
0x1cd: {  	_ = 	snop  }
0x1ce: {  	v16 =	vand.u32 $0x7FFFFF, v35  }
0x1cf: {  	v16 =	vor.u32 $0x3F800000, v16  }
0x1d0: {  	v17 =	vadd.f32 $1.000000000e+00, v16;
	_ =	sdelay $0x1  }
0x1d1: {  	(erf) = vrcp.f32 v17;
	_ =	sdelay $0x7  }
0x1d2: {  	v16 =	vadd.f32 $-1.000000000e+00, v16  }
0x1d3: {  	v17 =	vpop (erf)  }
0x1d4: {  	v16 =	vmul.f32 v17, v16  }
0x1d5: {  	vm3 =	vmneg vm3;
	v17 =	vand.u32 $0x1, v36  }
0x1d6: {  	v18 =	vnsel vm3, $0x0, v17;
	v20 =	vmul.f32 v16, v16  }
0x1d7: {  	vm3 =	veq.s32 v18, $0x0  }
0x1d8: {  	v22 =	vld.idx.msk [tilespmem:v6+s13+$0x0 ss:$0x1], $0xffff;
	[tilespmem:v7+s13+$0x0 ss:$0x1] =	vst.idx.msk $0xffff, v18;
	v34 =	vsel vm3, $0xFF800000, v34;
	v44 =	vmul.f32 $2.857142980e-01, v20  }
0x1d9: {  	v37 =	vadd.f32 v38, v37;
	v45 =	vld.idx.msk [tilespmem:v13+s13+$0x0 ss:$0x1], $0xffff;
	vm3 =	vge.f32 v34, v31  }
0x1da: {  	v46 =	vshrl.u32 v35, $0x17;
	v49 =	vld.idx.msk [tilespmem:v14+s13+$0x0 ss:$0x1], $0xffff;
	v31 =	vsel vm3, v34, v31;
	v47 =	vadd.f32 $4.000000060e-01, v44  }
0x1db: {  	v35 =	vand.u32 $0xFF, v46;
	v48 =	vperm.xlane v31, v0  }
0x1dc: {  	v32 =	vmul.f32 v37, v32;
	v35 =	vadd.s32 $0xFFFFFF81, v35;
	v34 =	vmul.f32 v47, v20  }
0x1dd: {  	vm4 =	veq.s32 v33, $0x0;
	v50 =	vcvt.s32.f32 v35;
	v51 =	vmax.f32 v31, v48  }
0x1de: {  	v32 =	vsel vm4, $0x0, v32;
	v53 =	vperm.xlane v51, v1;
	v34 =	vadd.f32 $6.666666860e-01, v34  }
0x1df: {  	v33 =	vmul.f32 $6.931471820e-01, v50;
	v52 =	vand.u32 $0xF, v45;
	vm11 =	veq.s32 v49, $0x2  }
0x1e0: {  	v25 =	vperm.xlane v25, v52;
	v54 =	vmax.f32 v51, v53;
	v20 =	vmul.f32 v34, v20  }
0x1e1: {  	vm5 =	veq.s32 v49, $0x1;
	v27 =	vperm.xlane v27, v52;
	v35 =	vperm.xlane v54, v2  }
0x1e2: {  	vm12 =	veq.s32 v49, $0x0;
	v23 =	vperm.xlane v23, v52;
	v20 =	vadd.f32 $2.000000000e+00, v20  }
0x1e3: {  	v24 =	vperm.xlane v24, v52;
	v25 =	vsel vm11, v25, v27;
	v27 =	vld.idx.msk [tilespmem:v15+s13+$0x0 ss:$0x1], $0xffff;
	v34 =	vmax.f32 v54, v35  }
0x1e4: {  	s25 =	sadd.s32 $0x10, s14;
	v23 =	vsel vm5, v23, v25;
	v16 =	vmul.f32 v20, v16;
	v20 =	vperm.xlane v34, v3  }
0x1e5: {  	vm13 =	vne.s32 v22, v21;
	v25 =	vor.u32 s25, v4;
	v23 =	vsel vm12, v24, v23  }
0x1e6: {  	vm14 =	vgt.f32 v30, v23;
	v16 =	vadd.f32 v16, v33;
	v20 =	vmax.f32 v34, v20  }
0x1e7: {  	v21 =	vsel vm3, v25, v29;
	vm3 =	vmand vm14, vm13;
	vm15 =	veq.f32 v31, v20  }
0x1e8: {  	v17 =	vnsel vm3, $0x0, v17;
	v16 =	vmul.f32 v16, v27;
	v21 =	vnsel vm15, $0xFFFFFFFF, v21  }
0x1e9: {  	v19 =	vadd.f32 v32, v19;
	vm3 =	veq.s32 v17, $0x0;
	v22 =	vperm.xlane v21, v0  }
0x1ea: {  	v16 =	vsel vm3, $0x0, v16  }
0x1eb: {  	v18 =	vadd.s32 v26, v18;
	v16 =	vadd.f32 v16, v19;
	vm3 =	vgt.s32 v21, v22  }
0x1ec: {  	v23 =	vperm.xlane v18, v0;
	v19 =	vsel vm3, v21, v22  }
0x1ed: {  	v21 =	vperm.xlane v19, v1;
	v22 =	vperm.xlane v16, v0  }
0x1ee: {  	v18 =	vadd.s32 v18, v23;
	v17 =	vadd.s32 v28, v17  }
0x1ef: {  	v24 =	vperm.xlane v18, v1;
	vm3 =	vgt.s32 v19, v21;
	v16 =	vadd.f32 v22, v16  }
0x1f0: {  	v22 =	vperm.xlane v17, v0;
	v19 =	vsel vm3, v19, v21  }
0x1f1: {  	v18 =	vadd.s32 v24, v18;
	v21 =	vperm.xlane v16, v1;
	v23 =	vperm.xlane v19, v2  }
0x1f2: {  	v17 =	vadd.s32 v17, v22;
	v22 =	vperm.xlane v18, v2  }
0x1f3: {  	v16 =	vadd.f32 v21, v16;
	vm3 =	vgt.s32 v19, v23;
	v21 =	vperm.xlane v17, v1  }
0x1f4: {  	v18 =	vadd.s32 v22, v18;
	v19 =	vsel vm3, v19, v23  }
0x1f5: {  	v22 =	vperm.xlane v18, v3;
	v23 =	vperm.xlane v16, v2;
	v17 =	vadd.s32 v21, v17  }
0x1f6: {  	v24 =	vperm.xlane v19, v3;
	v21 =	vperm.xlane v17, v2  }
0x1f7: {  	v18 =	vadd.s32 v22, v18;
	v16 =	vadd.f32 v23, v16  }
0x1f8: {  	s26 =	sld [smem:$0x7];
	vm3 =	vgt.s32 v19, v24;
	v18 =	vcvt.s32.f32 v18;
	v17 =	vadd.s32 v21, v17  }
0x1f9: {  	v19 =	vsel vm3, v19, v24;
	v23 =	vperm.xlane v16, v3;
	v21 =	vperm.xlane v17, v3  }
0x1fa: {  	v20 =	vnsel vm0, $0xFF800000, v20;
	v19 =	vcvt.s32.f32 v19  }
0x1fb: {  	s13 =	smul.u32 $0x1400, s26;
	[tilespmem:$0x4600] =	vst v20;
	v18 =	vnsel vm0, $0x0, v18;
	v16 =	vadd.f32 v23, v16;
	v17 =	vadd.s32 v21, v17  }
0x1fc: {  	[tilespmem:$0x4620] =	vst v18;
	v19 =	vnsel vm0, $0xBF800000, v19;
	v17 =	vcvt.s32.f32 v17  }
0x1fd: {  	s13 =	sshra.s32 s13, $0x2;
	[tilespmem:$0x4610] =	vst v19;
	v16 =	vnsel vm0, $0x0, v16  }
0x1fe: {  	s13 =	sadd.s32 s13, s4;
	[tilespmem:$0x4630] =	vst v16;
	v16 =	vnsel vm0, $0x0, v17  }
0x1ff: {  	s28 =	sadd.s32 s7, s13;
	[tilespmem:$0x4640] =	vst v16  }
0x200: {  	[spmem:s28] =	stream.linear.scatter [tilespmem:s8], [sflag:$0x2], $0x50, $0x38;
	[tilespmem:$0x47A8] =	vst v63  }
0x201: {  	_ =	swait.ge [sflag:s9], $0x50  }
0x202: {  	[sflag:s9] =	ssyncset.done $0x0  }
0x203: {  	[sflag:s9] =	ssyncadd.s32 $0xFFFFFFB0  }
0x204: {  	[bflag:$0x0] =	sbarrier.arrive $0xFFFF  }
0x205: {  	[tilespmem:s10], [sflag:$0x2] =	stream.linear.gather [spmem:s13], $0x500, $0x38;
	[tilespmem:$0x47A8] =	vst v63  }
0x206: {  	_ =	swait.ge [sflag:s9], $0x500  }
0x207: {  	[sflag:s9] =	ssyncset.done $0x0  }
0x208: {  	[sflag:s9] =	ssyncadd.s32 $0xFFFFFB00  }
0x209: {  	v16 =	vld [tilespmem:$0x4100]  }
0x20a: {  	v17 =	vld [tilespmem:$0x4110]  }
0x20b: {  	v18 =	vld [tilespmem:$0x4120]  }
0x20c: {  	v19 =	vld [tilespmem:$0x4150]  }
0x20d: {  	v20 =	vld [tilespmem:$0x4160]  }
0x20e: {  	v21 =	vld [tilespmem:$0x4170]  }
0x20f: {  	v22 =	vld [tilespmem:$0x41A0]  }
0x210: {  	v23 =	vld [tilespmem:$0x41B0]  }
0x211: {  	v24 =	vld [tilespmem:$0x41C0]  }
0x212: {  	v25 =	vld [tilespmem:$0x41F0]  }
0x213: {  	v26 =	vld [tilespmem:$0x4200]  }
0x214: {  	v27 =	vld [tilespmem:$0x4210]  }
0x215: {  	v28 =	vld [tilespmem:$0x4240]  }
0x216: {  	v29 =	vld [tilespmem:$0x4250]  }
0x217: {  	v30 =	vld [tilespmem:$0x4260]  }
0x218: {  	v31 =	vld [tilespmem:$0x4290]  }
0x219: {  	v55 =	vld [tilespmem:$0x42A0]  }
0x21a: {  	v56 =	vld [tilespmem:$0x42B0]  }
0x21b: {  	v57 =	vld [tilespmem:$0x42E0]  }
0x21c: {  	v58 =	vld [tilespmem:$0x42F0]  }
0x21d: {  	v59 =	vld [tilespmem:$0x4300]  }
0x21e: {  	v60 =	vld [tilespmem:$0x4330]  }
0x21f: {  	v61 =	vld [tilespmem:$0x4350]  }
0x220: {  	v62 =	vld [tilespmem:$0x4440];
	v18 =	vadd.f32 v21, v18  }
0x221: {  	v21 =	vld [tilespmem:$0x4340];
	v16 =	vmax.f32 v16, v19  }
0x222: {  	v16 =	vmax.f32 v16, v22;
	v22 =	vld [tilespmem:$0x43A0];
	v18 =	vadd.f32 v24, v18  }
0x223: {  	v24 =	vld [tilespmem:$0x4380]  }
0x224: {  	v16 =	vmax.f32 v16, v25;
	v25 =	vld [tilespmem:$0x43D0];
	v18 =	vadd.f32 v27, v18  }
0x225: {  	v16 =	vmax.f32 v16, v28;
	v28 =	vld [tilespmem:$0x4420]  }
0x226: {  	v27 =	vld [tilespmem:$0x43F0];
	v16 =	vmax.f32 v16, v31;
	v18 =	vadd.f32 v30, v18  }
0x227: {  	v16 =	vmax.f32 v16, v57;
	v30 =	vld [tilespmem:$0x4470]  }
0x228: {  	v31 =	vld [tilespmem:$0x44C0];
	v16 =	vmax.f32 v16, v60;
	v18 =	vadd.f32 v56, v18  }
0x229: {  	v16 =	vmax.f32 v16, v24;
	v24 =	vld [tilespmem:$0x4510]  }
0x22a: {  	v16 =	vmax.f32 v16, v25;
	v25 =	vld [tilespmem:$0x4560];
	v18 =	vadd.f32 v59, v18  }
0x22b: {  	v17 =	vmax.f32 v17, v20;
	v16 =	vmax.f32 v16, v28;
	v28 =	vld [tilespmem:$0x45B0]  }
0x22c: {  	v19 =	vld [tilespmem:$0x4390];
	v17 =	vmax.f32 v17, v23;
	v16 =	vmax.f32 v16, v30;
	v18 =	vadd.f32 v61, v18  }
0x22d: {  	v20 =	vld [tilespmem:$0x4430];
	v17 =	vmax.f32 v17, v26;
	v16 =	vmax.f32 v16, v31  }
0x22e: {  	v23 =	vld [tilespmem:$0x44E0];
	v17 =	vmax.f32 v17, v29;
	v16 =	vmax.f32 v16, v24;
	v18 =	vadd.f32 v22, v18  }
0x22f: {  	v17 =	vmax.f32 v17, v55;
	v30 =	vld [tilespmem:$0x4490];
	v16 =	vmax.f32 v16, v25  }
0x230: {  	v26 =	vld [tilespmem:$0x4530];
	v17 =	vmax.f32 v17, v58;
	v16 =	vmax.f32 v16, v28;
	v18 =	vadd.f32 v27, v18  }
0x231: {  	v17 =	vmax.f32 v17, v21;
	v21 =	vld [tilespmem:$0x4520];
	v25 =	vperm.xlane v16, v0  }
0x232: {  	v22 =	vld [tilespmem:$0x43E0];
	v18 =	vadd.f32 v62, v18  }
0x233: {  	v24 =	vld [tilespmem:$0x4480];
	v25 =	vmax.f32 v16, v25  }
0x234: {  	v28 =	vld [tilespmem:$0x4580];
	v29 =	vperm.xlane v25, v1;
	v18 =	vadd.f32 v30, v18  }
0x235: {  	v27 =	vld [tilespmem:$0x44D0]  }
0x236: {  	v17 =	vmax.f32 v17, v19;
	v19 =	vld [tilespmem:$0x45D0];
	v18 =	vadd.f32 v23, v18;
	v23 =	vmax.f32 v25, v29  }
0x237: {  	v17 =	vmax.f32 v17, v22;
	v22 =	vld [tilespmem:$0x4570];
	v25 =	vperm.xlane v23, v2  }
0x238: {  	v17 =	vmax.f32 v17, v20;
	v20 =	vld [tilespmem:$0x45C0];
	v18 =	vadd.f32 v26, v18  }
0x239: {  	v17 =	vmax.f32 v17, v24;
	v23 =	vmax.f32 v23, v25  }
0x23a: {  	v17 =	vmax.f32 v17, v27;
	v18 =	vadd.f32 v28, v18;
	v24 =	vperm.xlane v23, v3  }
0x23b: {  	v17 =	vmax.f32 v17, v21  }
0x23c: {  	v17 =	vmax.f32 v17, v22;
	v18 =	vadd.f32 v19, v18;
	v63 =	vmax.f32 v23, v24  }
0x23d: {  	v17 =	vmax.f32 v17, v20;
	vm3 =	veq.f32 v16, v63  }
0x23e: {  	v16 =	vperm.xlane v18, v0;
	v17 =	vnsel vm3, $0xBF800000, v17  }
0x23f: {  	v19 =	vperm.xlane v17, v0  }
0x240: {  	v18 =	vadd.f32 v16, v18  }
0x241: {  	v32 =	vld [tilespmem:$0x41E0];
	v19 =	vmax.f32 v17, v19  }
0x242: {  	v33 =	vld [tilespmem:$0x4230];
	v20 =	vperm.xlane v18, v1;
	v21 =	vperm.xlane v19, v1  }
0x243: {  	v35 =	vld [tilespmem:$0x4280]  }
0x244: {  	v37 =	vld [tilespmem:$0x42D0];
	v20 =	vadd.f32 v20, v18;
	v21 =	vmax.f32 v19, v21  }
0x245: {  	v38 =	vld [tilespmem:$0x4320];
	v23 =	vperm.xlane v21, v2  }
0x246: {  	v39 =	vld [tilespmem:$0x4370];
	v24 =	vperm.xlane v20, v2  }
0x247: {  	v40 =	vld [tilespmem:$0x43C0];
	v23 =	vmax.f32 v21, v23  }
0x248: {  	v41 =	vld [tilespmem:$0x4410];
	v24 =	vadd.f32 v24, v20;
	v25 =	vperm.xlane v23, v3  }
0x249: {  	v42 =	vld [tilespmem:$0x4460]  }
0x24a: {  	v43 =	vld [tilespmem:$0x44B0];
	v26 =	vperm.xlane v24, v3;
	v47 =	vmax.f32 v23, v25  }
0x24b: {  	v44 =	vld [tilespmem:$0x4500];
	(v2sf) =	vpush v47, $0x0  }
0x24c: {  	v45 =	vld [tilespmem:$0x4550];
	v48 =	vadd.f32 v26, v24;
	(v2sf) =	vpush v63, $0x1  }
0x24d: {  	v34 =	vld [tilespmem:$0x4590]  }
0x24e: {  	v46 =	vld [tilespmem:$0x45A0];
	(v2sf) =	vpush v48, $0x2  }
0x24f: {  	v36 =	vld [tilespmem:$0x45E0]  }
0x250: {  	v31 =	vld [tilespmem:$0x4540]  }
0x251: {  	v30 =	vld [tilespmem:$0x44F0]  }
0x252: {  	v29 =	vld [tilespmem:$0x4190]  }
0x253: {  	v27 =	vld [tilespmem:$0x4450]  }
0x254: {  	v22 =	vld [tilespmem:$0x4140]  }
0x255: {  	v28 =	vld [tilespmem:$0x44A0]  }
0x256: {  	v16 =	vld [tilespmem:$0x4130]  }
0x257: {  	v17 =	vld [tilespmem:$0x4180]  }
0x258: {  	v18 =	vld [tilespmem:$0x41D0]  }
0x259: {  	s29 =	sld [smem:$0x7];
	v19 =	vld [tilespmem:$0x4220]  }
0x25a: {  	v21 =	vld [tilespmem:$0x42C0];
	s30 =	spop (v2sf)  }
0x25b: {  	v20 =	vld [tilespmem:$0x4270];
	s15 =	spop (v2sf)  }
.Ltmp9:
0x25c: {  	s13 =	ssub.s32 $0x1, s29;
	v23 =	vld [tilespmem:$0x4310];
	s14 =	scvt.f32.s32 s30;
	(pc) =	sbr.rel @p1 .LBB2_15-.Ltmp9, $4  }
0x25d: {  	[smem:$0x7] =	sst s13;
	v25 =	vld [tilespmem:$0x43B0];
	s31 =	spop (v2sf)  }
0x25e: {  	v24 =	vld [tilespmem:$0x4360];
	v48 =	vsel vm1, v48, v63;
	[smem:$0x0] =	sst s14;
	s13 =	scvt.f32.s32 s31  }
0x25f: {  	v26 =	vld [tilespmem:$0x4400];
	v48 =	vsel vm2, v47, v48;
	[smem:$0x80] =	sst s15  }
0x260: {  	v47 =	vld [tilespmem:$0x45F0];
	[tilespmem:$0x4080] =	vst v48;
	[smem:$0x1] =	sst s13  }
0x261: {  	v22 =	vadd.f32 v29, v22;
	_ =	sdelay $0x1  }
0x262: {  	v22 =	vadd.f32 v32, v22;
	_ =	sdelay $0x1  }
0x263: {  	v22 =	vadd.f32 v33, v22;
	_ =	sdelay $0x1  }
0x264: {  	v22 =	vadd.f32 v35, v22;
	_ =	sdelay $0x1  }
0x265: {  	v22 =	vadd.f32 v37, v22;
	_ =	sdelay $0x1  }
0x266: {  	v22 =	vadd.f32 v38, v22;
	_ =	sdelay $0x1  }
0x267: {  	v22 =	vadd.f32 v39, v22;
	_ =	sdelay $0x1  }
0x268: {  	v22 =	vadd.f32 v40, v22;
	_ =	sdelay $0x1  }
0x269: {  	v22 =	vadd.f32 v41, v22;
	_ =	sdelay $0x1  }
0x26a: {  	v22 =	vadd.f32 v42, v22;
	_ =	sdelay $0x1  }
0x26b: {  	v22 =	vadd.f32 v43, v22;
	_ =	sdelay $0x1  }
0x26c: {  	v22 =	vadd.f32 v44, v22;
	_ =	sdelay $0x1  }
0x26d: {  	v22 =	vadd.f32 v45, v22;
	_ =	sdelay $0x1  }
0x26e: {  	v16 =	vadd.f32 v17, v16;
	v22 =	vadd.f32 v46, v22;
	_ =	sdelay $0x1  }
0x26f: {  	v16 =	vadd.f32 v18, v16;
	v17 =	vadd.f32 v47, v22;
	_ =	sdelay $0x1  }
0x270: {  	v16 =	vadd.f32 v19, v16;
	v62 =	vperm.xlane v17, v0;
	_ =	sdelay $0x1  }
0x271: {  	v16 =	vadd.f32 v20, v16;
	v17 =	vadd.f32 v62, v17;
	_ =	sdelay $0x1  }
0x272: {  	v16 =	vadd.f32 v21, v16;
	v18 =	vperm.xlane v17, v1;
	_ =	sdelay $0x1  }
0x273: {  	v16 =	vadd.f32 v23, v16;
	v17 =	vadd.f32 v18, v17;
	_ =	sdelay $0x1  }
0x274: {  	v16 =	vadd.f32 v24, v16;
	v18 =	vperm.xlane v17, v2;
	_ =	sdelay $0x1  }
0x275: {  	v16 =	vadd.f32 v25, v16;
	v17 =	vadd.f32 v18, v17;
	_ =	sdelay $0x1  }
0x276: {  	v16 =	vadd.f32 v26, v16;
	v18 =	vperm.xlane v17, v3;
	_ =	sdelay $0x1  }
0x277: {  	v16 =	vadd.f32 v27, v16;
	v17 =	vadd.f32 v18, v17;
	_ =	sdelay $0x1  }
0x278: {  	v16 =	vadd.f32 v28, v16;
	(v2sf) =	vpush v17, $0x0;
	_ =	sdelay $0x1  }
0x279: {  	v16 =	vadd.f32 v30, v16;
	_ =	sdelay $0x1  }
0x27a: {  	v16 =	vadd.f32 v31, v16;
	_ =	sdelay $0x1  }
0x27b: {  	v16 =	vadd.f32 v34, v16;
	_ =	sdelay $0x1  }
0x27c: {  	v16 =	vadd.f32 v36, v16;
	_ =	sdelay $0x1  }
0x27d: {  	v17 =	vperm.xlane v16, v0;
	_ =	sdelay $0x1  }
0x27e: {  	v16 =	vadd.f32 v17, v16;
	_ =	sdelay $0x1  }
0x27f: {  	v17 =	vperm.xlane v16, v1  }
0x280: {  	s13 =	spop (v2sf)  }
0x281: {  	v16 =	vadd.f32 v17, v16;
	s14 =	smax.f32 s13, $1.000000000e+00  }
0x282: {  	v17 =	vmov s14  }
0x283: {  	v63 =	vperm.xlane v16, v2;
	(erf) = vrcp.f32 v17;
	_ =	sdelay $0x1  }
0x284: {  	v16 =	vadd.f32 v63, v16;
	_ =	sdelay $0x1  }
0x285: {  	v17 =	vperm.xlane v16, v3;
	_ =	sdelay $0x1  }
0x286: {  	v16 =	vadd.f32 v17, v16;
	_ =	sdelay $0x1  }
0x287: {  	v16 =	vbroadcast v16, $0x0  }
0x288: {  	v17 =	vpop (erf)  }
0x289: {  	v16 =	vmul.f32 v17, v16;
	_ =	sdelay $0x1  }
0x28a: {  	(v2sf) =	vpush v16, $0x0;
	_ =	sdelay $0xd  }
0x28b: {  	p2 =	sgt.f32 s13, $5.000000000e-01  }
0x28c: {  	s30 =	sld [smem:$0x82];
	s15 =	spop (v2sf)  }
0x28d: {  	p3 =	sne.s32 s12, $0x1;
	s15 =	simm.s32 @!p2 $0x0  }
0x28e: {  	s15 =	simm.s32 @!p3 $0x0  }
0x28f: {  	s31 =	sadd.f32 s15, s30;
	_ =	sdelay $0x1  }
0x290: {  	[smem:$0x82] =	sst s31  }
0x291: {  	s12 =	sld [smem:$0x3]  }
0x292: {  	s13 =	scvt.f32.s32 s13;
	_ =	sdelay $0x1  }
0x293: {  	s12 =	sadd.s32 s13, s12  }
0x294: {  	[tilespmem:$0x4080] =	vst v16;
	[smem:$0x3] =	sst s12  }
.LBB2_15:
0x295: {  	s11 =	sadd.s32 $0x1, s11  }
0x296: {  	p2 =	sne.s32 s11, $0x10  }
.Ltmp10:
0x297: {  	_ = 	snop;
	(pc) =	sbr.rel @!p2 .LBB2_16-.Ltmp10, $1  }
0x298: {  	_ =	sdelay $0x3  }
.Ltmp11:
0x299: {  	(pc) =	sbr.rel .LBB2_8-.Ltmp11, $2  }
0x29a: {  	_ = 	snop  }
0x29b: {  	s12 =	sld [smem:$0x1];
	_ =	sdelay $0x2  }
.LBB2_17:
0x29c: {  	p1 =	sne.s32 @p0 s1, $0x0  }
0x29d: {  	p1 =	por p1, !p0  }
0x29e: {  	[bflag:$0x0] =	sbarrier.arrive @p0 $0xFFFF;
	s4 =	simm.s32 @!p1 $0x4680  }
0x29f: {  	[tilespmem:s4], [sflag:$0x2] =	stream.linear.gather @!p1 [spmem:s2], $0x80, $0x38;
	[tilespmem:$0x47A8] =	vst v63  }
0x2a0: {  	s4 =	simm.s32 @!p1 $0x2  }
0x2a1: {  	_ =	swait.ge @!p1 [sflag:s4], $0x80  }
0x2a2: {  	[sflag:s4] =	ssyncset.done @!p1 $0x0  }
0x2a3: {  	[sflag:s4] =	ssyncadd.s32 @!p1 $0xFFFFFF80  }
0x2a4: {  	v0 =	vld @!p1 [tilespmem:$0x4680];
	_ =	sdelay $0x4  }
0x2a5: {  	(v2sf) =	vpush @!p1 v0, $0x1;
	_ =	sdelay $0xb  }
0x2a6: {  	s5 =	sld @!p1 [smem:$0x3];
	_ =	sdelay $0x2  }
0x2a7: {  	s5 =	scvt.s32.f32 @!p1 s5;
	s6 =	spop @!p1 (v2sf)  }
0x2a8: {  	s6 =	sadd.f32 @!p1 $9.999999970e-07, s6  }
0x2a9: {  	s5 =	sadd.f32 @!p1 $9.999999970e-07, s5  }
0x2aa: {  	v1 =	vmov @!p1 s6  }
0x2ab: {  	(erf) = vrcp.f32 @!p1 v1;
	v1 =	vmov @!p1 s5  }
0x2ac: {  	(erf) = vrcp.f32 @!p1 v1;
	_ =	sdelay $0x6  }
0x2ad: {  	v0 =	vbroadcast @!p1 v0, $0x0;
	s5 =	sld @!p1 [smem:$0x82]  }
0x2ae: {  	v1 =	vpop @!p1 (erf)  }
0x2af: {  	v0 =	vmul.f32 @!p1 v1, v0;
	v1 =	vpop @!p1 (erf)  }
0x2b0: {  	vm0 =	vcmask @!p1 $0x3F08;
	v1 =	vmul.f32 @!p1 s5, v1  }
0x2b1: {  	v0 =	vsel @!p1 vm0, $0x0, v0;
	vm0 =	vmmov @!p1 $0x1  }
0x2b2: {  	v0 =	vsel @!p1 vm0, v1, v0  }
0x2b3: {  	s6 =	simm.s32 @!p1 $0x4000;
	s5 =	simm.s32 @!p1 $0x0;
	[tilespmem:$0x4000] =	vst @!p1 v0  }
0x2b4: {  	[hbm4b:s3+s5] =	stream.linear.scatter @!p1 [tilespmem:s6], [sflag:$0x2], $0x80, $0x38;
	[tilespmem:$0x47A8] =	vst v63  }
0x2b5: {  	_ =	swait.ge @!p1 [sflag:s4], $0x80  }
0x2b6: {  	[sflag:s4] =	ssyncset.done @!p1 $0x0  }
0x2b7: {  	[sflag:s4] =	ssyncadd.s32 @!p1 $0xFFFFFF80  }
0x2b8: {  	s3 =	sld @!p0 [smem:$0x2];
	_ =	sdelay $0x2  }
0x2b9: {  	s4 =	sld @!p0 [smem:$0x81];
	s3 =	scvt.s32.f32 @!p0 s3  }
0x2ba: {  	v0 =	vlaneseq.u32 @!p0  }
0x2bb: {  	vm0 =	veq.s32 @!p0 v0, $0x0;
	v1 =	vmov @!p0 s3  }
0x2bc: {  	v0 =	vsel @!p0 vm0, s4, v1  }
0x2bd: {  	s3 =	simm.s32 @!p0 $0x4080;
	[tilespmem:$0x4080] =	vst @!p0 v0  }
0x2be: {  	[spmem:s2] =	stream.linear.scatter @!p0 [tilespmem:s3], [sflag:$0x2], $0x80, $0x38;
	[tilespmem:$0x47A8] =	vst v63  }
0x2bf: {  	s2 =	simm.s32 @!p0 $0x2  }
0x2c0: {  	_ =	swait.ge @!p0 [sflag:s2], $0x80  }
0x2c1: {  	[sflag:s2] =	ssyncset.done @!p0 $0x0  }
0x2c2: {  	[sflag:s2] =	ssyncadd.s32 @!p0 $0xFFFFFF80  }
0x2c3: {  	[bflag:$0x0] =	sbarrier.arrive @!p0 $0xFFFF  }
.LBB2_18:
0x2c4: {  	_ =	sfence.sel $0x180000  }
0x2c5: {  	[bflag:$0x0] =	sbarrier.arrive $0xFFFF  }
0x2c6: {  	p0 =	sne.s32 s1, $0x0;
	_ =	strace $0x90000047  }
0x2c7: {  	s0 =	sadd.s32 @!p0 $0x100000, s0;
	[bflag:$0x2] =	sbarrier.arrive $0xFFFF  }
0x2c8: {  	[sflag:s0] =	ssyncadd.tile.s32 @!p0 $0x1;
	_ =	shalt  }
.Lfunc_end2:
_tile_overlayer_lowered:
.L_overlay_start_2:
0x2c9: {  	(tag) =	ssettag $0x2  }
0x2ca: {  	s0 =	rddreg [dreg:$0x0];
	s2 =	stileid.u32  }
0x2cb: {  	s1 =	rddreg [dreg:$0x1];
	p0 =	sne.s32 s2, $0x0  }
0x2cc: {  	s3 =	rddreg [dreg:$0x2];
	[bflag:$0x3] =	sbarrier.arrive $0xFFFF;
	s2 =	simm.s32 @!p0 $0x1C02  }
0x2cd: {  	[timem:s3], [sflag:s2] =	dma.local @!p0 [hbm:s0], s1  }
0x2ce: {  	s0 =	simm.s32 @!p0 $0x2  }
0x2cf: {  	_ =	swait.ge @!p0 [sflag:s0], s1  }
0x2d0: {  	s1 =	ssub.s32 @!p0 $0x0, s1;
	[sflag:s0] =	ssyncset.done @!p0 $0x0  }
0x2d1: {  	[sflag:s0] =	ssyncadd.s32 @!p0 s1  }
0x2d2: {  	[bflag:$0x3] =	sbarrier.arrive $0xFFFF  }
0x2d3: {  	_ =	shalt  }

</sc_bundles>
